<compile_context>
chip_gen: v7x
topology: tpu7x:2x2x1
jax: 0.10.2.dev20260603
libtpu: 0.0.44.dev20260713+nightly
codegen_flags: <defaults>
</compile_context>

<pallas_src>
import functools

import jax
import jax.numpy as jnp
from jax import lax
from jax.experimental import pallas as pl
from jax.experimental.pallas import tpu as pltpu
from jax.experimental.pallas import tpu_sc as plsc

NUM_CORES = 2
NUM_SUBCORES = 16
NUM_WORKERS = NUM_CORES * NUM_SUBCORES

LANES = 16
SUBLANES = 8
PAIR_ILV = 1
D_ILV = 8


def _sc_embed_tiled(idx_w, table_flat, dim):
    _, hist, bcol = idx_w.shape
    stride = dim + 1
    n_bvecs = bcol // LANES
    d_hi = dim // SUBLANES
    assert hist % 2 == 0 and dim % D_ILV == 0

    mesh = plsc.VectorSubcoreMesh(core_axis_name="c", subcore_axis_name="s")

    @functools.partial(
        pl.kernel,
        out_type=jax.ShapeDtypeStruct(
            (hist * d_hi, NUM_WORKERS, SUBLANES, 128), jnp.float32),
        mesh=mesh,
        scratch_types=[
            pltpu.VMEM(table_flat.shape, jnp.float32),
            pltpu.VMEM((hist, bcol), jnp.int32),
            pltpu.VMEM((d_hi, SUBLANES, 128), jnp.float32),
            pltpu.VMEM((d_hi, SUBLANES, 128), jnp.float32),
            pltpu.SemaphoreType.DMA,
            pltpu.SemaphoreType.DMA,
        ],
        compiler_params=pltpu.CompilerParams(use_tc_tiling_on_sc=False,
                                             needs_layout_passes=False),
    )
    def k(table_hbm, idxt_hbm, out_hbm, table_v, idx_v, buf0, buf1,
          o0sem, o1sem):
        wid = lax.axis_index("s") * NUM_CORES + lax.axis_index("c")

        pltpu.sync_copy(table_hbm, table_v)
        pltpu.sync_copy(idxt_hbm.at[wid], idx_v)

        def compute(t, buf):
            @plsc.parallel_loop(0, n_bvecs, step=PAIR_ILV)
            def v_body(v0):
                bases = []
                for p in range(PAIR_ILV):
                    idx16 = idx_v[t, pl.ds((v0 + p) * LANES, LANES)]
                    bases.append(idx16 * stride)
                for d0 in range(0, dim, D_ILV):
                    vals = [
                        plsc.load_gather(table_v, [bases[p] + (d0 + j)])
                        for j in range(D_ILV) for p in range(PAIR_ILV)
                    ]
                    i = 0
                    for j in range(D_ILV):
                        d = d0 + j
                        for p in range(PAIR_ILV):
                            buf[d // SUBLANES, d % SUBLANES,
                                pl.ds((v0 + p) * LANES, LANES)] = vals[i]
                            i += 1

        def fire_out(t, buf, sem):
            pltpu.async_copy(
                buf, out_hbm.at[pl.ds(t * d_hi, d_hi), wid], sem)

        def wait_out(buf, sem):
            pltpu.make_async_copy(
                buf, out_hbm.at[pl.ds(0, d_hi), 0], sem).wait()

        def body(i, carry):
            @pl.when(i > 0)
            def _():
                wait_out(buf0, o0sem)
                wait_out(buf1, o1sem)

            compute(2 * i, buf0)
            fire_out(2 * i, buf0, o0sem)
            compute(2 * i + 1, buf1)
            fire_out(2 * i + 1, buf1, o1sem)
            return carry

        lax.fori_loop(0, hist // 2, body, 0)
        wait_out(buf0, o0sem)
        wait_out(buf1, o1sem)

    return k(table_flat, idx_w)


def kernel(inputs, table):
    b, t = inputs.shape
    vocab, dim = table.shape
    idx_w = inputs.astype(jnp.int32).T.reshape(
        t, NUM_WORKERS, b // NUM_WORKERS).transpose(1, 0, 2)
    table_flat = jnp.pad(table, ((0, 0), (0, 1))).reshape(-1)
    out4 = _sc_embed_tiled(idx_w, table_flat, dim)
    out5 = out4.reshape(t, dim // 8, b // 128, 8, 128)
    return out5.transpose(2, 4, 0, 1, 3).reshape(b, t, dim)

# --- scband reference (transcript-rebuilt; emitter-appended) ---
"""Pipeline reference for scband-word-embedding-5583457485431 (READ-ONLY COPY).

The authoritative reference and input builder live on the scoring server;
editing this copy changes nothing except your own understanding.
"""

import jax, jax.numpy as jnp
import numpy as np

BATCH = 4096
HIST_LEN = 200
VOCAB_SIZE = 129  # 128 vocabulary words + 1 [UNK] OOV token (StringLookup vocabulary_size)
OUTPUT_DIM = 64


def setup_inputs(seed: int = 0) -> dict:
    key = jax.random.key(seed)
    k_idx, k_tab = jax.random.split(key)
    # with_prep=False -> module consumes int64 token indices directly
    inputs = jax.random.randint(k_idx, (BATCH, HIST_LEN), 0, VOCAB_SIZE)
    # keras 'uniform' embeddings_initializer: U(-0.05, 0.05)
    table = jax.random.uniform(k_tab, (VOCAB_SIZE, OUTPUT_DIM), minval=-0.05, maxval=0.05, dtype=jnp.float32)
    return {"inputs": inputs, "table": table}


def reference(inputs, table):
    # WordEmbedding.call with with_prep=False and embed_type='dense_auto' is a
    # plain dense embedding lookup: embed(inputs) == gather rows of the table.
    return jnp.take(table, inputs, axis=0)

if __name__ == "__main__":
    import jax
    _d = setup_inputs()
    print(jax.jit(kernel)(*tuple(_d.values())))

</pallas_src>

<mosaic_0001>
#map = affine_map<(d0, d1) -> (0)>
#map1 = affine_map<(d0, d1) -> (0, 0, 0)>
#map2 = affine_map<(d0, d1) -> (0, 0, 0, 0)>
module attributes {stable_mosaic.version = 14 : i64} {
  func.func @k(%arg0: i32, %arg1: i32, %arg2: memref<8385xf32, #tpu.memory_space<hbm>>, %arg3: memref<32x200x128xi32, #tpu.memory_space<hbm>>, %arg4: memref<1600x32x8x128xf32, #tpu.memory_space<hbm>>, %arg5: memref<8385xf32, #tpu.memory_space<vmem>>, %arg6: memref<200x128xi32, #tpu.memory_space<vmem>>, %arg7: memref<8x8x128xf32, #tpu.memory_space<vmem>>, %arg8: memref<8x8x128xf32, #tpu.memory_space<vmem>>, %arg9: memref<!tpu.dma_semaphore, #tpu.memory_space<semaphore_mem>>, %arg10: memref<!tpu.dma_semaphore, #tpu.memory_space<semaphore_mem>>) attributes {dimension_semantics = [#tpu.dimension_semantics<core_parallel>, #tpu.dimension_semantics<subcore_parallel>], iteration_bounds = array<i64: 2, 16>, scalar_prefetch = 0 : i64, scratch_operands = 6 : i64, tpu.core_type = #tpu.core_type<sc_vector_subcore>, window_params = [{transform_indices = #map}, {transform_indices = #map1}, {transform_indices = #map2}]} {
    %mul3A = arith.constant 2 : i32
    %mul3A_0 = arith.muli %arg1, %mul3A : i32
    %add3A = arith.addi %mul3A_0, %arg0 : i32
    "tpu.region"() ({
      %run_scoped3A = tpu.sem_alloc : memref<!tpu.dma_semaphore, #tpu.memory_space<semaphore_mem>>
      tpu.enqueue_dma source(%arg2 : memref<8385xf32, #tpu.memory_space<hbm>>) target(%arg5 : memref<8385xf32, #tpu.memory_space<vmem>>) target_semaphore(%run_scoped3A : memref<!tpu.dma_semaphore, #tpu.memory_space<semaphore_mem>>)
      tpu.wait_dma2 semaphore(%run_scoped3A : memref<!tpu.dma_semaphore, #tpu.memory_space<semaphore_mem>>) src(%arg2 : memref<8385xf32, #tpu.memory_space<hbm>>) dst(%arg5 : memref<8385xf32, #tpu.memory_space<vmem>>)
      tpu.yield
    }) : () -> ()
    "tpu.region"() ({
      %run_scoped3A = tpu.sem_alloc : memref<!tpu.dma_semaphore, #tpu.memory_space<semaphore_mem>>
      %dma_start3A = arith.constant 0 : i32
      %dma_start3A_27 = arith.constant 0 : i32
      %dma_start3A_28 = tpu.memref_slice %arg3[%add3A, %dma_start3A, %dma_start3A_27] : memref<32x200x128xi32, #tpu.memory_space<hbm>> -> memref<1x200x128xi32, #tpu.memory_space<hbm>>
      %dma_start3A_29 = tpu.memref_squeeze %dma_start3A_28 : memref<1x200x128xi32, #tpu.memory_space<hbm>> -> memref<200x128xi32, #tpu.memory_space<hbm>>
      %dma_start3A_30 = arith.constant 0 : i32
      %dma_start3A_31 = arith.constant 0 : i32
      %dma_start3A_32 = tpu.memref_slice %arg3[%add3A, %dma_start3A_30, %dma_start3A_31] : memref<32x200x128xi32, #tpu.memory_space<hbm>> -> memref<1x200x128xi32, #tpu.memory_space<hbm>>
      %dma_start3A_33 = tpu.memref_squeeze %dma_start3A_32 : memref<1x200x128xi32, #tpu.memory_space<hbm>> -> memref<200x128xi32, #tpu.memory_space<hbm>>
      tpu.enqueue_dma source(%dma_start3A_33 : memref<200x128xi32, #tpu.memory_space<hbm>>) target(%arg6 : memref<200x128xi32, #tpu.memory_space<vmem>>) target_semaphore(%run_scoped3A : memref<!tpu.dma_semaphore, #tpu.memory_space<semaphore_mem>>)
      %dma_wait3A_34 = arith.constant 0 : i32
      %dma_wait3A_35 = arith.constant 0 : i32
      %dma_wait3A_36 = tpu.memref_slice %arg3[%add3A, %dma_wait3A_34, %dma_wait3A_35] : memref<32x200x128xi32, #tpu.memory_space<hbm>> -> memref<1x200x128xi32, #tpu.memory_space<hbm>>
      %dma_wait3A_37 = tpu.memref_squeeze %dma_wait3A_36 : memref<1x200x128xi32, #tpu.memory_space<hbm>> -> memref<200x128xi32, #tpu.memory_space<hbm>>
      %dma_wait3A_38 = arith.constant 0 : i32
      %dma_wait3A_39 = arith.constant 0 : i32
      %dma_wait3A_40 = tpu.memref_slice %arg3[%add3A, %dma_wait3A_38, %dma_wait3A_39] : memref<32x200x128xi32, #tpu.memory_space<hbm>> -> memref<1x200x128xi32, #tpu.memory_space<hbm>>
      %dma_wait3A_41 = tpu.memref_squeeze %dma_wait3A_40 : memref<1x200x128xi32, #tpu.memory_space<hbm>> -> memref<200x128xi32, #tpu.memory_space<hbm>>
      tpu.wait_dma2 semaphore(%run_scoped3A : memref<!tpu.dma_semaphore, #tpu.memory_space<semaphore_mem>>) src(%dma_wait3A_41 : memref<200x128xi32, #tpu.memory_space<hbm>>) dst(%arg6 : memref<200x128xi32, #tpu.memory_space<vmem>>)
      tpu.yield
    }) : () -> ()
    %scan3A = arith.constant 0 : i32
    %scan3A_1 = arith.constant 0 : i32
    %scan3A_2 = arith.constant 100 : i32
    %scan3A_3 = arith.addi %scan3A_1, %scan3A_2 : i32
    %scan3A_4 = arith.constant 1 : i32
    scf.for %scan3A_27 = %scan3A_1 to %scan3A_3 step %scan3A_4  : i32 {
      %gt3A = arith.constant 0 : i32
      %gt3A_28 = arith.cmpi sgt, %scan3A_27, %gt3A : i32
      %convert_element_type3A = arith.extui %gt3A_28 : i1 to i32
      %cond3A = arith.constant 0 : i32
      %cond3A_29 = arith.cmpi ne, %convert_element_type3A, %cond3A : i32
      scf.if %cond3A_29 {
        %dma_wait3A_66 = arith.constant 0 : i32
        %dma_wait3A_67 = arith.constant 0 : i32
        %dma_wait3A_68 = arith.constant 0 : i32
        %dma_wait3A_69 = arith.constant 0 : i32
        %dma_wait3A_70 = tpu.memref_slice %arg4[%dma_wait3A_67, %dma_wait3A_66, %dma_wait3A_68, %dma_wait3A_69] : memref<1600x32x8x128xf32, #tpu.memory_space<hbm>> -> memref<8x1x8x128xf32, #tpu.memory_space<hbm>>
        %dma_wait3A_71 = tpu.memref_squeeze %dma_wait3A_70 : memref<8x1x8x128xf32, #tpu.memory_space<hbm>> -> memref<8x8x128xf32, #tpu.memory_space<hbm>>
        %dma_wait3A_72 = arith.constant 0 : i32
        %dma_wait3A_73 = arith.constant 0 : i32
        %dma_wait3A_74 = arith.constant 0 : i32
        %dma_wait3A_75 = tpu.memref_slice %arg4[%dma_wait3A_72, %dma_wait3A_66, %dma_wait3A_73, %dma_wait3A_74] : memref<1600x32x8x128xf32, #tpu.memory_space<hbm>> -> memref<8x1x8x128xf32, #tpu.memory_space<hbm>>
        %dma_wait3A_76 = tpu.memref_squeeze %dma_wait3A_75 : memref<8x1x8x128xf32, #tpu.memory_space<hbm>> -> memref<8x8x128xf32, #tpu.memory_space<hbm>>
        tpu.wait_dma2 semaphore(%arg9 : memref<!tpu.dma_semaphore, #tpu.memory_space<semaphore_mem>>) src(%arg7 : memref<8x8x128xf32, #tpu.memory_space<vmem>>) dst(%dma_wait3A_76 : memref<8x8x128xf32, #tpu.memory_space<hbm>>)
        %dma_wait3A_77 = arith.constant 0 : i32
        %dma_wait3A_78 = arith.constant 0 : i32
        %dma_wait3A_79 = arith.constant 0 : i32
        %dma_wait3A_80 = arith.constant 0 : i32
        %dma_wait3A_81 = tpu.memref_slice %arg4[%dma_wait3A_78, %dma_wait3A_77, %dma_wait3A_79, %dma_wait3A_80] : memref<1600x32x8x128xf32, #tpu.memory_space<hbm>> -> memref<8x1x8x128xf32, #tpu.memory_space<hbm>>
        %dma_wait3A_82 = tpu.memref_squeeze %dma_wait3A_81 : memref<8x1x8x128xf32, #tpu.memory_space<hbm>> -> memref<8x8x128xf32, #tpu.memory_space<hbm>>
        %dma_wait3A_83 = arith.constant 0 : i32
        %dma_wait3A_84 = arith.constant 0 : i32
        %dma_wait3A_85 = arith.constant 0 : i32
        %dma_wait3A_86 = tpu.memref_slice %arg4[%dma_wait3A_83, %dma_wait3A_77, %dma_wait3A_84, %dma_wait3A_85] : memref<1600x32x8x128xf32, #tpu.memory_space<hbm>> -> memref<8x1x8x128xf32, #tpu.memory_space<hbm>>
        %dma_wait3A_87 = tpu.memref_squeeze %dma_wait3A_86 : memref<8x1x8x128xf32, #tpu.memory_space<hbm>> -> memref<8x8x128xf32, #tpu.memory_space<hbm>>
        tpu.wait_dma2 semaphore(%arg10 : memref<!tpu.dma_semaphore, #tpu.memory_space<semaphore_mem>>) src(%arg8 : memref<8x8x128xf32, #tpu.memory_space<vmem>>) dst(%dma_wait3A_87 : memref<8x8x128xf32, #tpu.memory_space<hbm>>)
      } else {
      }
      %mul3A_30 = arith.constant 2 : i32
      %mul3A_31 = arith.muli %mul3A_30, %scan3A_27 : i32
      %parallel_loop3A = arith.constant 0 : i32
      %parallel_loop3A_32 = arith.constant 8 : i32
      %parallel_loop3A_33 = arith.constant 1 : i32
      scf.for %parallel_loop3A_66 = %parallel_loop3A to %parallel_loop3A_32 step %parallel_loop3A_33  : i32 {
        %parallel_loop3A_67 = arith.constant 0 : i32
        %parallel_loop3A_68 = arith.addi %parallel_loop3A_66, %parallel_loop3A_67 : i32
        %parallel_loop3A_69 = arith.constant 16 : i32
        %parallel_loop3A_70 = arith.muli %parallel_loop3A_68, %parallel_loop3A_69 : i32
        %parallel_loop3A_71 = arith.index_cast %mul3A_31 : i32 to index
        %parallel_loop3A_72 = arith.index_cast %parallel_loop3A_70 : i32 to index
        %parallel_loop3A_73 = tpu.vector_load %arg6[%parallel_loop3A_71, %parallel_loop3A_72] {strides = array<i32>} : memref<200x128xi32, #tpu.memory_space<vmem>>, vector<16xi32>,
        %parallel_loop3A_74 = arith.constant 65 : i32
        %parallel_loop3A_75 = vector.broadcast %parallel_loop3A_74 : i32 to vector<16xi32>
        %parallel_loop3A_76 = arith.muli %parallel_loop3A_73, %parallel_loop3A_75 : vector<16xi32>
        %parallel_loop3A_77 = arith.constant 0 : i32
        %parallel_loop3A_78 = vector.broadcast %parallel_loop3A_77 : i32 to vector<16xi32>
        %parallel_loop3A_79 = arith.addi %parallel_loop3A_76, %parallel_loop3A_78 : vector<16xi32>
        %parallel_loop3A_80 = tpu.vector_load_idx %arg5[%parallel_loop3A_79] : memref<8385xf32, #tpu.memory_space<vmem>>[vector<16xi32>], vector<16xf32>,
        %parallel_loop3A_81 = arith.constant 1 : i32
        %parallel_loop3A_82 = vector.broadcast %parallel_loop3A_81 : i32 to vector<16xi32>
        %parallel_loop3A_83 = arith.addi %parallel_loop3A_76, %parallel_loop3A_82 : vector<16xi32>
        %parallel_loop3A_84 = tpu.vector_load_idx %arg5[%parallel_loop3A_83] : memref<8385xf32, #tpu.memory_space<vmem>>[vector<16xi32>], vector<16xf32>,
        %parallel_loop3A_85 = arith.constant 2 : i32
        %parallel_loop3A_86 = vector.broadcast %parallel_loop3A_85 : i32 to vector<16xi32>
        %parallel_loop3A_87 = arith.addi %parallel_loop3A_76, %parallel_loop3A_86 : vector<16xi32>
        %parallel_loop3A_88 = tpu.vector_load_idx %arg5[%parallel_loop3A_87] : memref<8385xf32, #tpu.memory_space<vmem>>[vector<16xi32>], vector<16xf32>,
        %parallel_loop3A_89 = arith.constant 3 : i32
        %parallel_loop3A_90 = vector.broadcast %parallel_loop3A_89 : i32 to vector<16xi32>
        %parallel_loop3A_91 = arith.addi %parallel_loop3A_76, %parallel_loop3A_90 : vector<16xi32>
        %parallel_loop3A_92 = tpu.vector_load_idx %arg5[%parallel_loop3A_91] : memref<8385xf32, #tpu.memory_space<vmem>>[vector<16xi32>], vector<16xf32>,
        %parallel_loop3A_93 = arith.constant 4 : i32
        %parallel_loop3A_94 = vector.broadcast %parallel_loop3A_93 : i32 to vector<16xi32>
        %parallel_loop3A_95 = arith.addi %parallel_loop3A_76, %parallel_loop3A_94 : vector<16xi32>
        %parallel_loop3A_96 = tpu.vector_load_idx %arg5[%parallel_loop3A_95] : memref<8385xf32, #tpu.memory_space<vmem>>[vector<16xi32>], vector<16xf32>,
        %parallel_loop3A_97 = arith.constant 5 : i32
        %parallel_loop3A_98 = vector.broadcast %parallel_loop3A_97 : i32 to vector<16xi32>
        %parallel_loop3A_99 = arith.addi %parallel_loop3A_76, %parallel_loop3A_98 : vector<16xi32>
        %parallel_loop3A_100 = tpu.vector_load_idx %arg5[%parallel_loop3A_99] : memref<8385xf32, #tpu.memory_space<vmem>>[vector<16xi32>], vector<16xf32>,
        %parallel_loop3A_101 = arith.constant 6 : i32
        %parallel_loop3A_102 = vector.broadcast %parallel_loop3A_101 : i32 to vector<16xi32>
        %parallel_loop3A_103 = arith.addi %parallel_loop3A_76, %parallel_loop3A_102 : vector<16xi32>
        %parallel_loop3A_104 = tpu.vector_load_idx %arg5[%parallel_loop3A_103] : memref<8385xf32, #tpu.memory_space<vmem>>[vector<16xi32>], vector<16xf32>,
        %parallel_loop3A_105 = arith.constant 7 : i32
        %parallel_loop3A_106 = vector.broadcast %parallel_loop3A_105 : i32 to vector<16xi32>
        %parallel_loop3A_107 = arith.addi %parallel_loop3A_76, %parallel_loop3A_106 : vector<16xi32>
        %parallel_loop3A_108 = tpu.vector_load_idx %arg5[%parallel_loop3A_107] : memref<8385xf32, #tpu.memory_space<vmem>>[vector<16xi32>], vector<16xf32>,
        %parallel_loop3A_109 = arith.constant 0 : i32
        %parallel_loop3A_110 = arith.addi %parallel_loop3A_66, %parallel_loop3A_109 : i32
        %parallel_loop3A_111 = arith.constant 16 : i32
        %parallel_loop3A_112 = arith.muli %parallel_loop3A_110, %parallel_loop3A_111 : i32
        %parallel_loop3A_113 = arith.constant 0 : i32
        %parallel_loop3A_114 = arith.constant 0 : i32
        %parallel_loop3A_115 = arith.index_cast %parallel_loop3A_113 : i32 to index
        %parallel_loop3A_116 = arith.index_cast %parallel_loop3A_114 : i32 to index
        %parallel_loop3A_117 = arith.index_cast %parallel_loop3A_112 : i32 to index
        %parallel_loop3A_118 = tpu.vector_load %arg7[%parallel_loop3A_115, %parallel_loop3A_116, %parallel_loop3A_117] {strides = array<i32>} : memref<8x8x128xf32, #tpu.memory_space<vmem>>, vector<16xf32>,
        tpu.vector_store %arg7[%parallel_loop3A_115, %parallel_loop3A_116, %parallel_loop3A_117], %parallel_loop3A_80 {strides = array<i32>} : memref<8x8x128xf32, #tpu.memory_space<vmem>>, vector<16xf32>,
        %parallel_loop3A_119 = arith.constant 0 : i32
        %parallel_loop3A_120 = arith.addi %parallel_loop3A_66, %parallel_loop3A_119 : i32
        %parallel_loop3A_121 = arith.constant 16 : i32
        %parallel_loop3A_122 = arith.muli %parallel_loop3A_120, %parallel_loop3A_121 : i32
        %parallel_loop3A_123 = arith.constant 0 : i32
        %parallel_loop3A_124 = arith.constant 1 : i32
        %parallel_loop3A_125 = arith.index_cast %parallel_loop3A_123 : i32 to index
        %parallel_loop3A_126 = arith.index_cast %parallel_loop3A_124 : i32 to index
        %parallel_loop3A_127 = arith.index_cast %parallel_loop3A_122 : i32 to index
        %parallel_loop3A_128 = tpu.vector_load %arg7[%parallel_loop3A_125, %parallel_loop3A_126, %parallel_loop3A_127] {strides = array<i32>} : memref<8x8x128xf32, #tpu.memory_space<vmem>>, vector<16xf32>,
        tpu.vector_store %arg7[%parallel_loop3A_125, %parallel_loop3A_126, %parallel_loop3A_127], %parallel_loop3A_84 {strides = array<i32>} : memref<8x8x128xf32, #tpu.memory_space<vmem>>, vector<16xf32>,
        %parallel_loop3A_129 = arith.constant 0 : i32
        %parallel_loop3A_130 = arith.addi %parallel_loop3A_66, %parallel_loop3A_129 : i32
        %parallel_loop3A_131 = arith.constant 16 : i32
        %parallel_loop3A_132 = arith.muli %parallel_loop3A_130, %parallel_loop3A_131 : i32
        %parallel_loop3A_133 = arith.constant 0 : i32
        %parallel_loop3A_134 = arith.constant 2 : i32
        %parallel_loop3A_135 = arith.index_cast %parallel_loop3A_133 : i32 to index
        %parallel_loop3A_136 = arith.index_cast %parallel_loop3A_134 : i32 to index
        %parallel_loop3A_137 = arith.index_cast %parallel_loop3A_132 : i32 to index
        %parallel_loop3A_138 = tpu.vector_load %arg7[%parallel_loop3A_135, %parallel_loop3A_136, %parallel_loop3A_137] {strides = array<i32>} : memref<8x8x128xf32, #tpu.memory_space<vmem>>, vector<16xf32>,
        tpu.vector_store %arg7[%parallel_loop3A_135, %parallel_loop3A_136, %parallel_loop3A_137], %parallel_loop3A_88 {strides = array<i32>} : memref<8x8x128xf32, #tpu.memory_space<vmem>>, vector<16xf32>,
        %parallel_loop3A_139 = arith.constant 0 : i32
        %parallel_loop3A_140 = arith.addi %parallel_loop3A_66, %parallel_loop3A_139 : i32
        %parallel_loop3A_141 = arith.constant 16 : i32
        %parallel_loop3A_142 = arith.muli %parallel_loop3A_140, %parallel_loop3A_141 : i32
        %parallel_loop3A_143 = arith.constant 0 : i32
        %parallel_loop3A_144 = arith.constant 3 : i32
        %parallel_loop3A_145 = arith.index_cast %parallel_loop3A_143 : i32 to index
        %parallel_loop3A_146 = arith.index_cast %parallel_loop3A_144 : i32 to index
        %parallel_loop3A_147 = arith.index_cast %parallel_loop3A_142 : i32 to index
        %parallel_loop3A_148 = tpu.vector_load %arg7[%parallel_loop3A_145, %parallel_loop3A_146, %parallel_loop3A_147] {strides = array<i32>} : memref<8x8x128xf32, #tpu.memory_space<vmem>>, vector<16xf32>,
        tpu.vector_store %arg7[%parallel_loop3A_145, %parallel_loop3A_146, %parallel_loop3A_147], %parallel_loop3A_92 {strides = array<i32>} : memref<8x8x128xf32, #tpu.memory_space<vmem>>, vector<16xf32>,
        %parallel_loop3A_149 = arith.constant 0 : i32
        %parallel_loop3A_150 = arith.addi %parallel_loop3A_66, %parallel_loop3A_149 : i32
        %parallel_loop3A_151 = arith.constant 16 : i32
        %parallel_loop3A_152 = arith.muli %parallel_loop3A_150, %parallel_loop3A_151 : i32
        %parallel_loop3A_153 = arith.constant 0 : i32
        %parallel_loop3A_154 = arith.constant 4 : i32
        %parallel_loop3A_155 = arith.index_cast %parallel_loop3A_153 : i32 to index
        %parallel_loop3A_156 = arith.index_cast %parallel_loop3A_154 : i32 to index
        %parallel_loop3A_157 = arith.index_cast %parallel_loop3A_152 : i32 to index
        %parallel_loop3A_158 = tpu.vector_load %arg7[%parallel_loop3A_155, %parallel_loop3A_156, %parallel_loop3A_157] {strides = array<i32>} : memref<8x8x128xf32, #tpu.memory_space<vmem>>, vector<16xf32>,
        tpu.vector_store %arg7[%parallel_loop3A_155, %parallel_loop3A_156, %parallel_loop3A_157], %parallel_loop3A_96 {strides = array<i32>} : memref<8x8x128xf32, #tpu.memory_space<vmem>>, vector<16xf32>,
        %parallel_loop3A_159 = arith.constant 0 : i32
        %parallel_loop3A_160 = arith.addi %parallel_loop3A_66, %parallel_loop3A_159 : i32
        %parallel_loop3A_161 = arith.constant 16 : i32
        %parallel_loop3A_162 = arith.muli %parallel_loop3A_160, %parallel_loop3A_161 : i32
        %parallel_loop3A_163 = arith.constant 0 : i32
        %parallel_loop3A_164 = arith.constant 5 : i32
        %parallel_loop3A_165 = arith.index_cast %parallel_loop3A_163 : i32 to index
        %parallel_loop3A_166 = arith.index_cast %parallel_loop3A_164 : i32 to index
        %parallel_loop3A_167 = arith.index_cast %parallel_loop3A_162 : i32 to index
        %parallel_loop3A_168 = tpu.vector_load %arg7[%parallel_loop3A_165, %parallel_loop3A_166, %parallel_loop3A_167] {strides = array<i32>} : memref<8x8x128xf32, #tpu.memory_space<vmem>>, vector<16xf32>,
        tpu.vector_store %arg7[%parallel_loop3A_165, %parallel_loop3A_166, %parallel_loop3A_167], %parallel_loop3A_100 {strides = array<i32>} : memref<8x8x128xf32, #tpu.memory_space<vmem>>, vector<16xf32>,
        %parallel_loop3A_169 = arith.constant 0 : i32
        %parallel_loop3A_170 = arith.addi %parallel_loop3A_66, %parallel_loop3A_169 : i32
        %parallel_loop3A_171 = arith.constant 16 : i32
        %parallel_loop3A_172 = arith.muli %parallel_loop3A_170, %parallel_loop3A_171 : i32
        %parallel_loop3A_173 = arith.constant 0 : i32
        %parallel_loop3A_174 = arith.constant 6 : i32
        %parallel_loop3A_175 = arith.index_cast %parallel_loop3A_173 : i32 to index
        %parallel_loop3A_176 = arith.index_cast %parallel_loop3A_174 : i32 to index
        %parallel_loop3A_177 = arith.index_cast %parallel_loop3A_172 : i32 to index
        %parallel_loop3A_178 = tpu.vector_load %arg7[%parallel_loop3A_175, %parallel_loop3A_176, %parallel_loop3A_177] {strides = array<i32>} : memref<8x8x128xf32, #tpu.memory_space<vmem>>, vector<16xf32>,
        tpu.vector_store %arg7[%parallel_loop3A_175, %parallel_loop3A_176, %parallel_loop3A_177], %parallel_loop3A_104 {strides = array<i32>} : memref<8x8x128xf32, #tpu.memory_space<vmem>>, vector<16xf32>,
        %parallel_loop3A_179 = arith.constant 0 : i32
        %parallel_loop3A_180 = arith.addi %parallel_loop3A_66, %parallel_loop3A_179 : i32
        %parallel_loop3A_181 = arith.constant 16 : i32
        %parallel_loop3A_182 = arith.muli %parallel_loop3A_180, %parallel_loop3A_181 : i32
        %parallel_loop3A_183 = arith.constant 0 : i32
        %parallel_loop3A_184 = arith.constant 7 : i32
        %parallel_loop3A_185 = arith.index_cast %parallel_loop3A_183 : i32 to index
        %parallel_loop3A_186 = arith.index_cast %parallel_loop3A_184 : i32 to index
        %parallel_loop3A_187 = arith.index_cast %parallel_loop3A_182 : i32 to index
        %parallel_loop3A_188 = tpu.vector_load %arg7[%parallel_loop3A_185, %parallel_loop3A_186, %parallel_loop3A_187] {strides = array<i32>} : memref<8x8x128xf32, #tpu.memory_space<vmem>>, vector<16xf32>,
        tpu.vector_store %arg7[%parallel_loop3A_185, %parallel_loop3A_186, %parallel_loop3A_187], %parallel_loop3A_108 {strides = array<i32>} : memref<8x8x128xf32, #tpu.memory_space<vmem>>, vector<16xf32>,
        %parallel_loop3A_189 = arith.constant 8 : i32
        %parallel_loop3A_190 = vector.broadcast %parallel_loop3A_189 : i32 to vector<16xi32>
        %parallel_loop3A_191 = arith.addi %parallel_loop3A_76, %parallel_loop3A_190 : vector<16xi32>
        %parallel_loop3A_192 = tpu.vector_load_idx %arg5[%parallel_loop3A_191] : memref<8385xf32, #tpu.memory_space<vmem>>[vector<16xi32>], vector<16xf32>,
        %parallel_loop3A_193 = arith.constant 9 : i32
        %parallel_loop3A_194 = vector.broadcast %parallel_loop3A_193 : i32 to vector<16xi32>
        %parallel_loop3A_195 = arith.addi %parallel_loop3A_76, %parallel_loop3A_194 : vector<16xi32>
        %parallel_loop3A_196 = tpu.vector_load_idx %arg5[%parallel_loop3A_195] : memref<8385xf32, #tpu.memory_space<vmem>>[vector<16xi32>], vector<16xf32>,
        %parallel_loop3A_197 = arith.constant 10 : i32
        %parallel_loop3A_198 = vector.broadcast %parallel_loop3A_197 : i32 to vector<16xi32>
        %parallel_loop3A_199 = arith.addi %parallel_loop3A_76, %parallel_loop3A_198 : vector<16xi32>
        %parallel_loop3A_200 = tpu.vector_load_idx %arg5[%parallel_loop3A_199] : memref<8385xf32, #tpu.memory_space<vmem>>[vector<16xi32>], vector<16xf32>,
        %parallel_loop3A_201 = arith.constant 11 : i32
        %parallel_loop3A_202 = vector.broadcast %parallel_loop3A_201 : i32 to vector<16xi32>
        %parallel_loop3A_203 = arith.addi %parallel_loop3A_76, %parallel_loop3A_202 : vector<16xi32>
        %parallel_loop3A_204 = tpu.vector_load_idx %arg5[%parallel_loop3A_203] : memref<8385xf32, #tpu.memory_space<vmem>>[vector<16xi32>], vector<16xf32>,
        %parallel_loop3A_205 = arith.constant 12 : i32
        %parallel_loop3A_206 = vector.broadcast %parallel_loop3A_205 : i32 to vector<16xi32>
        %parallel_loop3A_207 = arith.addi %parallel_loop3A_76, %parallel_loop3A_206 : vector<16xi32>
        %parallel_loop3A_208 = tpu.vector_load_idx %arg5[%parallel_loop3A_207] : memref<8385xf32, #tpu.memory_space<vmem>>[vector<16xi32>], vector<16xf32>,
        %parallel_loop3A_209 = arith.constant 13 : i32
        %parallel_loop3A_210 = vector.broadcast %parallel_loop3A_209 : i32 to vector<16xi32>
        %parallel_loop3A_211 = arith.addi %parallel_loop3A_76, %parallel_loop3A_210 : vector<16xi32>
        %parallel_loop3A_212 = tpu.vector_load_idx %arg5[%parallel_loop3A_211] : memref<8385xf32, #tpu.memory_space<vmem>>[vector<16xi32>], vector<16xf32>,
        %parallel_loop3A_213 = arith.constant 14 : i32
        %parallel_loop3A_214 = vector.broadcast %parallel_loop3A_213 : i32 to vector<16xi32>
        %parallel_loop3A_215 = arith.addi %parallel_loop3A_76, %parallel_loop3A_214 : vector<16xi32>
        %parallel_loop3A_216 = tpu.vector_load_idx %arg5[%parallel_loop3A_215] : memref<8385xf32, #tpu.memory_space<vmem>>[vector<16xi32>], vector<16xf32>,
        %parallel_loop3A_217 = arith.constant 15 : i32
        %parallel_loop3A_218 = vector.broadcast %parallel_loop3A_217 : i32 to vector<16xi32>
        %parallel_loop3A_219 = arith.addi %parallel_loop3A_76, %parallel_loop3A_218 : vector<16xi32>
        %parallel_loop3A_220 = tpu.vector_load_idx %arg5[%parallel_loop3A_219] : memref<8385xf32, #tpu.memory_space<vmem>>[vector<16xi32>], vector<16xf32>,
        %parallel_loop3A_221 = arith.constant 0 : i32
        %parallel_loop3A_222 = arith.addi %parallel_loop3A_66, %parallel_loop3A_221 : i32
        %parallel_loop3A_223 = arith.constant 16 : i32
        %parallel_loop3A_224 = arith.muli %parallel_loop3A_222, %parallel_loop3A_223 : i32
        %parallel_loop3A_225 = arith.constant 1 : i32
        %parallel_loop3A_226 = arith.constant 0 : i32
        %parallel_loop3A_227 = arith.index_cast %parallel_loop3A_225 : i32 to index
        %parallel_loop3A_228 = arith.index_cast %parallel_loop3A_226 : i32 to index
        %parallel_loop3A_229 = arith.index_cast %parallel_loop3A_224 : i32 to index
        %parallel_loop3A_230 = tpu.vector_load %arg7[%parallel_loop3A_227, %parallel_loop3A_228, %parallel_loop3A_229] {strides = array<i32>} : memref<8x8x128xf32, #tpu.memory_space<vmem>>, vector<16xf32>,
        tpu.vector_store %arg7[%parallel_loop3A_227, %parallel_loop3A_228, %parallel_loop3A_229], %parallel_loop3A_192 {strides = array<i32>} : memref<8x8x128xf32, #tpu.memory_space<vmem>>, vector<16xf32>,
        %parallel_loop3A_231 = arith.constant 0 : i32
        %parallel_loop3A_232 = arith.addi %parallel_loop3A_66, %parallel_loop3A_231 : i32
        %parallel_loop3A_233 = arith.constant 16 : i32
        %parallel_loop3A_234 = arith.muli %parallel_loop3A_232, %parallel_loop3A_233 : i32
        %parallel_loop3A_235 = arith.constant 1 : i32
        %parallel_loop3A_236 = arith.constant 1 : i32
        %parallel_loop3A_237 = arith.index_cast %parallel_loop3A_235 : i32 to index
        %parallel_loop3A_238 = arith.index_cast %parallel_loop3A_236 : i32 to index
        %parallel_loop3A_239 = arith.index_cast %parallel_loop3A_234 : i32 to index
        %parallel_loop3A_240 = tpu.vector_load %arg7[%parallel_loop3A_237, %parallel_loop3A_238, %parallel_loop3A_239] {strides = array<i32>} : memref<8x8x128xf32, #tpu.memory_space<vmem>>, vector<16xf32>,
        tpu.vector_store %arg7[%parallel_loop3A_237, %parallel_loop3A_238, %parallel_loop3A_239], %parallel_loop3A_196 {strides = array<i32>} : memref<8x8x128xf32, #tpu.memory_space<vmem>>, vector<16xf32>,
        %parallel_loop3A_241 = arith.constant 0 : i32
        %parallel_loop3A_242 = arith.addi %parallel_loop3A_66, %parallel_loop3A_241 : i32
        %parallel_loop3A_243 = arith.constant 16 : i32
        %parallel_loop3A_244 = arith.muli %parallel_loop3A_242, %parallel_loop3A_243 : i32
        %parallel_loop3A_245 = arith.constant 1 : i32
        %parallel_loop3A_246 = arith.constant 2 : i32
        %parallel_loop3A_247 = arith.index_cast %parallel_loop3A_245 : i32 to index
        %parallel_loop3A_248 = arith.index_cast %parallel_loop3A_246 : i32 to index
        %parallel_loop3A_249 = arith.index_cast %parallel_loop3A_244 : i32 to index
        %parallel_loop3A_250 = tpu.vector_load %arg7[%parallel_loop3A_247, %parallel_loop3A_248, %parallel_loop3A_249] {strides = array<i32>} : memref<8x8x128xf32, #tpu.memory_space<vmem>>, vector<16xf32>,
        tpu.vector_store %arg7[%parallel_loop3A_247, %parallel_loop3A_248, %parallel_loop3A_249], %parallel_loop3A_200 {strides = array<i32>} : memref<8x8x128xf32, #tpu.memory_space<vmem>>, vector<16xf32>,
        %parallel_loop3A_251 = arith.constant 0 : i32
        %parallel_loop3A_252 = arith.addi %parallel_loop3A_66, %parallel_loop3A_251 : i32
        %parallel_loop3A_253 = arith.constant 16 : i32
        %parallel_loop3A_254 = arith.muli %parallel_loop3A_252, %parallel_loop3A_253 : i32
        %parallel_loop3A_255 = arith.constant 1 : i32
        %parallel_loop3A_256 = arith.constant 3 : i32
        %parallel_loop3A_257 = arith.index_cast %parallel_loop3A_255 : i32 to index
        %parallel_loop3A_258 = arith.index_cast %parallel_loop3A_256 : i32 to index
        %parallel_loop3A_259 = arith.index_cast %parallel_loop3A_254 : i32 to index
        %parallel_loop3A_260 = tpu.vector_load %arg7[%parallel_loop3A_257, %parallel_loop3A_258, %parallel_loop3A_259] {strides = array<i32>} : memref<8x8x128xf32, #tpu.memory_space<vmem>>, vector<16xf32>,
        tpu.vector_store %arg7[%parallel_loop3A_257, %parallel_loop3A_258, %parallel_loop3A_259], %parallel_loop3A_204 {strides = array<i32>} : memref<8x8x128xf32, #tpu.memory_space<vmem>>, vector<16xf32>,
        %parallel_loop3A_261 = arith.constant 0 : i32
        %parallel_loop3A_262 = arith.addi %parallel_loop3A_66, %parallel_loop3A_261 : i32
        %parallel_loop3A_263 = arith.constant 16 : i32
        %parallel_loop3A_264 = arith.muli %parallel_loop3A_262, %parallel_loop3A_263 : i32
        %parallel_loop3A_265 = arith.constant 1 : i32
        %parallel_loop3A_266 = arith.constant 4 : i32
        %parallel_loop3A_267 = arith.index_cast %parallel_loop3A_265 : i32 to index
        %parallel_loop3A_268 = arith.index_cast %parallel_loop3A_266 : i32 to index
        %parallel_loop3A_269 = arith.index_cast %parallel_loop3A_264 : i32 to index
        %parallel_loop3A_270 = tpu.vector_load %arg7[%parallel_loop3A_267, %parallel_loop3A_268, %parallel_loop3A_269] {strides = array<i32>} : memref<8x8x128xf32, #tpu.memory_space<vmem>>, vector<16xf32>,
        tpu.vector_store %arg7[%parallel_loop3A_267, %parallel_loop3A_268, %parallel_loop3A_269], %parallel_loop3A_208 {strides = array<i32>} : memref<8x8x128xf32, #tpu.memory_space<vmem>>, vector<16xf32>,
        %parallel_loop3A_271 = arith.constant 0 : i32
        %parallel_loop3A_272 = arith.addi %parallel_loop3A_66, %parallel_loop3A_271 : i32
        %parallel_loop3A_273 = arith.constant 16 : i32
        %parallel_loop3A_274 = arith.muli %parallel_loop3A_272, %parallel_loop3A_273 : i32
        %parallel_loop3A_275 = arith.constant 1 : i32
        %parallel_loop3A_276 = arith.constant 5 : i32
        %parallel_loop3A_277 = arith.index_cast %parallel_loop3A_275 : i32 to index
        %parallel_loop3A_278 = arith.index_cast %parallel_loop3A_276 : i32 to index
        %parallel_loop3A_279 = arith.index_cast %parallel_loop3A_274 : i32 to index
        %parallel_loop3A_280 = tpu.vector_load %arg7[%parallel_loop3A_277, %parallel_loop3A_278, %parallel_loop3A_279] {strides = array<i32>} : memref<8x8x128xf32, #tpu.memory_space<vmem>>, vector<16xf32>,
        tpu.vector_store %arg7[%parallel_loop3A_277, %parallel_loop3A_278, %parallel_loop3A_279], %parallel_loop3A_212 {strides = array<i32>} : memref<8x8x128xf32, #tpu.memory_space<vmem>>, vector<16xf32>,
        %parallel_loop3A_281 = arith.constant 0 : i32
        %parallel_loop3A_282 = arith.addi %parallel_loop3A_66, %parallel_loop3A_281 : i32
        %parallel_loop3A_283 = arith.constant 16 : i32
        %parallel_loop3A_284 = arith.muli %parallel_loop3A_282, %parallel_loop3A_283 : i32
        %parallel_loop3A_285 = arith.constant 1 : i32
        %parallel_loop3A_286 = arith.constant 6 : i32
        %parallel_loop3A_287 = arith.index_cast %parallel_loop3A_285 : i32 to index
        %parallel_loop3A_288 = arith.index_cast %parallel_loop3A_286 : i32 to index
        %parallel_loop3A_289 = arith.index_cast %parallel_loop3A_284 : i32 to index
        %parallel_loop3A_290 = tpu.vector_load %arg7[%parallel_loop3A_287, %parallel_loop3A_288, %parallel_loop3A_289] {strides = array<i32>} : memref<8x8x128xf32, #tpu.memory_space<vmem>>, vector<16xf32>,
        tpu.vector_store %arg7[%parallel_loop3A_287, %parallel_loop3A_288, %parallel_loop3A_289], %parallel_loop3A_216 {strides = array<i32>} : memref<8x8x128xf32, #tpu.memory_space<vmem>>, vector<16xf32>,
        %parallel_loop3A_291 = arith.constant 0 : i32
        %parallel_loop3A_292 = arith.addi %parallel_loop3A_66, %parallel_loop3A_291 : i32
        %parallel_loop3A_293 = arith.constant 16 : i32
        %parallel_loop3A_294 = arith.muli %parallel_loop3A_292, %parallel_loop3A_293 : i32
        %parallel_loop3A_295 = arith.constant 1 : i32
        %parallel_loop3A_296 = arith.constant 7 : i32
        %parallel_loop3A_297 = arith.index_cast %parallel_loop3A_295 : i32 to index
        %parallel_loop3A_298 = arith.index_cast %parallel_loop3A_296 : i32 to index
        %parallel_loop3A_299 = arith.index_cast %parallel_loop3A_294 : i32 to index
        %parallel_loop3A_300 = tpu.vector_load %arg7[%parallel_loop3A_297, %parallel_loop3A_298, %parallel_loop3A_299] {strides = array<i32>} : memref<8x8x128xf32, #tpu.memory_space<vmem>>, vector<16xf32>,
        tpu.vector_store %arg7[%parallel_loop3A_297, %parallel_loop3A_298, %parallel_loop3A_299], %parallel_loop3A_220 {strides = array<i32>} : memref<8x8x128xf32, #tpu.memory_space<vmem>>, vector<16xf32>,
        %parallel_loop3A_301 = arith.constant 16 : i32
        %parallel_loop3A_302 = vector.broadcast %parallel_loop3A_301 : i32 to vector<16xi32>
        %parallel_loop3A_303 = arith.addi %parallel_loop3A_76, %parallel_loop3A_302 : vector<16xi32>
        %parallel_loop3A_304 = tpu.vector_load_idx %arg5[%parallel_loop3A_303] : memref<8385xf32, #tpu.memory_space<vmem>>[vector<16xi32>], vector<16xf32>,
        %parallel_loop3A_305 = arith.constant 17 : i32
        %parallel_loop3A_306 = vector.broadcast %parallel_loop3A_305 : i32 to vector<16xi32>
        %parallel_loop3A_307 = arith.addi %parallel_loop3A_76, %parallel_loop3A_306 : vector<16xi32>
        %parallel_loop3A_308 = tpu.vector_load_idx %arg5[%parallel_loop3A_307] : memref<8385xf32, #tpu.memory_space<vmem>>[vector<16xi32>], vector<16xf32>,
        %parallel_loop3A_309 = arith.constant 18 : i32
        %parallel_loop3A_310 = vector.broadcast %parallel_loop3A_309 : i32 to vector<16xi32>
        %parallel_loop3A_311 = arith.addi %parallel_loop3A_76, %parallel_loop3A_310 : vector<16xi32>
        %parallel_loop3A_312 = tpu.vector_load_idx %arg5[%parallel_loop3A_311] : memref<8385xf32, #tpu.memory_space<vmem>>[vector<16xi32>], vector<16xf32>,
        %parallel_loop3A_313 = arith.constant 19 : i32
        %parallel_loop3A_314 = vector.broadcast %parallel_loop3A_313 : i32 to vector<16xi32>
        %parallel_loop3A_315 = arith.addi %parallel_loop3A_76, %parallel_loop3A_314 : vector<16xi32>
        %parallel_loop3A_316 = tpu.vector_load_idx %arg5[%parallel_loop3A_315] : memref<8385xf32, #tpu.memory_space<vmem>>[vector<16xi32>], vector<16xf32>,
        %parallel_loop3A_317 = arith.constant 20 : i32
        %parallel_loop3A_318 = vector.broadcast %parallel_loop3A_317 : i32 to vector<16xi32>
        %parallel_loop3A_319 = arith.addi %parallel_loop3A_76, %parallel_loop3A_318 : vector<16xi32>
        %parallel_loop3A_320 = tpu.vector_load_idx %arg5[%parallel_loop3A_319] : memref<8385xf32, #tpu.memory_space<vmem>>[vector<16xi32>], vector<16xf32>,
        %parallel_loop3A_321 = arith.constant 21 : i32
        %parallel_loop3A_322 = vector.broadcast %parallel_loop3A_321 : i32 to vector<16xi32>
        %parallel_loop3A_323 = arith.addi %parallel_loop3A_76, %parallel_loop3A_322 : vector<16xi32>
        %parallel_loop3A_324 = tpu.vector_load_idx %arg5[%parallel_loop3A_323] : memref<8385xf32, #tpu.memory_space<vmem>>[vector<16xi32>], vector<16xf32>,
        %parallel_loop3A_325 = arith.constant 22 : i32
        %parallel_loop3A_326 = vector.broadcast %parallel_loop3A_325 : i32 to vector<16xi32>
        %parallel_loop3A_327 = arith.addi %parallel_loop3A_76, %parallel_loop3A_326 : vector<16xi32>
        %parallel_loop3A_328 = tpu.vector_load_idx %arg5[%parallel_loop3A_327] : memref<8385xf32, #tpu.memory_space<vmem>>[vector<16xi32>], vector<16xf32>,
        %parallel_loop3A_329 = arith.constant 23 : i32
        %parallel_loop3A_330 = vector.broadcast %parallel_loop3A_329 : i32 to vector<16xi32>
        %parallel_loop3A_331 = arith.addi %parallel_loop3A_76, %parallel_loop3A_330 : vector<16xi32>
        %parallel_loop3A_332 = tpu.vector_load_idx %arg5[%parallel_loop3A_331] : memref<8385xf32, #tpu.memory_space<vmem>>[vector<16xi32>], vector<16xf32>,
        %parallel_loop3A_333 = arith.constant 0 : i32
        %parallel_loop3A_334 = arith.addi %parallel_loop3A_66, %parallel_loop3A_333 : i32
        %parallel_loop3A_335 = arith.constant 16 : i32
        %parallel_loop3A_336 = arith.muli %parallel_loop3A_334, %parallel_loop3A_335 : i32
        %parallel_loop3A_337 = arith.constant 2 : i32
        %parallel_loop3A_338 = arith.constant 0 : i32
        %parallel_loop3A_339 = arith.index_cast %parallel_loop3A_337 : i32 to index
        %parallel_loop3A_340 = arith.index_cast %parallel_loop3A_338 : i32 to index
        %parallel_loop3A_341 = arith.index_cast %parallel_loop3A_336 : i32 to index
        %parallel_loop3A_342 = tpu.vector_load %arg7[%parallel_loop3A_339, %parallel_loop3A_340, %parallel_loop3A_341] {strides = array<i32>} : memref<8x8x128xf32, #tpu.memory_space<vmem>>, vector<16xf32>,
        tpu.vector_store %arg7[%parallel_loop3A_339, %parallel_loop3A_340, %parallel_loop3A_341], %parallel_loop3A_304 {strides = array<i32>} : memref<8x8x128xf32, #tpu.memory_space<vmem>>, vector<16xf32>,
        %parallel_loop3A_343 = arith.constant 0 : i32
        %parallel_loop3A_344 = arith.addi %parallel_loop3A_66, %parallel_loop3A_343 : i32
        %parallel_loop3A_345 = arith.constant 16 : i32
        %parallel_loop3A_346 = arith.muli %parallel_loop3A_344, %parallel_loop3A_345 : i32
        %parallel_loop3A_347 = arith.constant 2 : i32
        %parallel_loop3A_348 = arith.constant 1 : i32
        %parallel_loop3A_349 = arith.index_cast %parallel_loop3A_347 : i32 to index
        %parallel_loop3A_350 = arith.index_cast %parallel_loop3A_348 : i32 to index
        %parallel_loop3A_351 = arith.index_cast %parallel_loop3A_346 : i32 to index
        %parallel_loop3A_352 = tpu.vector_load %arg7[%parallel_loop3A_349, %parallel_loop3A_350, %parallel_loop3A_351] {strides = array<i32>} : memref<8x8x128xf32, #tpu.memory_space<vmem>>, vector<16xf32>,
        tpu.vector_store %arg7[%parallel_loop3A_349, %parallel_loop3A_350, %parallel_loop3A_351], %parallel_loop3A_308 {strides = array<i32>} : memref<8x8x128xf32, #tpu.memory_space<vmem>>, vector<16xf32>,
        %parallel_loop3A_353 = arith.constant 0 : i32
        %parallel_loop3A_354 = arith.addi %parallel_loop3A_66, %parallel_loop3A_353 : i32
        %parallel_loop3A_355 = arith.constant 16 : i32
        %parallel_loop3A_356 = arith.muli %parallel_loop3A_354, %parallel_loop3A_355 : i32
        %parallel_loop3A_357 = arith.constant 2 : i32
        %parallel_loop3A_358 = arith.constant 2 : i32
        %parallel_loop3A_359 = arith.index_cast %parallel_loop3A_357 : i32 to index
        %parallel_loop3A_360 = arith.index_cast %parallel_loop3A_358 : i32 to index
        %parallel_loop3A_361 = arith.index_cast %parallel_loop3A_356 : i32 to index
        %parallel_loop3A_362 = tpu.vector_load %arg7[%parallel_loop3A_359, %parallel_loop3A_360, %parallel_loop3A_361] {strides = array<i32>} : memref<8x8x128xf32, #tpu.memory_space<vmem>>, vector<16xf32>,
        tpu.vector_store %arg7[%parallel_loop3A_359, %parallel_loop3A_360, %parallel_loop3A_361], %parallel_loop3A_312 {strides = array<i32>} : memref<8x8x128xf32, #tpu.memory_space<vmem>>, vector<16xf32>,
        %parallel_loop3A_363 = arith.constant 0 : i32
        %parallel_loop3A_364 = arith.addi %parallel_loop3A_66, %parallel_loop3A_363 : i32
        %parallel_loop3A_365 = arith.constant 16 : i32
        %parallel_loop3A_366 = arith.muli %parallel_loop3A_364, %parallel_loop3A_365 : i32
        %parallel_loop3A_367 = arith.constant 2 : i32
        %parallel_loop3A_368 = arith.constant 3 : i32
        %parallel_loop3A_369 = arith.index_cast %parallel_loop3A_367 : i32 to index
        %parallel_loop3A_370 = arith.index_cast %parallel_loop3A_368 : i32 to index
        %parallel_loop3A_371 = arith.index_cast %parallel_loop3A_366 : i32 to index
        %parallel_loop3A_372 = tpu.vector_load %arg7[%parallel_loop3A_369, %parallel_loop3A_370, %parallel_loop3A_371] {strides = array<i32>} : memref<8x8x128xf32, #tpu.memory_space<vmem>>, vector<16xf32>,
        tpu.vector_store %arg7[%parallel_loop3A_369, %parallel_loop3A_370, %parallel_loop3A_371], %parallel_loop3A_316 {strides = array<i32>} : memref<8x8x128xf32, #tpu.memory_space<vmem>>, vector<16xf32>,
        %parallel_loop3A_373 = arith.constant 0 : i32
        %parallel_loop3A_374 = arith.addi %parallel_loop3A_66, %parallel_loop3A_373 : i32
        %parallel_loop3A_375 = arith.constant 16 : i32
        %parallel_loop3A_376 = arith.muli %parallel_loop3A_374, %parallel_loop3A_375 : i32
        %parallel_loop3A_377 = arith.constant 2 : i32
        %parallel_loop3A_378 = arith.constant 4 : i32
        %parallel_loop3A_379 = arith.index_cast %parallel_loop3A_377 : i32 to index
        %parallel_loop3A_380 = arith.index_cast %parallel_loop3A_378 : i32 to index
        %parallel_loop3A_381 = arith.index_cast %parallel_loop3A_376 : i32 to index
        %parallel_loop3A_382 = tpu.vector_load %arg7[%parallel_loop3A_379, %parallel_loop3A_380, %parallel_loop3A_381] {strides = array<i32>} : memref<8x8x128xf32, #tpu.memory_space<vmem>>, vector<16xf32>,
        tpu.vector_store %arg7[%parallel_loop3A_379, %parallel_loop3A_380, %parallel_loop3A_381], %parallel_loop3A_320 {strides = array<i32>} : memref<8x8x128xf32, #tpu.memory_space<vmem>>, vector<16xf32>,
        %parallel_loop3A_383 = arith.constant 0 : i32
        %parallel_loop3A_384 = arith.addi %parallel_loop3A_66, %parallel_loop3A_383 : i32
        %parallel_loop3A_385 = arith.constant 16 : i32
        %parallel_loop3A_386 = arith.muli %parallel_loop3A_384, %parallel_loop3A_385 : i32
        %parallel_loop3A_387 = arith.constant 2 : i32
        %parallel_loop3A_388 = arith.constant 5 : i32
        %parallel_loop3A_389 = arith.index_cast %parallel_loop3A_387 : i32 to index
        %parallel_loop3A_390 = arith.index_cast %parallel_loop3A_388 : i32 to index
        %parallel_loop3A_391 = arith.index_cast %parallel_loop3A_386 : i32 to index
        %parallel_loop3A_392 = tpu.vector_load %arg7[%parallel_loop3A_389, %parallel_loop3A_390, %parallel_loop3A_391] {strides = array<i32>} : memref<8x8x128xf32, #tpu.memory_space<vmem>>, vector<16xf32>,
        tpu.vector_store %arg7[%parallel_loop3A_389, %parallel_loop3A_390, %parallel_loop3A_391], %parallel_loop3A_324 {strides = array<i32>} : memref<8x8x128xf32, #tpu.memory_space<vmem>>, vector<16xf32>,
        %parallel_loop3A_393 = arith.constant 0 : i32
        %parallel_loop3A_394 = arith.addi %parallel_loop3A_66, %parallel_loop3A_393 : i32
        %parallel_loop3A_395 = arith.constant 16 : i32
        %parallel_loop3A_396 = arith.muli %parallel_loop3A_394, %parallel_loop3A_395 : i32
        %parallel_loop3A_397 = arith.constant 2 : i32
        %parallel_loop3A_398 = arith.constant 6 : i32
        %parallel_loop3A_399 = arith.index_cast %parallel_loop3A_397 : i32 to index
        %parallel_loop3A_400 = arith.index_cast %parallel_loop3A_398 : i32 to index
        %parallel_loop3A_401 = arith.index_cast %parallel_loop3A_396 : i32 to index
        %parallel_loop3A_402 = tpu.vector_load %arg7[%parallel_loop3A_399, %parallel_loop3A_400, %parallel_loop3A_401] {strides = array<i32>} : memref<8x8x128xf32, #tpu.memory_space<vmem>>, vector<16xf32>,
        tpu.vector_store %arg7[%parallel_loop3A_399, %parallel_loop3A_400, %parallel_loop3A_401], %parallel_loop3A_328 {strides = array<i32>} : memref<8x8x128xf32, #tpu.memory_space<vmem>>, vector<16xf32>,
        %parallel_loop3A_403 = arith.constant 0 : i32
        %parallel_loop3A_404 = arith.addi %parallel_loop3A_66, %parallel_loop3A_403 : i32
        %parallel_loop3A_405 = arith.constant 16 : i32
        %parallel_loop3A_406 = arith.muli %parallel_loop3A_404, %parallel_loop3A_405 : i32
        %parallel_loop3A_407 = arith.constant 2 : i32
        %parallel_loop3A_408 = arith.constant 7 : i32
        %parallel_loop3A_409 = arith.index_cast %parallel_loop3A_407 : i32 to index
        %parallel_loop3A_410 = arith.index_cast %parallel_loop3A_408 : i32 to index
        %parallel_loop3A_411 = arith.index_cast %parallel_loop3A_406 : i32 to index
        %parallel_loop3A_412 = tpu.vector_load %arg7[%parallel_loop3A_409, %parallel_loop3A_410, %parallel_loop3A_411] {strides = array<i32>} : memref<8x8x128xf32, #tpu.memory_space<vmem>>, vector<16xf32>,
        tpu.vector_store %arg7[%parallel_loop3A_409, %parallel_loop3A_410, %parallel_loop3A_411], %parallel_loop3A_332 {strides = array<i32>} : memref<8x8x128xf32, #tpu.memory_space<vmem>>, vector<16xf32>,
        %parallel_loop3A_413 = arith.constant 24 : i32
        %parallel_loop3A_414 = vector.broadcast %parallel_loop3A_413 : i32 to vector<16xi32>
        %parallel_loop3A_415 = arith.addi %parallel_loop3A_76, %parallel_loop3A_414 : vector<16xi32>
        %parallel_loop3A_416 = tpu.vector_load_idx %arg5[%parallel_loop3A_415] : memref<8385xf32, #tpu.memory_space<vmem>>[vector<16xi32>], vector<16xf32>,
        %parallel_loop3A_417 = arith.constant 25 : i32
        %parallel_loop3A_418 = vector.broadcast %parallel_loop3A_417 : i32 to vector<16xi32>
        %parallel_loop3A_419 = arith.addi %parallel_loop3A_76, %parallel_loop3A_418 : vector<16xi32>
        %parallel_loop3A_420 = tpu.vector_load_idx %arg5[%parallel_loop3A_419] : memref<8385xf32, #tpu.memory_space<vmem>>[vector<16xi32>], vector<16xf32>,
        %parallel_loop3A_421 = arith.constant 26 : i32
        %parallel_loop3A_422 = vector.broadcast %parallel_loop3A_421 : i32 to vector<16xi32>
        %parallel_loop3A_423 = arith.addi %parallel_loop3A_76, %parallel_loop3A_422 : vector<16xi32>
        %parallel_loop3A_424 = tpu.vector_load_idx %arg5[%parallel_loop3A_423] : memref<8385xf32, #tpu.memory_space<vmem>>[vector<16xi32>], vector<16xf32>,
        %parallel_loop3A_425 = arith.constant 27 : i32
        %parallel_loop3A_426 = vector.broadcast %parallel_loop3A_425 : i32 to vector<16xi32>
        %parallel_loop3A_427 = arith.addi %parallel_loop3A_76, %parallel_loop3A_426 : vector<16xi32>
        %parallel_loop3A_428 = tpu.vector_load_idx %arg5[%parallel_loop3A_427] : memref<8385xf32, #tpu.memory_space<vmem>>[vector<16xi32>], vector<16xf32>,
        %parallel_loop3A_429 = arith.constant 28 : i32
        %parallel_loop3A_430 = vector.broadcast %parallel_loop3A_429 : i32 to vector<16xi32>
        %parallel_loop3A_431 = arith.addi %parallel_loop3A_76, %parallel_loop3A_430 : vector<16xi32>
        %parallel_loop3A_432 = tpu.vector_load_idx %arg5[%parallel_loop3A_431] : memref<8385xf32, #tpu.memory_space<vmem>>[vector<16xi32>], vector<16xf32>,
        %parallel_loop3A_433 = arith.constant 29 : i32
        %parallel_loop3A_434 = vector.broadcast %parallel_loop3A_433 : i32 to vector<16xi32>
        %parallel_loop3A_435 = arith.addi %parallel_loop3A_76, %parallel_loop3A_434 : vector<16xi32>
        %parallel_loop3A_436 = tpu.vector_load_idx %arg5[%parallel_loop3A_435] : memref<8385xf32, #tpu.memory_space<vmem>>[vector<16xi32>], vector<16xf32>,
        %parallel_loop3A_437 = arith.constant 30 : i32
        %parallel_loop3A_438 = vector.broadcast %parallel_loop3A_437 : i32 to vector<16xi32>
        %parallel_loop3A_439 = arith.addi %parallel_loop3A_76, %parallel_loop3A_438 : vector<16xi32>
        %parallel_loop3A_440 = tpu.vector_load_idx %arg5[%parallel_loop3A_439] : memref<8385xf32, #tpu.memory_space<vmem>>[vector<16xi32>], vector<16xf32>,
        %parallel_loop3A_441 = arith.constant 31 : i32
        %parallel_loop3A_442 = vector.broadcast %parallel_loop3A_441 : i32 to vector<16xi32>
        %parallel_loop3A_443 = arith.addi %parallel_loop3A_76, %parallel_loop3A_442 : vector<16xi32>
        %parallel_loop3A_444 = tpu.vector_load_idx %arg5[%parallel_loop3A_443] : memref<8385xf32, #tpu.memory_space<vmem>>[vector<16xi32>], vector<16xf32>,
        %parallel_loop3A_445 = arith.constant 0 : i32
        %parallel_loop3A_446 = arith.addi %parallel_loop3A_66, %parallel_loop3A_445 : i32
        %parallel_loop3A_447 = arith.constant 16 : i32
        %parallel_loop3A_448 = arith.muli %parallel_loop3A_446, %parallel_loop3A_447 : i32
        %parallel_loop3A_449 = arith.constant 3 : i32
        %parallel_loop3A_450 = arith.constant 0 : i32
        %parallel_loop3A_451 = arith.index_cast %parallel_loop3A_449 : i32 to index
        %parallel_loop3A_452 = arith.index_cast %parallel_loop3A_450 : i32 to index
        %parallel_loop3A_453 = arith.index_cast %parallel_loop3A_448 : i32 to index
        %parallel_loop3A_454 = tpu.vector_load %arg7[%parallel_loop3A_451, %parallel_loop3A_452, %parallel_loop3A_453] {strides = array<i32>} : memref<8x8x128xf32, #tpu.memory_space<vmem>>, vector<16xf32>,
        tpu.vector_store %arg7[%parallel_loop3A_451, %parallel_loop3A_452, %parallel_loop3A_453], %parallel_loop3A_416 {strides = array<i32>} : memref<8x8x128xf32, #tpu.memory_space<vmem>>, vector<16xf32>,
        %parallel_loop3A_455 = arith.constant 0 : i32
        %parallel_loop3A_456 = arith.addi %parallel_loop3A_66, %parallel_loop3A_455 : i32
        %parallel_loop3A_457 = arith.constant 16 : i32
        %parallel_loop3A_458 = arith.muli %parallel_loop3A_456, %parallel_loop3A_457 : i32
        %parallel_loop3A_459 = arith.constant 3 : i32
        %parallel_loop3A_460 = arith.constant 1 : i32
        %parallel_loop3A_461 = arith.index_cast %parallel_loop3A_459 : i32 to index
        %parallel_loop3A_462 = arith.index_cast %parallel_loop3A_460 : i32 to index
        %parallel_loop3A_463 = arith.index_cast %parallel_loop3A_458 : i32 to index
        %parallel_loop3A_464 = tpu.vector_load %arg7[%parallel_loop3A_461, %parallel_loop3A_462, %parallel_loop3A_463] {strides = array<i32>} : memref<8x8x128xf32, #tpu.memory_space<vmem>>, vector<16xf32>,
        tpu.vector_store %arg7[%parallel_loop3A_461, %parallel_loop3A_462, %parallel_loop3A_463], %parallel_loop3A_420 {strides = array<i32>} : memref<8x8x128xf32, #tpu.memory_space<vmem>>, vector<16xf32>,
        %parallel_loop3A_465 = arith.constant 0 : i32
        %parallel_loop3A_466 = arith.addi %parallel_loop3A_66, %parallel_loop3A_465 : i32
        %parallel_loop3A_467 = arith.constant 16 : i32
        %parallel_loop3A_468 = arith.muli %parallel_loop3A_466, %parallel_loop3A_467 : i32
        %parallel_loop3A_469 = arith.constant 3 : i32
        %parallel_loop3A_470 = arith.constant 2 : i32
        %parallel_loop3A_471 = arith.index_cast %parallel_loop3A_469 : i32 to index
        %parallel_loop3A_472 = arith.index_cast %parallel_loop3A_470 : i32 to index
        %parallel_loop3A_473 = arith.index_cast %parallel_loop3A_468 : i32 to index
        %parallel_loop3A_474 = tpu.vector_load %arg7[%parallel_loop3A_471, %parallel_loop3A_472, %parallel_loop3A_473] {strides = array<i32>} : memref<8x8x128xf32, #tpu.memory_space<vmem>>, vector<16xf32>,
        tpu.vector_store %arg7[%parallel_loop3A_471, %parallel_loop3A_472, %parallel_loop3A_473], %parallel_loop3A_424 {strides = array<i32>} : memref<8x8x128xf32, #tpu.memory_space<vmem>>, vector<16xf32>,
        %parallel_loop3A_475 = arith.constant 0 : i32
        %parallel_loop3A_476 = arith.addi %parallel_loop3A_66, %parallel_loop3A_475 : i32
        %parallel_loop3A_477 = arith.constant 16 : i32
        %parallel_loop3A_478 = arith.muli %parallel_loop3A_476, %parallel_loop3A_477 : i32
        %parallel_loop3A_479 = arith.constant 3 : i32
        %parallel_loop3A_480 = arith.constant 3 : i32
        %parallel_loop3A_481 = arith.index_cast %parallel_loop3A_479 : i32 to index
        %parallel_loop3A_482 = arith.index_cast %parallel_loop3A_480 : i32 to index
        %parallel_loop3A_483 = arith.index_cast %parallel_loop3A_478 : i32 to index
        %parallel_loop3A_484 = tpu.vector_load %arg7[%parallel_loop3A_481, %parallel_loop3A_482, %parallel_loop3A_483] {strides = array<i32>} : memref<8x8x128xf32, #tpu.memory_space<vmem>>, vector<16xf32>,
        tpu.vector_store %arg7[%parallel_loop3A_481, %parallel_loop3A_482, %parallel_loop3A_483], %parallel_loop3A_428 {strides = array<i32>} : memref<8x8x128xf32, #tpu.memory_space<vmem>>, vector<16xf32>,
        %parallel_loop3A_485 = arith.constant 0 : i32
        %parallel_loop3A_486 = arith.addi %parallel_loop3A_66, %parallel_loop3A_485 : i32
        %parallel_loop3A_487 = arith.constant 16 : i32
        %parallel_loop3A_488 = arith.muli %parallel_loop3A_486, %parallel_loop3A_487 : i32
        %parallel_loop3A_489 = arith.constant 3 : i32
        %parallel_loop3A_490 = arith.constant 4 : i32
        %parallel_loop3A_491 = arith.index_cast %parallel_loop3A_489 : i32 to index
        %parallel_loop3A_492 = arith.index_cast %parallel_loop3A_490 : i32 to index
        %parallel_loop3A_493 = arith.index_cast %parallel_loop3A_488 : i32 to index
        %parallel_loop3A_494 = tpu.vector_load %arg7[%parallel_loop3A_491, %parallel_loop3A_492, %parallel_loop3A_493] {strides = array<i32>} : memref<8x8x128xf32, #tpu.memory_space<vmem>>, vector<16xf32>,
        tpu.vector_store %arg7[%parallel_loop3A_491, %parallel_loop3A_492, %parallel_loop3A_493], %parallel_loop3A_432 {strides = array<i32>} : memref<8x8x128xf32, #tpu.memory_space<vmem>>, vector<16xf32>,
        %parallel_loop3A_495 = arith.constant 0 : i32
        %parallel_loop3A_496 = arith.addi %parallel_loop3A_66, %parallel_loop3A_495 : i32
        %parallel_loop3A_497 = arith.constant 16 : i32
        %parallel_loop3A_498 = arith.muli %parallel_loop3A_496, %parallel_loop3A_497 : i32
        %parallel_loop3A_499 = arith.constant 3 : i32
        %parallel_loop3A_500 = arith.constant 5 : i32
        %parallel_loop3A_501 = arith.index_cast %parallel_loop3A_499 : i32 to index
        %parallel_loop3A_502 = arith.index_cast %parallel_loop3A_500 : i32 to index
        %parallel_loop3A_503 = arith.index_cast %parallel_loop3A_498 : i32 to index
        %parallel_loop3A_504 = tpu.vector_load %arg7[%parallel_loop3A_501, %parallel_loop3A_502, %parallel_loop3A_503] {strides = array<i32>} : memref<8x8x128xf32, #tpu.memory_space<vmem>>, vector<16xf32>,
        tpu.vector_store %arg7[%parallel_loop3A_501, %parallel_loop3A_502, %parallel_loop3A_503], %parallel_loop3A_436 {strides = array<i32>} : memref<8x8x128xf32, #tpu.memory_space<vmem>>, vector<16xf32>,
        %parallel_loop3A_505 = arith.constant 0 : i32
        %parallel_loop3A_506 = arith.addi %parallel_loop3A_66, %parallel_loop3A_505 : i32
        %parallel_loop3A_507 = arith.constant 16 : i32
        %parallel_loop3A_508 = arith.muli %parallel_loop3A_506, %parallel_loop3A_507 : i32
        %parallel_loop3A_509 = arith.constant 3 : i32
        %parallel_loop3A_510 = arith.constant 6 : i32
        %parallel_loop3A_511 = arith.index_cast %parallel_loop3A_509 : i32 to index
        %parallel_loop3A_512 = arith.index_cast %parallel_loop3A_510 : i32 to index
        %parallel_loop3A_513 = arith.index_cast %parallel_loop3A_508 : i32 to index
        %parallel_loop3A_514 = tpu.vector_load %arg7[%parallel_loop3A_511, %parallel_loop3A_512, %parallel_loop3A_513] {strides = array<i32>} : memref<8x8x128xf32, #tpu.memory_space<vmem>>, vector<16xf32>,
        tpu.vector_store %arg7[%parallel_loop3A_511, %parallel_loop3A_512, %parallel_loop3A_513], %parallel_loop3A_440 {strides = array<i32>} : memref<8x8x128xf32, #tpu.memory_space<vmem>>, vector<16xf32>,
        %parallel_loop3A_515 = arith.constant 0 : i32
        %parallel_loop3A_516 = arith.addi %parallel_loop3A_66, %parallel_loop3A_515 : i32
        %parallel_loop3A_517 = arith.constant 16 : i32
        %parallel_loop3A_518 = arith.muli %parallel_loop3A_516, %parallel_loop3A_517 : i32
        %parallel_loop3A_519 = arith.constant 3 : i32
        %parallel_loop3A_520 = arith.constant 7 : i32
        %parallel_loop3A_521 = arith.index_cast %parallel_loop3A_519 : i32 to index
        %parallel_loop3A_522 = arith.index_cast %parallel_loop3A_520 : i32 to index
        %parallel_loop3A_523 = arith.index_cast %parallel_loop3A_518 : i32 to index
        %parallel_loop3A_524 = tpu.vector_load %arg7[%parallel_loop3A_521, %parallel_loop3A_522, %parallel_loop3A_523] {strides = array<i32>} : memref<8x8x128xf32, #tpu.memory_space<vmem>>, vector<16xf32>,
        tpu.vector_store %arg7[%parallel_loop3A_521, %parallel_loop3A_522, %parallel_loop3A_523], %parallel_loop3A_444 {strides = array<i32>} : memref<8x8x128xf32, #tpu.memory_space<vmem>>, vector<16xf32>,
        %parallel_loop3A_525 = arith.constant 32 : i32
        %parallel_loop3A_526 = vector.broadcast %parallel_loop3A_525 : i32 to vector<16xi32>
        %parallel_loop3A_527 = arith.addi %parallel_loop3A_76, %parallel_loop3A_526 : vector<16xi32>
        %parallel_loop3A_528 = tpu.vector_load_idx %arg5[%parallel_loop3A_527] : memref<8385xf32, #tpu.memory_space<vmem>>[vector<16xi32>], vector<16xf32>,
        %parallel_loop3A_529 = arith.constant 33 : i32
        %parallel_loop3A_530 = vector.broadcast %parallel_loop3A_529 : i32 to vector<16xi32>
        %parallel_loop3A_531 = arith.addi %parallel_loop3A_76, %parallel_loop3A_530 : vector<16xi32>
        %parallel_loop3A_532 = tpu.vector_load_idx %arg5[%parallel_loop3A_531] : memref<8385xf32, #tpu.memory_space<vmem>>[vector<16xi32>], vector<16xf32>,
        %parallel_loop3A_533 = arith.constant 34 : i32
        %parallel_loop3A_534 = vector.broadcast %parallel_loop3A_533 : i32 to vector<16xi32>
        %parallel_loop3A_535 = arith.addi %parallel_loop3A_76, %parallel_loop3A_534 : vector<16xi32>
        %parallel_loop3A_536 = tpu.vector_load_idx %arg5[%parallel_loop3A_535] : memref<8385xf32, #tpu.memory_space<vmem>>[vector<16xi32>], vector<16xf32>,
        %parallel_loop3A_537 = arith.constant 35 : i32
        %parallel_loop3A_538 = vector.broadcast %parallel_loop3A_537 : i32 to vector<16xi32>
        %parallel_loop3A_539 = arith.addi %parallel_loop3A_76, %parallel_loop3A_538 : vector<16xi32>
        %parallel_loop3A_540 = tpu.vector_load_idx %arg5[%parallel_loop3A_539] : memref<8385xf32, #tpu.memory_space<vmem>>[vector<16xi32>], vector<16xf32>,
        %parallel_loop3A_541 = arith.constant 36 : i32
        %parallel_loop3A_542 = vector.broadcast %parallel_loop3A_541 : i32 to vector<16xi32>
        %parallel_loop3A_543 = arith.addi %parallel_loop3A_76, %parallel_loop3A_542 : vector<16xi32>
        %parallel_loop3A_544 = tpu.vector_load_idx %arg5[%parallel_loop3A_543] : memref<8385xf32, #tpu.memory_space<vmem>>[vector<16xi32>], vector<16xf32>,
        %parallel_loop3A_545 = arith.constant 37 : i32
        %parallel_loop3A_546 = vector.broadcast %parallel_loop3A_545 : i32 to vector<16xi32>
        %parallel_loop3A_547 = arith.addi %parallel_loop3A_76, %parallel_loop3A_546 : vector<16xi32>
        %parallel_loop3A_548 = tpu.vector_load_idx %arg5[%parallel_loop3A_547] : memref<8385xf32, #tpu.memory_space<vmem>>[vector<16xi32>], vector<16xf32>,
        %parallel_loop3A_549 = arith.constant 38 : i32
        %parallel_loop3A_550 = vector.broadcast %parallel_loop3A_549 : i32 to vector<16xi32>
        %parallel_loop3A_551 = arith.addi %parallel_loop3A_76, %parallel_loop3A_550 : vector<16xi32>
        %parallel_loop3A_552 = tpu.vector_load_idx %arg5[%parallel_loop3A_551] : memref<8385xf32, #tpu.memory_space<vmem>>[vector<16xi32>], vector<16xf32>,
        %parallel_loop3A_553 = arith.constant 39 : i32
        %parallel_loop3A_554 = vector.broadcast %parallel_loop3A_553 : i32 to vector<16xi32>
        %parallel_loop3A_555 = arith.addi %parallel_loop3A_76, %parallel_loop3A_554 : vector<16xi32>
        %parallel_loop3A_556 = tpu.vector_load_idx %arg5[%parallel_loop3A_555] : memref<8385xf32, #tpu.memory_space<vmem>>[vector<16xi32>], vector<16xf32>,
        %parallel_loop3A_557 = arith.constant 0 : i32
        %parallel_loop3A_558 = arith.addi %parallel_loop3A_66, %parallel_loop3A_557 : i32
        %parallel_loop3A_559 = arith.constant 16 : i32
        %parallel_loop3A_560 = arith.muli %parallel_loop3A_558, %parallel_loop3A_559 : i32
        %parallel_loop3A_561 = arith.constant 4 : i32
        %parallel_loop3A_562 = arith.constant 0 : i32
        %parallel_loop3A_563 = arith.index_cast %parallel_loop3A_561 : i32 to index
        %parallel_loop3A_564 = arith.index_cast %parallel_loop3A_562 : i32 to index
        %parallel_loop3A_565 = arith.index_cast %parallel_loop3A_560 : i32 to index
        %parallel_loop3A_566 = tpu.vector_load %arg7[%parallel_loop3A_563, %parallel_loop3A_564, %parallel_loop3A_565] {strides = array<i32>} : memref<8x8x128xf32, #tpu.memory_space<vmem>>, vector<16xf32>,
        tpu.vector_store %arg7[%parallel_loop3A_563, %parallel_loop3A_564, %parallel_loop3A_565], %parallel_loop3A_528 {strides = array<i32>} : memref<8x8x128xf32, #tpu.memory_space<vmem>>, vector<16xf32>,
        %parallel_loop3A_567 = arith.constant 0 : i32
        %parallel_loop3A_568 = arith.addi %parallel_loop3A_66, %parallel_loop3A_567 : i32
        %parallel_loop3A_569 = arith.constant 16 : i32
        %parallel_loop3A_570 = arith.muli %parallel_loop3A_568, %parallel_loop3A_569 : i32
        %parallel_loop3A_571 = arith.constant 4 : i32
        %parallel_loop3A_572 = arith.constant 1 : i32
        %parallel_loop3A_573 = arith.index_cast %parallel_loop3A_571 : i32 to index
        %parallel_loop3A_574 = arith.index_cast %parallel_loop3A_572 : i32 to index
        %parallel_loop3A_575 = arith.index_cast %parallel_loop3A_570 : i32 to index
        %parallel_loop3A_576 = tpu.vector_load %arg7[%parallel_loop3A_573, %parallel_loop3A_574, %parallel_loop3A_575] {strides = array<i32>} : memref<8x8x128xf32, #tpu.memory_space<vmem>>, vector<16xf32>,
        tpu.vector_store %arg7[%parallel_loop3A_573, %parallel_loop3A_574, %parallel_loop3A_575], %parallel_loop3A_532 {strides = array<i32>} : memref<8x8x128xf32, #tpu.memory_space<vmem>>, vector<16xf32>,
        %parallel_loop3A_577 = arith.constant 0 : i32
        %parallel_loop3A_578 = arith.addi %parallel_loop3A_66, %parallel_loop3A_577 : i32
        %parallel_loop3A_579 = arith.constant 16 : i32
        %parallel_loop3A_580 = arith.muli %parallel_loop3A_578, %parallel_loop3A_579 : i32
        %parallel_loop3A_581 = arith.constant 4 : i32
        %parallel_loop3A_582 = arith.constant 2 : i32
        %parallel_loop3A_583 = arith.index_cast %parallel_loop3A_581 : i32 to index
        %parallel_loop3A_584 = arith.index_cast %parallel_loop3A_582 : i32 to index
        %parallel_loop3A_585 = arith.index_cast %parallel_loop3A_580 : i32 to index
        %parallel_loop3A_586 = tpu.vector_load %arg7[%parallel_loop3A_583, %parallel_loop3A_584, %parallel_loop3A_585] {strides = array<i32>} : memref<8x8x128xf32, #tpu.memory_space<vmem>>, vector<16xf32>,
        tpu.vector_store %arg7[%parallel_loop3A_583, %parallel_loop3A_584, %parallel_loop3A_585], %parallel_loop3A_536 {strides = array<i32>} : memref<8x8x128xf32, #tpu.memory_space<vmem>>, vector<16xf32>,
        %parallel_loop3A_587 = arith.constant 0 : i32
        %parallel_loop3A_588 = arith.addi %parallel_loop3A_66, %parallel_loop3A_587 : i32
        %parallel_loop3A_589 = arith.constant 16 : i32
        %parallel_loop3A_590 = arith.muli %parallel_loop3A_588, %parallel_loop3A_589 : i32
        %parallel_loop3A_591 = arith.constant 4 : i32
        %parallel_loop3A_592 = arith.constant 3 : i32
        %parallel_loop3A_593 = arith.index_cast %parallel_loop3A_591 : i32 to index
        %parallel_loop3A_594 = arith.index_cast %parallel_loop3A_592 : i32 to index
        %parallel_loop3A_595 = arith.index_cast %parallel_loop3A_590 : i32 to index
        %parallel_loop3A_596 = tpu.vector_load %arg7[%parallel_loop3A_593, %parallel_loop3A_594, %parallel_loop3A_595] {strides = array<i32>} : memref<8x8x128xf32, #tpu.memory_space<vmem>>, vector<16xf32>,
        tpu.vector_store %arg7[%parallel_loop3A_593, %parallel_loop3A_594, %parallel_loop3A_595], %parallel_loop3A_540 {strides = array<i32>} : memref<8x8x128xf32, #tpu.memory_space<vmem>>, vector<16xf32>,
        %parallel_loop3A_597 = arith.constant 0 : i32
        %parallel_loop3A_598 = arith.addi %parallel_loop3A_66, %parallel_loop3A_597 : i32
        %parallel_loop3A_599 = arith.constant 16 : i32
        %parallel_loop3A_600 = arith.muli %parallel_loop3A_598, %parallel_loop3A_599 : i32
        %parallel_loop3A_601 = arith.constant 4 : i32
        %parallel_loop3A_602 = arith.constant 4 : i32
        %parallel_loop3A_603 = arith.index_cast %parallel_loop3A_601 : i32 to index
        %parallel_loop3A_604 = arith.index_cast %parallel_loop3A_602 : i32 to index
        %parallel_loop3A_605 = arith.index_cast %parallel_loop3A_600 : i32 to index
        %parallel_loop3A_606 = tpu.vector_load %arg7[%parallel_loop3A_603, %parallel_loop3A_604, %parallel_loop3A_605] {strides = array<i32>} : memref<8x8x128xf32, #tpu.memory_space<vmem>>, vector<16xf32>,
        tpu.vector_store %arg7[%parallel_loop3A_603, %parallel_loop3A_604, %parallel_loop3A_605], %parallel_loop3A_544 {strides = array<i32>} : memref<8x8x128xf32, #tpu.memory_space<vmem>>, vector<16xf32>,
        %parallel_loop3A_607 = arith.constant 0 : i32
        %parallel_loop3A_608 = arith.addi %parallel_loop3A_66, %parallel_loop3A_607 : i32
        %parallel_loop3A_609 = arith.constant 16 : i32
        %parallel_loop3A_610 = arith.muli %parallel_loop3A_608, %parallel_loop3A_609 : i32
        %parallel_loop3A_611 = arith.constant 4 : i32
        %parallel_loop3A_612 = arith.constant 5 : i32
        %parallel_loop3A_613 = arith.index_cast %parallel_loop3A_611 : i32 to index
        %parallel_loop3A_614 = arith.index_cast %parallel_loop3A_612 : i32 to index
        %parallel_loop3A_615 = arith.index_cast %parallel_loop3A_610 : i32 to index
        %parallel_loop3A_616 = tpu.vector_load %arg7[%parallel_loop3A_613, %parallel_loop3A_614, %parallel_loop3A_615] {strides = array<i32>} : memref<8x8x128xf32, #tpu.memory_space<vmem>>, vector<16xf32>,
        tpu.vector_store %arg7[%parallel_loop3A_613, %parallel_loop3A_614, %parallel_loop3A_615], %parallel_loop3A_548 {strides = array<i32>} : memref<8x8x128xf32, #tpu.memory_space<vmem>>, vector<16xf32>,
        %parallel_loop3A_617 = arith.constant 0 : i32
        %parallel_loop3A_618 = arith.addi %parallel_loop3A_66, %parallel_loop3A_617 : i32
        %parallel_loop3A_619 = arith.constant 16 : i32
        %parallel_loop3A_620 = arith.muli %parallel_loop3A_618, %parallel_loop3A_619 : i32
        %parallel_loop3A_621 = arith.constant 4 : i32
        %parallel_loop3A_622 = arith.constant 6 : i32
        %parallel_loop3A_623 = arith.index_cast %parallel_loop3A_621 : i32 to index
        %parallel_loop3A_624 = arith.index_cast %parallel_loop3A_622 : i32 to index
        %parallel_loop3A_625 = arith.index_cast %parallel_loop3A_620 : i32 to index
        %parallel_loop3A_626 = tpu.vector_load %arg7[%parallel_loop3A_623, %parallel_loop3A_624, %parallel_loop3A_625] {strides = array<i32>} : memref<8x8x128xf32, #tpu.memory_space<vmem>>, vector<16xf32>,
        tpu.vector_store %arg7[%parallel_loop3A_623, %parallel_loop3A_624, %parallel_loop3A_625], %parallel_loop3A_552 {strides = array<i32>} : memref<8x8x128xf32, #tpu.memory_space<vmem>>, vector<16xf32>,
        %parallel_loop3A_627 = arith.constant 0 : i32
        %parallel_loop3A_628 = arith.addi %parallel_loop3A_66, %parallel_loop3A_627 : i32
        %parallel_loop3A_629 = arith.constant 16 : i32
        %parallel_loop3A_630 = arith.muli %parallel_loop3A_628, %parallel_loop3A_629 : i32
        %parallel_loop3A_631 = arith.constant 4 : i32
        %parallel_loop3A_632 = arith.constant 7 : i32
        %parallel_loop3A_633 = arith.index_cast %parallel_loop3A_631 : i32 to index
        %parallel_loop3A_634 = arith.index_cast %parallel_loop3A_632 : i32 to index
        %parallel_loop3A_635 = arith.index_cast %parallel_loop3A_630 : i32 to index
        %parallel_loop3A_636 = tpu.vector_load %arg7[%parallel_loop3A_633, %parallel_loop3A_634, %parallel_loop3A_635] {strides = array<i32>} : memref<8x8x128xf32, #tpu.memory_space<vmem>>, vector<16xf32>,
        tpu.vector_store %arg7[%parallel_loop3A_633, %parallel_loop3A_634, %parallel_loop3A_635], %parallel_loop3A_556 {strides = array<i32>} : memref<8x8x128xf32, #tpu.memory_space<vmem>>, vector<16xf32>,
        %parallel_loop3A_637 = arith.constant 40 : i32
        %parallel_loop3A_638 = vector.broadcast %parallel_loop3A_637 : i32 to vector<16xi32>
        %parallel_loop3A_639 = arith.addi %parallel_loop3A_76, %parallel_loop3A_638 : vector<16xi32>
        %parallel_loop3A_640 = tpu.vector_load_idx %arg5[%parallel_loop3A_639] : memref<8385xf32, #tpu.memory_space<vmem>>[vector<16xi32>], vector<16xf32>,
        %parallel_loop3A_641 = arith.constant 41 : i32
        %parallel_loop3A_642 = vector.broadcast %parallel_loop3A_641 : i32 to vector<16xi32>
        %parallel_loop3A_643 = arith.addi %parallel_loop3A_76, %parallel_loop3A_642 : vector<16xi32>
        %parallel_loop3A_644 = tpu.vector_load_idx %arg5[%parallel_loop3A_643] : memref<8385xf32, #tpu.memory_space<vmem>>[vector<16xi32>], vector<16xf32>,
        %parallel_loop3A_645 = arith.constant 42 : i32
        %parallel_loop3A_646 = vector.broadcast %parallel_loop3A_645 : i32 to vector<16xi32>
        %parallel_loop3A_647 = arith.addi %parallel_loop3A_76, %parallel_loop3A_646 : vector<16xi32>
        %parallel_loop3A_648 = tpu.vector_load_idx %arg5[%parallel_loop3A_647] : memref<8385xf32, #tpu.memory_space<vmem>>[vector<16xi32>], vector<16xf32>,
        %parallel_loop3A_649 = arith.constant 43 : i32
        %parallel_loop3A_650 = vector.broadcast %parallel_loop3A_649 : i32 to vector<16xi32>
        %parallel_loop3A_651 = arith.addi %parallel_loop3A_76, %parallel_loop3A_650 : vector<16xi32>
        %parallel_loop3A_652 = tpu.vector_load_idx %arg5[%parallel_loop3A_651] : memref<8385xf32, #tpu.memory_space<vmem>>[vector<16xi32>], vector<16xf32>,
        %parallel_loop3A_653 = arith.constant 44 : i32
        %parallel_loop3A_654 = vector.broadcast %parallel_loop3A_653 : i32 to vector<16xi32>
        %parallel_loop3A_655 = arith.addi %parallel_loop3A_76, %parallel_loop3A_654 : vector<16xi32>
        %parallel_loop3A_656 = tpu.vector_load_idx %arg5[%parallel_loop3A_655] : memref<8385xf32, #tpu.memory_space<vmem>>[vector<16xi32>], vector<16xf32>,
        %parallel_loop3A_657 = arith.constant 45 : i32
        %parallel_loop3A_658 = vector.broadcast %parallel_loop3A_657 : i32 to vector<16xi32>
        %parallel_loop3A_659 = arith.addi %parallel_loop3A_76, %parallel_loop3A_658 : vector<16xi32>
        %parallel_loop3A_660 = tpu.vector_load_idx %arg5[%parallel_loop3A_659] : memref<8385xf32, #tpu.memory_space<vmem>>[vector<16xi32>], vector<16xf32>,
        %parallel_loop3A_661 = arith.constant 46 : i32
        %parallel_loop3A_662 = vector.broadcast %parallel_loop3A_661 : i32 to vector<16xi32>
        %parallel_loop3A_663 = arith.addi %parallel_loop3A_76, %parallel_loop3A_662 : vector<16xi32>
        %parallel_loop3A_664 = tpu.vector_load_idx %arg5[%parallel_loop3A_663] : memref<8385xf32, #tpu.memory_space<vmem>>[vector<16xi32>], vector<16xf32>,
        %parallel_loop3A_665 = arith.constant 47 : i32
        %parallel_loop3A_666 = vector.broadcast %parallel_loop3A_665 : i32 to vector<16xi32>
        %parallel_loop3A_667 = arith.addi %parallel_loop3A_76, %parallel_loop3A_666 : vector<16xi32>
        %parallel_loop3A_668 = tpu.vector_load_idx %arg5[%parallel_loop3A_667] : memref<8385xf32, #tpu.memory_space<vmem>>[vector<16xi32>], vector<16xf32>,
        %parallel_loop3A_669 = arith.constant 0 : i32
        %parallel_loop3A_670 = arith.addi %parallel_loop3A_66, %parallel_loop3A_669 : i32
        %parallel_loop3A_671 = arith.constant 16 : i32
        %parallel_loop3A_672 = arith.muli %parallel_loop3A_670, %parallel_loop3A_671 : i32
        %parallel_loop3A_673 = arith.constant 5 : i32
        %parallel_loop3A_674 = arith.constant 0 : i32
        %parallel_loop3A_675 = arith.index_cast %parallel_loop3A_673 : i32 to index
        %parallel_loop3A_676 = arith.index_cast %parallel_loop3A_674 : i32 to index
        %parallel_loop3A_677 = arith.index_cast %parallel_loop3A_672 : i32 to index
        %parallel_loop3A_678 = tpu.vector_load %arg7[%parallel_loop3A_675, %parallel_loop3A_676, %parallel_loop3A_677] {strides = array<i32>} : memref<8x8x128xf32, #tpu.memory_space<vmem>>, vector<16xf32>,
        tpu.vector_store %arg7[%parallel_loop3A_675, %parallel_loop3A_676, %parallel_loop3A_677], %parallel_loop3A_640 {strides = array<i32>} : memref<8x8x128xf32, #tpu.memory_space<vmem>>, vector<16xf32>,
        %parallel_loop3A_679 = arith.constant 0 : i32
        %parallel_loop3A_680 = arith.addi %parallel_loop3A_66, %parallel_loop3A_679 : i32
        %parallel_loop3A_681 = arith.constant 16 : i32
        %parallel_loop3A_682 = arith.muli %parallel_loop3A_680, %parallel_loop3A_681 : i32
        %parallel_loop3A_683 = arith.constant 5 : i32
        %parallel_loop3A_684 = arith.constant 1 : i32
        %parallel_loop3A_685 = arith.index_cast %parallel_loop3A_683 : i32 to index
        %parallel_loop3A_686 = arith.index_cast %parallel_loop3A_684 : i32 to index
        %parallel_loop3A_687 = arith.index_cast %parallel_loop3A_682 : i32 to index
        %parallel_loop3A_688 = tpu.vector_load %arg7[%parallel_loop3A_685, %parallel_loop3A_686, %parallel_loop3A_687] {strides = array<i32>} : memref<8x8x128xf32, #tpu.memory_space<vmem>>, vector<16xf32>,
        tpu.vector_store %arg7[%parallel_loop3A_685, %parallel_loop3A_686, %parallel_loop3A_687], %parallel_loop3A_644 {strides = array<i32>} : memref<8x8x128xf32, #tpu.memory_space<vmem>>, vector<16xf32>,
        %parallel_loop3A_689 = arith.constant 0 : i32
        %parallel_loop3A_690 = arith.addi %parallel_loop3A_66, %parallel_loop3A_689 : i32
        %parallel_loop3A_691 = arith.constant 16 : i32
        %parallel_loop3A_692 = arith.muli %parallel_loop3A_690, %parallel_loop3A_691 : i32
        %parallel_loop3A_693 = arith.constant 5 : i32
        %parallel_loop3A_694 = arith.constant 2 : i32
        %parallel_loop3A_695 = arith.index_cast %parallel_loop3A_693 : i32 to index
        %parallel_loop3A_696 = arith.index_cast %parallel_loop3A_694 : i32 to index
        %parallel_loop3A_697 = arith.index_cast %parallel_loop3A_692 : i32 to index
        %parallel_loop3A_698 = tpu.vector_load %arg7[%parallel_loop3A_695, %parallel_loop3A_696, %parallel_loop3A_697] {strides = array<i32>} : memref<8x8x128xf32, #tpu.memory_space<vmem>>, vector<16xf32>,
        tpu.vector_store %arg7[%parallel_loop3A_695, %parallel_loop3A_696, %parallel_loop3A_697], %parallel_loop3A_648 {strides = array<i32>} : memref<8x8x128xf32, #tpu.memory_space<vmem>>, vector<16xf32>,
        %parallel_loop3A_699 = arith.constant 0 : i32
        %parallel_loop3A_700 = arith.addi %parallel_loop3A_66, %parallel_loop3A_699 : i32
        %parallel_loop3A_701 = arith.constant 16 : i32
        %parallel_loop3A_702 = arith.muli %parallel_loop3A_700, %parallel_loop3A_701 : i32
        %parallel_loop3A_703 = arith.constant 5 : i32
        %parallel_loop3A_704 = arith.constant 3 : i32
        %parallel_loop3A_705 = arith.index_cast %parallel_loop3A_703 : i32 to index
        %parallel_loop3A_706 = arith.index_cast %parallel_loop3A_704 : i32 to index
        %parallel_loop3A_707 = arith.index_cast %parallel_loop3A_702 : i32 to index
        %parallel_loop3A_708 = tpu.vector_load %arg7[%parallel_loop3A_705, %parallel_loop3A_706, %parallel_loop3A_707] {strides = array<i32>} : memref<8x8x128xf32, #tpu.memory_space<vmem>>, vector<16xf32>,
        tpu.vector_store %arg7[%parallel_loop3A_705, %parallel_loop3A_706, %parallel_loop3A_707], %parallel_loop3A_652 {strides = array<i32>} : memref<8x8x128xf32, #tpu.memory_space<vmem>>, vector<16xf32>,
        %parallel_loop3A_709 = arith.constant 0 : i32
        %parallel_loop3A_710 = arith.addi %parallel_loop3A_66, %parallel_loop3A_709 : i32
        %parallel_loop3A_711 = arith.constant 16 : i32
        %parallel_loop3A_712 = arith.muli %parallel_loop3A_710, %parallel_loop3A_711 : i32
        %parallel_loop3A_713 = arith.constant 5 : i32
        %parallel_loop3A_714 = arith.constant 4 : i32
        %parallel_loop3A_715 = arith.index_cast %parallel_loop3A_713 : i32 to index
        %parallel_loop3A_716 = arith.index_cast %parallel_loop3A_714 : i32 to index
        %parallel_loop3A_717 = arith.index_cast %parallel_loop3A_712 : i32 to index
        %parallel_loop3A_718 = tpu.vector_load %arg7[%parallel_loop3A_715, %parallel_loop3A_716, %parallel_loop3A_717] {strides = array<i32>} : memref<8x8x128xf32, #tpu.memory_space<vmem>>, vector<16xf32>,
        tpu.vector_store %arg7[%parallel_loop3A_715, %parallel_loop3A_716, %parallel_loop3A_717], %parallel_loop3A_656 {strides = array<i32>} : memref<8x8x128xf32, #tpu.memory_space<vmem>>, vector<16xf32>,
        %parallel_loop3A_719 = arith.constant 0 : i32
        %parallel_loop3A_720 = arith.addi %parallel_loop3A_66, %parallel_loop3A_719 : i32
        %parallel_loop3A_721 = arith.constant 16 : i32
        %parallel_loop3A_722 = arith.muli %parallel_loop3A_720, %parallel_loop3A_721 : i32
        %parallel_loop3A_723 = arith.constant 5 : i32
        %parallel_loop3A_724 = arith.constant 5 : i32
        %parallel_loop3A_725 = arith.index_cast %parallel_loop3A_723 : i32 to index
        %parallel_loop3A_726 = arith.index_cast %parallel_loop3A_724 : i32 to index
        %parallel_loop3A_727 = arith.index_cast %parallel_loop3A_722 : i32 to index
        %parallel_loop3A_728 = tpu.vector_load %arg7[%parallel_loop3A_725, %parallel_loop3A_726, %parallel_loop3A_727] {strides = array<i32>} : memref<8x8x128xf32, #tpu.memory_space<vmem>>, vector<16xf32>,
        tpu.vector_store %arg7[%parallel_loop3A_725, %parallel_loop3A_726, %parallel_loop3A_727], %parallel_loop3A_660 {strides = array<i32>} : memref<8x8x128xf32, #tpu.memory_space<vmem>>, vector<16xf32>,
        %parallel_loop3A_729 = arith.constant 0 : i32
        %parallel_loop3A_730 = arith.addi %parallel_loop3A_66, %parallel_loop3A_729 : i32
        %parallel_loop3A_731 = arith.constant 16 : i32
        %parallel_loop3A_732 = arith.muli %parallel_loop3A_730, %parallel_loop3A_731 : i32
        %parallel_loop3A_733 = arith.constant 5 : i32
        %parallel_loop3A_734 = arith.constant 6 : i32
        %parallel_loop3A_735 = arith.index_cast %parallel_loop3A_733 : i32 to index
        %parallel_loop3A_736 = arith.index_cast %parallel_loop3A_734 : i32 to index
        %parallel_loop3A_737 = arith.index_cast %parallel_loop3A_732 : i32 to index
        %parallel_loop3A_738 = tpu.vector_load %arg7[%parallel_loop3A_735, %parallel_loop3A_736, %parallel_loop3A_737] {strides = array<i32>} : memref<8x8x128xf32, #tpu.memory_space<vmem>>, vector<16xf32>,
        tpu.vector_store %arg7[%parallel_loop3A_735, %parallel_loop3A_736, %parallel_loop3A_737], %parallel_loop3A_664 {strides = array<i32>} : memref<8x8x128xf32, #tpu.memory_space<vmem>>, vector<16xf32>,
        %parallel_loop3A_739 = arith.constant 0 : i32
        %parallel_loop3A_740 = arith.addi %parallel_loop3A_66, %parallel_loop3A_739 : i32
        %parallel_loop3A_741 = arith.constant 16 : i32
        %parallel_loop3A_742 = arith.muli %parallel_loop3A_740, %parallel_loop3A_741 : i32
        %parallel_loop3A_743 = arith.constant 5 : i32
        %parallel_loop3A_744 = arith.constant 7 : i32
        %parallel_loop3A_745 = arith.index_cast %parallel_loop3A_743 : i32 to index
        %parallel_loop3A_746 = arith.index_cast %parallel_loop3A_744 : i32 to index
        %parallel_loop3A_747 = arith.index_cast %parallel_loop3A_742 : i32 to index
        %parallel_loop3A_748 = tpu.vector_load %arg7[%parallel_loop3A_745, %parallel_loop3A_746, %parallel_loop3A_747] {strides = array<i32>} : memref<8x8x128xf32, #tpu.memory_space<vmem>>, vector<16xf32>,
        tpu.vector_store %arg7[%parallel_loop3A_745, %parallel_loop3A_746, %parallel_loop3A_747], %parallel_loop3A_668 {strides = array<i32>} : memref<8x8x128xf32, #tpu.memory_space<vmem>>, vector<16xf32>,
        %parallel_loop3A_749 = arith.constant 48 : i32
        %parallel_loop3A_750 = vector.broadcast %parallel_loop3A_749 : i32 to vector<16xi32>
        %parallel_loop3A_751 = arith.addi %parallel_loop3A_76, %parallel_loop3A_750 : vector<16xi32>
        %parallel_loop3A_752 = tpu.vector_load_idx %arg5[%parallel_loop3A_751] : memref<8385xf32, #tpu.memory_space<vmem>>[vector<16xi32>], vector<16xf32>,
        %parallel_loop3A_753 = arith.constant 49 : i32
        %parallel_loop3A_754 = vector.broadcast %parallel_loop3A_753 : i32 to vector<16xi32>
        %parallel_loop3A_755 = arith.addi %parallel_loop3A_76, %parallel_loop3A_754 : vector<16xi32>
        %parallel_loop3A_756 = tpu.vector_load_idx %arg5[%parallel_loop3A_755] : memref<8385xf32, #tpu.memory_space<vmem>>[vector<16xi32>], vector<16xf32>,
        %parallel_loop3A_757 = arith.constant 50 : i32
        %parallel_loop3A_758 = vector.broadcast %parallel_loop3A_757 : i32 to vector<16xi32>
        %parallel_loop3A_759 = arith.addi %parallel_loop3A_76, %parallel_loop3A_758 : vector<16xi32>
        %parallel_loop3A_760 = tpu.vector_load_idx %arg5[%parallel_loop3A_759] : memref<8385xf32, #tpu.memory_space<vmem>>[vector<16xi32>], vector<16xf32>,
        %parallel_loop3A_761 = arith.constant 51 : i32
        %parallel_loop3A_762 = vector.broadcast %parallel_loop3A_761 : i32 to vector<16xi32>
        %parallel_loop3A_763 = arith.addi %parallel_loop3A_76, %parallel_loop3A_762 : vector<16xi32>
        %parallel_loop3A_764 = tpu.vector_load_idx %arg5[%parallel_loop3A_763] : memref<8385xf32, #tpu.memory_space<vmem>>[vector<16xi32>], vector<16xf32>,
        %parallel_loop3A_765 = arith.constant 52 : i32
        %parallel_loop3A_766 = vector.broadcast %parallel_loop3A_765 : i32 to vector<16xi32>
        %parallel_loop3A_767 = arith.addi %parallel_loop3A_76, %parallel_loop3A_766 : vector<16xi32>
        %parallel_loop3A_768 = tpu.vector_load_idx %arg5[%parallel_loop3A_767] : memref<8385xf32, #tpu.memory_space<vmem>>[vector<16xi32>], vector<16xf32>,
        %parallel_loop3A_769 = arith.constant 53 : i32
        %parallel_loop3A_770 = vector.broadcast %parallel_loop3A_769 : i32 to vector<16xi32>
        %parallel_loop3A_771 = arith.addi %parallel_loop3A_76, %parallel_loop3A_770 : vector<16xi32>
        %parallel_loop3A_772 = tpu.vector_load_idx %arg5[%parallel_loop3A_771] : memref<8385xf32, #tpu.memory_space<vmem>>[vector<16xi32>], vector<16xf32>,
        %parallel_loop3A_773 = arith.constant 54 : i32
        %parallel_loop3A_774 = vector.broadcast %parallel_loop3A_773 : i32 to vector<16xi32>
        %parallel_loop3A_775 = arith.addi %parallel_loop3A_76, %parallel_loop3A_774 : vector<16xi32>
        %parallel_loop3A_776 = tpu.vector_load_idx %arg5[%parallel_loop3A_775] : memref<8385xf32, #tpu.memory_space<vmem>>[vector<16xi32>], vector<16xf32>,
        %parallel_loop3A_777 = arith.constant 55 : i32
        %parallel_loop3A_778 = vector.broadcast %parallel_loop3A_777 : i32 to vector<16xi32>
        %parallel_loop3A_779 = arith.addi %parallel_loop3A_76, %parallel_loop3A_778 : vector<16xi32>
        %parallel_loop3A_780 = tpu.vector_load_idx %arg5[%parallel_loop3A_779] : memref<8385xf32, #tpu.memory_space<vmem>>[vector<16xi32>], vector<16xf32>,
        %parallel_loop3A_781 = arith.constant 0 : i32
        %parallel_loop3A_782 = arith.addi %parallel_loop3A_66, %parallel_loop3A_781 : i32
        %parallel_loop3A_783 = arith.constant 16 : i32
        %parallel_loop3A_784 = arith.muli %parallel_loop3A_782, %parallel_loop3A_783 : i32
        %parallel_loop3A_785 = arith.constant 6 : i32
        %parallel_loop3A_786 = arith.constant 0 : i32
        %parallel_loop3A_787 = arith.index_cast %parallel_loop3A_785 : i32 to index
        %parallel_loop3A_788 = arith.index_cast %parallel_loop3A_786 : i32 to index
        %parallel_loop3A_789 = arith.index_cast %parallel_loop3A_784 : i32 to index
        %parallel_loop3A_790 = tpu.vector_load %arg7[%parallel_loop3A_787, %parallel_loop3A_788, %parallel_loop3A_789] {strides = array<i32>} : memref<8x8x128xf32, #tpu.memory_space<vmem>>, vector<16xf32>,
        tpu.vector_store %arg7[%parallel_loop3A_787, %parallel_loop3A_788, %parallel_loop3A_789], %parallel_loop3A_752 {strides = array<i32>} : memref<8x8x128xf32, #tpu.memory_space<vmem>>, vector<16xf32>,
        %parallel_loop3A_791 = arith.constant 0 : i32
        %parallel_loop3A_792 = arith.addi %parallel_loop3A_66, %parallel_loop3A_791 : i32
        %parallel_loop3A_793 = arith.constant 16 : i32
        %parallel_loop3A_794 = arith.muli %parallel_loop3A_792, %parallel_loop3A_793 : i32
        %parallel_loop3A_795 = arith.constant 6 : i32
        %parallel_loop3A_796 = arith.constant 1 : i32
        %parallel_loop3A_797 = arith.index_cast %parallel_loop3A_795 : i32 to index
        %parallel_loop3A_798 = arith.index_cast %parallel_loop3A_796 : i32 to index
        %parallel_loop3A_799 = arith.index_cast %parallel_loop3A_794 : i32 to index
        %parallel_loop3A_800 = tpu.vector_load %arg7[%parallel_loop3A_797, %parallel_loop3A_798, %parallel_loop3A_799] {strides = array<i32>} : memref<8x8x128xf32, #tpu.memory_space<vmem>>, vector<16xf32>,
        tpu.vector_store %arg7[%parallel_loop3A_797, %parallel_loop3A_798, %parallel_loop3A_799], %parallel_loop3A_756 {strides = array<i32>} : memref<8x8x128xf32, #tpu.memory_space<vmem>>, vector<16xf32>,
        %parallel_loop3A_801 = arith.constant 0 : i32
        %parallel_loop3A_802 = arith.addi %parallel_loop3A_66, %parallel_loop3A_801 : i32
        %parallel_loop3A_803 = arith.constant 16 : i32
        %parallel_loop3A_804 = arith.muli %parallel_loop3A_802, %parallel_loop3A_803 : i32
        %parallel_loop3A_805 = arith.constant 6 : i32
        %parallel_loop3A_806 = arith.constant 2 : i32
        %parallel_loop3A_807 = arith.index_cast %parallel_loop3A_805 : i32 to index
        %parallel_loop3A_808 = arith.index_cast %parallel_loop3A_806 : i32 to index
        %parallel_loop3A_809 = arith.index_cast %parallel_loop3A_804 : i32 to index
        %parallel_loop3A_810 = tpu.vector_load %arg7[%parallel_loop3A_807, %parallel_loop3A_808, %parallel_loop3A_809] {strides = array<i32>} : memref<8x8x128xf32, #tpu.memory_space<vmem>>, vector<16xf32>,
        tpu.vector_store %arg7[%parallel_loop3A_807, %parallel_loop3A_808, %parallel_loop3A_809], %parallel_loop3A_760 {strides = array<i32>} : memref<8x8x128xf32, #tpu.memory_space<vmem>>, vector<16xf32>,
        %parallel_loop3A_811 = arith.constant 0 : i32
        %parallel_loop3A_812 = arith.addi %parallel_loop3A_66, %parallel_loop3A_811 : i32
        %parallel_loop3A_813 = arith.constant 16 : i32
        %parallel_loop3A_814 = arith.muli %parallel_loop3A_812, %parallel_loop3A_813 : i32
        %parallel_loop3A_815 = arith.constant 6 : i32
        %parallel_loop3A_816 = arith.constant 3 : i32
        %parallel_loop3A_817 = arith.index_cast %parallel_loop3A_815 : i32 to index
        %parallel_loop3A_818 = arith.index_cast %parallel_loop3A_816 : i32 to index
        %parallel_loop3A_819 = arith.index_cast %parallel_loop3A_814 : i32 to index
        %parallel_loop3A_820 = tpu.vector_load %arg7[%parallel_loop3A_817, %parallel_loop3A_818, %parallel_loop3A_819] {strides = array<i32>} : memref<8x8x128xf32, #tpu.memory_space<vmem>>, vector<16xf32>,
        tpu.vector_store %arg7[%parallel_loop3A_817, %parallel_loop3A_818, %parallel_loop3A_819], %parallel_loop3A_764 {strides = array<i32>} : memref<8x8x128xf32, #tpu.memory_space<vmem>>, vector<16xf32>,
        %parallel_loop3A_821 = arith.constant 0 : i32
        %parallel_loop3A_822 = arith.addi %parallel_loop3A_66, %parallel_loop3A_821 : i32
        %parallel_loop3A_823 = arith.constant 16 : i32
        %parallel_loop3A_824 = arith.muli %parallel_loop3A_822, %parallel_loop3A_823 : i32
        %parallel_loop3A_825 = arith.constant 6 : i32
        %parallel_loop3A_826 = arith.constant 4 : i32
        %parallel_loop3A_827 = arith.index_cast %parallel_loop3A_825 : i32 to index
        %parallel_loop3A_828 = arith.index_cast %parallel_loop3A_826 : i32 to index
        %parallel_loop3A_829 = arith.index_cast %parallel_loop3A_824 : i32 to index
        %parallel_loop3A_830 = tpu.vector_load %arg7[%parallel_loop3A_827, %parallel_loop3A_828, %parallel_loop3A_829] {strides = array<i32>} : memref<8x8x128xf32, #tpu.memory_space<vmem>>, vector<16xf32>,
        tpu.vector_store %arg7[%parallel_loop3A_827, %parallel_loop3A_828, %parallel_loop3A_829], %parallel_loop3A_768 {strides = array<i32>} : memref<8x8x128xf32, #tpu.memory_space<vmem>>, vector<16xf32>,
        %parallel_loop3A_831 = arith.constant 0 : i32
        %parallel_loop3A_832 = arith.addi %parallel_loop3A_66, %parallel_loop3A_831 : i32
        %parallel_loop3A_833 = arith.constant 16 : i32
        %parallel_loop3A_834 = arith.muli %parallel_loop3A_832, %parallel_loop3A_833 : i32
        %parallel_loop3A_835 = arith.constant 6 : i32
        %parallel_loop3A_836 = arith.constant 5 : i32
        %parallel_loop3A_837 = arith.index_cast %parallel_loop3A_835 : i32 to index
        %parallel_loop3A_838 = arith.index_cast %parallel_loop3A_836 : i32 to index
        %parallel_loop3A_839 = arith.index_cast %parallel_loop3A_834 : i32 to index
        %parallel_loop3A_840 = tpu.vector_load %arg7[%parallel_loop3A_837, %parallel_loop3A_838, %parallel_loop3A_839] {strides = array<i32>} : memref<8x8x128xf32, #tpu.memory_space<vmem>>, vector<16xf32>,
        tpu.vector_store %arg7[%parallel_loop3A_837, %parallel_loop3A_838, %parallel_loop3A_839], %parallel_loop3A_772 {strides = array<i32>} : memref<8x8x128xf32, #tpu.memory_space<vmem>>, vector<16xf32>,
        %parallel_loop3A_841 = arith.constant 0 : i32
        %parallel_loop3A_842 = arith.addi %parallel_loop3A_66, %parallel_loop3A_841 : i32
        %parallel_loop3A_843 = arith.constant 16 : i32
        %parallel_loop3A_844 = arith.muli %parallel_loop3A_842, %parallel_loop3A_843 : i32
        %parallel_loop3A_845 = arith.constant 6 : i32
        %parallel_loop3A_846 = arith.constant 6 : i32
        %parallel_loop3A_847 = arith.index_cast %parallel_loop3A_845 : i32 to index
        %parallel_loop3A_848 = arith.index_cast %parallel_loop3A_846 : i32 to index
        %parallel_loop3A_849 = arith.index_cast %parallel_loop3A_844 : i32 to index
        %parallel_loop3A_850 = tpu.vector_load %arg7[%parallel_loop3A_847, %parallel_loop3A_848, %parallel_loop3A_849] {strides = array<i32>} : memref<8x8x128xf32, #tpu.memory_space<vmem>>, vector<16xf32>,
        tpu.vector_store %arg7[%parallel_loop3A_847, %parallel_loop3A_848, %parallel_loop3A_849], %parallel_loop3A_776 {strides = array<i32>} : memref<8x8x128xf32, #tpu.memory_space<vmem>>, vector<16xf32>,
        %parallel_loop3A_851 = arith.constant 0 : i32
        %parallel_loop3A_852 = arith.addi %parallel_loop3A_66, %parallel_loop3A_851 : i32
        %parallel_loop3A_853 = arith.constant 16 : i32
        %parallel_loop3A_854 = arith.muli %parallel_loop3A_852, %parallel_loop3A_853 : i32
        %parallel_loop3A_855 = arith.constant 6 : i32
        %parallel_loop3A_856 = arith.constant 7 : i32
        %parallel_loop3A_857 = arith.index_cast %parallel_loop3A_855 : i32 to index
        %parallel_loop3A_858 = arith.index_cast %parallel_loop3A_856 : i32 to index
        %parallel_loop3A_859 = arith.index_cast %parallel_loop3A_854 : i32 to index
        %parallel_loop3A_860 = tpu.vector_load %arg7[%parallel_loop3A_857, %parallel_loop3A_858, %parallel_loop3A_859] {strides = array<i32>} : memref<8x8x128xf32, #tpu.memory_space<vmem>>, vector<16xf32>,
        tpu.vector_store %arg7[%parallel_loop3A_857, %parallel_loop3A_858, %parallel_loop3A_859], %parallel_loop3A_780 {strides = array<i32>} : memref<8x8x128xf32, #tpu.memory_space<vmem>>, vector<16xf32>,
        %parallel_loop3A_861 = arith.constant 56 : i32
        %parallel_loop3A_862 = vector.broadcast %parallel_loop3A_861 : i32 to vector<16xi32>
        %parallel_loop3A_863 = arith.addi %parallel_loop3A_76, %parallel_loop3A_862 : vector<16xi32>
        %parallel_loop3A_864 = tpu.vector_load_idx %arg5[%parallel_loop3A_863] : memref<8385xf32, #tpu.memory_space<vmem>>[vector<16xi32>], vector<16xf32>,
        %parallel_loop3A_865 = arith.constant 57 : i32
        %parallel_loop3A_866 = vector.broadcast %parallel_loop3A_865 : i32 to vector<16xi32>
        %parallel_loop3A_867 = arith.addi %parallel_loop3A_76, %parallel_loop3A_866 : vector<16xi32>
        %parallel_loop3A_868 = tpu.vector_load_idx %arg5[%parallel_loop3A_867] : memref<8385xf32, #tpu.memory_space<vmem>>[vector<16xi32>], vector<16xf32>,
        %parallel_loop3A_869 = arith.constant 58 : i32
        %parallel_loop3A_870 = vector.broadcast %parallel_loop3A_869 : i32 to vector<16xi32>
        %parallel_loop3A_871 = arith.addi %parallel_loop3A_76, %parallel_loop3A_870 : vector<16xi32>
        %parallel_loop3A_872 = tpu.vector_load_idx %arg5[%parallel_loop3A_871] : memref<8385xf32, #tpu.memory_space<vmem>>[vector<16xi32>], vector<16xf32>,
        %parallel_loop3A_873 = arith.constant 59 : i32
        %parallel_loop3A_874 = vector.broadcast %parallel_loop3A_873 : i32 to vector<16xi32>
        %parallel_loop3A_875 = arith.addi %parallel_loop3A_76, %parallel_loop3A_874 : vector<16xi32>
        %parallel_loop3A_876 = tpu.vector_load_idx %arg5[%parallel_loop3A_875] : memref<8385xf32, #tpu.memory_space<vmem>>[vector<16xi32>], vector<16xf32>,
        %parallel_loop3A_877 = arith.constant 60 : i32
        %parallel_loop3A_878 = vector.broadcast %parallel_loop3A_877 : i32 to vector<16xi32>
        %parallel_loop3A_879 = arith.addi %parallel_loop3A_76, %parallel_loop3A_878 : vector<16xi32>
        %parallel_loop3A_880 = tpu.vector_load_idx %arg5[%parallel_loop3A_879] : memref<8385xf32, #tpu.memory_space<vmem>>[vector<16xi32>], vector<16xf32>,
        %parallel_loop3A_881 = arith.constant 61 : i32
        %parallel_loop3A_882 = vector.broadcast %parallel_loop3A_881 : i32 to vector<16xi32>
        %parallel_loop3A_883 = arith.addi %parallel_loop3A_76, %parallel_loop3A_882 : vector<16xi32>
        %parallel_loop3A_884 = tpu.vector_load_idx %arg5[%parallel_loop3A_883] : memref<8385xf32, #tpu.memory_space<vmem>>[vector<16xi32>], vector<16xf32>,
        %parallel_loop3A_885 = arith.constant 62 : i32
        %parallel_loop3A_886 = vector.broadcast %parallel_loop3A_885 : i32 to vector<16xi32>
        %parallel_loop3A_887 = arith.addi %parallel_loop3A_76, %parallel_loop3A_886 : vector<16xi32>
        %parallel_loop3A_888 = tpu.vector_load_idx %arg5[%parallel_loop3A_887] : memref<8385xf32, #tpu.memory_space<vmem>>[vector<16xi32>], vector<16xf32>,
        %parallel_loop3A_889 = arith.constant 63 : i32
        %parallel_loop3A_890 = vector.broadcast %parallel_loop3A_889 : i32 to vector<16xi32>
        %parallel_loop3A_891 = arith.addi %parallel_loop3A_76, %parallel_loop3A_890 : vector<16xi32>
        %parallel_loop3A_892 = tpu.vector_load_idx %arg5[%parallel_loop3A_891] : memref<8385xf32, #tpu.memory_space<vmem>>[vector<16xi32>], vector<16xf32>,
        %parallel_loop3A_893 = arith.constant 0 : i32
        %parallel_loop3A_894 = arith.addi %parallel_loop3A_66, %parallel_loop3A_893 : i32
        %parallel_loop3A_895 = arith.constant 16 : i32
        %parallel_loop3A_896 = arith.muli %parallel_loop3A_894, %parallel_loop3A_895 : i32
        %parallel_loop3A_897 = arith.constant 7 : i32
        %parallel_loop3A_898 = arith.constant 0 : i32
        %parallel_loop3A_899 = arith.index_cast %parallel_loop3A_897 : i32 to index
        %parallel_loop3A_900 = arith.index_cast %parallel_loop3A_898 : i32 to index
        %parallel_loop3A_901 = arith.index_cast %parallel_loop3A_896 : i32 to index
        %parallel_loop3A_902 = tpu.vector_load %arg7[%parallel_loop3A_899, %parallel_loop3A_900, %parallel_loop3A_901] {strides = array<i32>} : memref<8x8x128xf32, #tpu.memory_space<vmem>>, vector<16xf32>,
        tpu.vector_store %arg7[%parallel_loop3A_899, %parallel_loop3A_900, %parallel_loop3A_901], %parallel_loop3A_864 {strides = array<i32>} : memref<8x8x128xf32, #tpu.memory_space<vmem>>, vector<16xf32>,
        %parallel_loop3A_903 = arith.constant 0 : i32
        %parallel_loop3A_904 = arith.addi %parallel_loop3A_66, %parallel_loop3A_903 : i32
        %parallel_loop3A_905 = arith.constant 16 : i32
        %parallel_loop3A_906 = arith.muli %parallel_loop3A_904, %parallel_loop3A_905 : i32
        %parallel_loop3A_907 = arith.constant 7 : i32
        %parallel_loop3A_908 = arith.constant 1 : i32
        %parallel_loop3A_909 = arith.index_cast %parallel_loop3A_907 : i32 to index
        %parallel_loop3A_910 = arith.index_cast %parallel_loop3A_908 : i32 to index
        %parallel_loop3A_911 = arith.index_cast %parallel_loop3A_906 : i32 to index
        %parallel_loop3A_912 = tpu.vector_load %arg7[%parallel_loop3A_909, %parallel_loop3A_910, %parallel_loop3A_911] {strides = array<i32>} : memref<8x8x128xf32, #tpu.memory_space<vmem>>, vector<16xf32>,
        tpu.vector_store %arg7[%parallel_loop3A_909, %parallel_loop3A_910, %parallel_loop3A_911], %parallel_loop3A_868 {strides = array<i32>} : memref<8x8x128xf32, #tpu.memory_space<vmem>>, vector<16xf32>,
        %parallel_loop3A_913 = arith.constant 0 : i32
        %parallel_loop3A_914 = arith.addi %parallel_loop3A_66, %parallel_loop3A_913 : i32
        %parallel_loop3A_915 = arith.constant 16 : i32
        %parallel_loop3A_916 = arith.muli %parallel_loop3A_914, %parallel_loop3A_915 : i32
        %parallel_loop3A_917 = arith.constant 7 : i32
        %parallel_loop3A_918 = arith.constant 2 : i32
        %parallel_loop3A_919 = arith.index_cast %parallel_loop3A_917 : i32 to index
        %parallel_loop3A_920 = arith.index_cast %parallel_loop3A_918 : i32 to index
        %parallel_loop3A_921 = arith.index_cast %parallel_loop3A_916 : i32 to index
        %parallel_loop3A_922 = tpu.vector_load %arg7[%parallel_loop3A_919, %parallel_loop3A_920, %parallel_loop3A_921] {strides = array<i32>} : memref<8x8x128xf32, #tpu.memory_space<vmem>>, vector<16xf32>,
        tpu.vector_store %arg7[%parallel_loop3A_919, %parallel_loop3A_920, %parallel_loop3A_921], %parallel_loop3A_872 {strides = array<i32>} : memref<8x8x128xf32, #tpu.memory_space<vmem>>, vector<16xf32>,
        %parallel_loop3A_923 = arith.constant 0 : i32
        %parallel_loop3A_924 = arith.addi %parallel_loop3A_66, %parallel_loop3A_923 : i32
        %parallel_loop3A_925 = arith.constant 16 : i32
        %parallel_loop3A_926 = arith.muli %parallel_loop3A_924, %parallel_loop3A_925 : i32
        %parallel_loop3A_927 = arith.constant 7 : i32
        %parallel_loop3A_928 = arith.constant 3 : i32
        %parallel_loop3A_929 = arith.index_cast %parallel_loop3A_927 : i32 to index
        %parallel_loop3A_930 = arith.index_cast %parallel_loop3A_928 : i32 to index
        %parallel_loop3A_931 = arith.index_cast %parallel_loop3A_926 : i32 to index
        %parallel_loop3A_932 = tpu.vector_load %arg7[%parallel_loop3A_929, %parallel_loop3A_930, %parallel_loop3A_931] {strides = array<i32>} : memref<8x8x128xf32, #tpu.memory_space<vmem>>, vector<16xf32>,
        tpu.vector_store %arg7[%parallel_loop3A_929, %parallel_loop3A_930, %parallel_loop3A_931], %parallel_loop3A_876 {strides = array<i32>} : memref<8x8x128xf32, #tpu.memory_space<vmem>>, vector<16xf32>,
        %parallel_loop3A_933 = arith.constant 0 : i32
        %parallel_loop3A_934 = arith.addi %parallel_loop3A_66, %parallel_loop3A_933 : i32
        %parallel_loop3A_935 = arith.constant 16 : i32
        %parallel_loop3A_936 = arith.muli %parallel_loop3A_934, %parallel_loop3A_935 : i32
        %parallel_loop3A_937 = arith.constant 7 : i32
        %parallel_loop3A_938 = arith.constant 4 : i32
        %parallel_loop3A_939 = arith.index_cast %parallel_loop3A_937 : i32 to index
        %parallel_loop3A_940 = arith.index_cast %parallel_loop3A_938 : i32 to index
        %parallel_loop3A_941 = arith.index_cast %parallel_loop3A_936 : i32 to index
        %parallel_loop3A_942 = tpu.vector_load %arg7[%parallel_loop3A_939, %parallel_loop3A_940, %parallel_loop3A_941] {strides = array<i32>} : memref<8x8x128xf32, #tpu.memory_space<vmem>>, vector<16xf32>,
        tpu.vector_store %arg7[%parallel_loop3A_939, %parallel_loop3A_940, %parallel_loop3A_941], %parallel_loop3A_880 {strides = array<i32>} : memref<8x8x128xf32, #tpu.memory_space<vmem>>, vector<16xf32>,
        %parallel_loop3A_943 = arith.constant 0 : i32
        %parallel_loop3A_944 = arith.addi %parallel_loop3A_66, %parallel_loop3A_943 : i32
        %parallel_loop3A_945 = arith.constant 16 : i32
        %parallel_loop3A_946 = arith.muli %parallel_loop3A_944, %parallel_loop3A_945 : i32
        %parallel_loop3A_947 = arith.constant 7 : i32
        %parallel_loop3A_948 = arith.constant 5 : i32
        %parallel_loop3A_949 = arith.index_cast %parallel_loop3A_947 : i32 to index
        %parallel_loop3A_950 = arith.index_cast %parallel_loop3A_948 : i32 to index
        %parallel_loop3A_951 = arith.index_cast %parallel_loop3A_946 : i32 to index
        %parallel_loop3A_952 = tpu.vector_load %arg7[%parallel_loop3A_949, %parallel_loop3A_950, %parallel_loop3A_951] {strides = array<i32>} : memref<8x8x128xf32, #tpu.memory_space<vmem>>, vector<16xf32>,
        tpu.vector_store %arg7[%parallel_loop3A_949, %parallel_loop3A_950, %parallel_loop3A_951], %parallel_loop3A_884 {strides = array<i32>} : memref<8x8x128xf32, #tpu.memory_space<vmem>>, vector<16xf32>,
        %parallel_loop3A_953 = arith.constant 0 : i32
        %parallel_loop3A_954 = arith.addi %parallel_loop3A_66, %parallel_loop3A_953 : i32
        %parallel_loop3A_955 = arith.constant 16 : i32
        %parallel_loop3A_956 = arith.muli %parallel_loop3A_954, %parallel_loop3A_955 : i32
        %parallel_loop3A_957 = arith.constant 7 : i32
        %parallel_loop3A_958 = arith.constant 6 : i32
        %parallel_loop3A_959 = arith.index_cast %parallel_loop3A_957 : i32 to index
        %parallel_loop3A_960 = arith.index_cast %parallel_loop3A_958 : i32 to index
        %parallel_loop3A_961 = arith.index_cast %parallel_loop3A_956 : i32 to index
        %parallel_loop3A_962 = tpu.vector_load %arg7[%parallel_loop3A_959, %parallel_loop3A_960, %parallel_loop3A_961] {strides = array<i32>} : memref<8x8x128xf32, #tpu.memory_space<vmem>>, vector<16xf32>,
        tpu.vector_store %arg7[%parallel_loop3A_959, %parallel_loop3A_960, %parallel_loop3A_961], %parallel_loop3A_888 {strides = array<i32>} : memref<8x8x128xf32, #tpu.memory_space<vmem>>, vector<16xf32>,
        %parallel_loop3A_963 = arith.constant 0 : i32
        %parallel_loop3A_964 = arith.addi %parallel_loop3A_66, %parallel_loop3A_963 : i32
        %parallel_loop3A_965 = arith.constant 16 : i32
        %parallel_loop3A_966 = arith.muli %parallel_loop3A_964, %parallel_loop3A_965 : i32
        %parallel_loop3A_967 = arith.constant 7 : i32
        %parallel_loop3A_968 = arith.constant 7 : i32
        %parallel_loop3A_969 = arith.index_cast %parallel_loop3A_967 : i32 to index
        %parallel_loop3A_970 = arith.index_cast %parallel_loop3A_968 : i32 to index
        %parallel_loop3A_971 = arith.index_cast %parallel_loop3A_966 : i32 to index
        %parallel_loop3A_972 = tpu.vector_load %arg7[%parallel_loop3A_969, %parallel_loop3A_970, %parallel_loop3A_971] {strides = array<i32>} : memref<8x8x128xf32, #tpu.memory_space<vmem>>, vector<16xf32>,
        tpu.vector_store %arg7[%parallel_loop3A_969, %parallel_loop3A_970, %parallel_loop3A_971], %parallel_loop3A_892 {strides = array<i32>} : memref<8x8x128xf32, #tpu.memory_space<vmem>>, vector<16xf32>,
      } {sc.loop_unroll_factor = 1 : i64, sc.parallel_access}
      %mul3A_34 = arith.constant 2 : i32
      %mul3A_35 = arith.muli %mul3A_34, %scan3A_27 : i32
      %mul3A_36 = arith.constant 8 : i32
      %mul3A_37 = arith.muli %mul3A_35, %mul3A_36 : i32
      %dma_start3A = arith.constant 0 : i32
      %dma_start3A_38 = arith.constant 0 : i32
      %dma_start3A_39 = tpu.memref_slice %arg4[%mul3A_37, %add3A, %dma_start3A, %dma_start3A_38] : memref<1600x32x8x128xf32, #tpu.memory_space<hbm>> -> memref<8x1x8x128xf32, #tpu.memory_space<hbm>>
      %dma_start3A_40 = tpu.memref_squeeze %dma_start3A_39 : memref<8x1x8x128xf32, #tpu.memory_space<hbm>> -> memref<8x8x128xf32, #tpu.memory_space<hbm>>
      %dma_start3A_41 = arith.constant 0 : i32
      %dma_start3A_42 = arith.constant 0 : i32
      %dma_start3A_43 = tpu.memref_slice %arg4[%mul3A_37, %add3A, %dma_start3A_41, %dma_start3A_42] : memref<1600x32x8x128xf32, #tpu.memory_space<hbm>> -> memref<8x1x8x128xf32, #tpu.memory_space<hbm>>
      %dma_start3A_44 = tpu.memref_squeeze %dma_start3A_43 : memref<8x1x8x128xf32, #tpu.memory_space<hbm>> -> memref<8x8x128xf32, #tpu.memory_space<hbm>>
      tpu.enqueue_dma source(%arg7 : memref<8x8x128xf32, #tpu.memory_space<vmem>>) target(%dma_start3A_44 : memref<8x8x128xf32, #tpu.memory_space<hbm>>) target_semaphore(%arg9 : memref<!tpu.dma_semaphore, #tpu.memory_space<semaphore_mem>>)
      %mul3A_45 = arith.constant 2 : i32
      %mul3A_46 = arith.muli %mul3A_45, %scan3A_27 : i32
      %add3A_47 = arith.constant 1 : i32
      %add3A_48 = arith.addi %mul3A_46, %add3A_47 : i32
      %parallel_loop3A_49 = arith.constant 0 : i32
      %parallel_loop3A_50 = arith.constant 8 : i32
      %parallel_loop3A_51 = arith.constant 1 : i32
      scf.for %parallel_loop3A_66 = %parallel_loop3A_49 to %parallel_loop3A_50 step %parallel_loop3A_51  : i32 {
        %parallel_loop3A_67 = arith.constant 0 : i32
        %parallel_loop3A_68 = arith.addi %parallel_loop3A_66, %parallel_loop3A_67 : i32
        %parallel_loop3A_69 = arith.constant 16 : i32
        %parallel_loop3A_70 = arith.muli %parallel_loop3A_68, %parallel_loop3A_69 : i32
        %parallel_loop3A_71 = arith.index_cast %add3A_48 : i32 to index
        %parallel_loop3A_72 = arith.index_cast %parallel_loop3A_70 : i32 to index
        %parallel_loop3A_73 = tpu.vector_load %arg6[%parallel_loop3A_71, %parallel_loop3A_72] {strides = array<i32>} : memref<200x128xi32, #tpu.memory_space<vmem>>, vector<16xi32>,
        %parallel_loop3A_74 = arith.constant 65 : i32
        %parallel_loop3A_75 = vector.broadcast %parallel_loop3A_74 : i32 to vector<16xi32>
        %parallel_loop3A_76 = arith.muli %parallel_loop3A_73, %parallel_loop3A_75 : vector<16xi32>
        %parallel_loop3A_77 = arith.constant 0 : i32
        %parallel_loop3A_78 = vector.broadcast %parallel_loop3A_77 : i32 to vector<16xi32>
        %parallel_loop3A_79 = arith.addi %parallel_loop3A_76, %parallel_loop3A_78 : vector<16xi32>
        %parallel_loop3A_80 = tpu.vector_load_idx %arg5[%parallel_loop3A_79] : memref<8385xf32, #tpu.memory_space<vmem>>[vector<16xi32>], vector<16xf32>,
        %parallel_loop3A_81 = arith.constant 1 : i32
        %parallel_loop3A_82 = vector.broadcast %parallel_loop3A_81 : i32 to vector<16xi32>
        %parallel_loop3A_83 = arith.addi %parallel_loop3A_76, %parallel_loop3A_82 : vector<16xi32>
        %parallel_loop3A_84 = tpu.vector_load_idx %arg5[%parallel_loop3A_83] : memref<8385xf32, #tpu.memory_space<vmem>>[vector<16xi32>], vector<16xf32>,
        %parallel_loop3A_85 = arith.constant 2 : i32
        %parallel_loop3A_86 = vector.broadcast %parallel_loop3A_85 : i32 to vector<16xi32>
        %parallel_loop3A_87 = arith.addi %parallel_loop3A_76, %parallel_loop3A_86 : vector<16xi32>
        %parallel_loop3A_88 = tpu.vector_load_idx %arg5[%parallel_loop3A_87] : memref<8385xf32, #tpu.memory_space<vmem>>[vector<16xi32>], vector<16xf32>,
        %parallel_loop3A_89 = arith.constant 3 : i32
        %parallel_loop3A_90 = vector.broadcast %parallel_loop3A_89 : i32 to vector<16xi32>
        %parallel_loop3A_91 = arith.addi %parallel_loop3A_76, %parallel_loop3A_90 : vector<16xi32>
        %parallel_loop3A_92 = tpu.vector_load_idx %arg5[%parallel_loop3A_91] : memref<8385xf32, #tpu.memory_space<vmem>>[vector<16xi32>], vector<16xf32>,
        %parallel_loop3A_93 = arith.constant 4 : i32
        %parallel_loop3A_94 = vector.broadcast %parallel_loop3A_93 : i32 to vector<16xi32>
        %parallel_loop3A_95 = arith.addi %parallel_loop3A_76, %parallel_loop3A_94 : vector<16xi32>
        %parallel_loop3A_96 = tpu.vector_load_idx %arg5[%parallel_loop3A_95] : memref<8385xf32, #tpu.memory_space<vmem>>[vector<16xi32>], vector<16xf32>,
        %parallel_loop3A_97 = arith.constant 5 : i32
        %parallel_loop3A_98 = vector.broadcast %parallel_loop3A_97 : i32 to vector<16xi32>
        %parallel_loop3A_99 = arith.addi %parallel_loop3A_76, %parallel_loop3A_98 : vector<16xi32>
        %parallel_loop3A_100 = tpu.vector_load_idx %arg5[%parallel_loop3A_99] : memref<8385xf32, #tpu.memory_space<vmem>>[vector<16xi32>], vector<16xf32>,
        %parallel_loop3A_101 = arith.constant 6 : i32
        %parallel_loop3A_102 = vector.broadcast %parallel_loop3A_101 : i32 to vector<16xi32>
        %parallel_loop3A_103 = arith.addi %parallel_loop3A_76, %parallel_loop3A_102 : vector<16xi32>
        %parallel_loop3A_104 = tpu.vector_load_idx %arg5[%parallel_loop3A_103] : memref<8385xf32, #tpu.memory_space<vmem>>[vector<16xi32>], vector<16xf32>,
        %parallel_loop3A_105 = arith.constant 7 : i32
        %parallel_loop3A_106 = vector.broadcast %parallel_loop3A_105 : i32 to vector<16xi32>
        %parallel_loop3A_107 = arith.addi %parallel_loop3A_76, %parallel_loop3A_106 : vector<16xi32>
        %parallel_loop3A_108 = tpu.vector_load_idx %arg5[%parallel_loop3A_107] : memref<8385xf32, #tpu.memory_space<vmem>>[vector<16xi32>], vector<16xf32>,
        %parallel_loop3A_109 = arith.constant 0 : i32
        %parallel_loop3A_110 = arith.addi %parallel_loop3A_66, %parallel_loop3A_109 : i32
        %parallel_loop3A_111 = arith.constant 16 : i32
        %parallel_loop3A_112 = arith.muli %parallel_loop3A_110, %parallel_loop3A_111 : i32
        %parallel_loop3A_113 = arith.constant 0 : i32
        %parallel_loop3A_114 = arith.constant 0 : i32
        %parallel_loop3A_115 = arith.index_cast %parallel_loop3A_113 : i32 to index
        %parallel_loop3A_116 = arith.index_cast %parallel_loop3A_114 : i32 to index
        %parallel_loop3A_117 = arith.index_cast %parallel_loop3A_112 : i32 to index
        %parallel_loop3A_118 = tpu.vector_load %arg8[%parallel_loop3A_115, %parallel_loop3A_116, %parallel_loop3A_117] {strides = array<i32>} : memref<8x8x128xf32, #tpu.memory_space<vmem>>, vector<16xf32>,
        tpu.vector_store %arg8[%parallel_loop3A_115, %parallel_loop3A_116, %parallel_loop3A_117], %parallel_loop3A_80 {strides = array<i32>} : memref<8x8x128xf32, #tpu.memory_space<vmem>>, vector<16xf32>,
        %parallel_loop3A_119 = arith.constant 0 : i32
        %parallel_loop3A_120 = arith.addi %parallel_loop3A_66, %parallel_loop3A_119 : i32
        %parallel_loop3A_121 = arith.constant 16 : i32
        %parallel_loop3A_122 = arith.muli %parallel_loop3A_120, %parallel_loop3A_121 : i32
        %parallel_loop3A_123 = arith.constant 0 : i32
        %parallel_loop3A_124 = arith.constant 1 : i32
        %parallel_loop3A_125 = arith.index_cast %parallel_loop3A_123 : i32 to index
        %parallel_loop3A_126 = arith.index_cast %parallel_loop3A_124 : i32 to index
        %parallel_loop3A_127 = arith.index_cast %parallel_loop3A_122 : i32 to index
        %parallel_loop3A_128 = tpu.vector_load %arg8[%parallel_loop3A_125, %parallel_loop3A_126, %parallel_loop3A_127] {strides = array<i32>} : memref<8x8x128xf32, #tpu.memory_space<vmem>>, vector<16xf32>,
        tpu.vector_store %arg8[%parallel_loop3A_125, %parallel_loop3A_126, %parallel_loop3A_127], %parallel_loop3A_84 {strides = array<i32>} : memref<8x8x128xf32, #tpu.memory_space<vmem>>, vector<16xf32>,
        %parallel_loop3A_129 = arith.constant 0 : i32
        %parallel_loop3A_130 = arith.addi %parallel_loop3A_66, %parallel_loop3A_129 : i32
        %parallel_loop3A_131 = arith.constant 16 : i32
        %parallel_loop3A_132 = arith.muli %parallel_loop3A_130, %parallel_loop3A_131 : i32
        %parallel_loop3A_133 = arith.constant 0 : i32
        %parallel_loop3A_134 = arith.constant 2 : i32
        %parallel_loop3A_135 = arith.index_cast %parallel_loop3A_133 : i32 to index
        %parallel_loop3A_136 = arith.index_cast %parallel_loop3A_134 : i32 to index
        %parallel_loop3A_137 = arith.index_cast %parallel_loop3A_132 : i32 to index
        %parallel_loop3A_138 = tpu.vector_load %arg8[%parallel_loop3A_135, %parallel_loop3A_136, %parallel_loop3A_137] {strides = array<i32>} : memref<8x8x128xf32, #tpu.memory_space<vmem>>, vector<16xf32>,
        tpu.vector_store %arg8[%parallel_loop3A_135, %parallel_loop3A_136, %parallel_loop3A_137], %parallel_loop3A_88 {strides = array<i32>} : memref<8x8x128xf32, #tpu.memory_space<vmem>>, vector<16xf32>,
        %parallel_loop3A_139 = arith.constant 0 : i32
        %parallel_loop3A_140 = arith.addi %parallel_loop3A_66, %parallel_loop3A_139 : i32
        %parallel_loop3A_141 = arith.constant 16 : i32
        %parallel_loop3A_142 = arith.muli %parallel_loop3A_140, %parallel_loop3A_141 : i32
        %parallel_loop3A_143 = arith.constant 0 : i32
        %parallel_loop3A_144 = arith.constant 3 : i32
        %parallel_loop3A_145 = arith.index_cast %parallel_loop3A_143 : i32 to index
        %parallel_loop3A_146 = arith.index_cast %parallel_loop3A_144 : i32 to index
        %parallel_loop3A_147 = arith.index_cast %parallel_loop3A_142 : i32 to index
        %parallel_loop3A_148 = tpu.vector_load %arg8[%parallel_loop3A_145, %parallel_loop3A_146, %parallel_loop3A_147] {strides = array<i32>} : memref<8x8x128xf32, #tpu.memory_space<vmem>>, vector<16xf32>,
        tpu.vector_store %arg8[%parallel_loop3A_145, %parallel_loop3A_146, %parallel_loop3A_147], %parallel_loop3A_92 {strides = array<i32>} : memref<8x8x128xf32, #tpu.memory_space<vmem>>, vector<16xf32>,
        %parallel_loop3A_149 = arith.constant 0 : i32
        %parallel_loop3A_150 = arith.addi %parallel_loop3A_66, %parallel_loop3A_149 : i32
        %parallel_loop3A_151 = arith.constant 16 : i32
        %parallel_loop3A_152 = arith.muli %parallel_loop3A_150, %parallel_loop3A_151 : i32
        %parallel_loop3A_153 = arith.constant 0 : i32
        %parallel_loop3A_154 = arith.constant 4 : i32
        %parallel_loop3A_155 = arith.index_cast %parallel_loop3A_153 : i32 to index
        %parallel_loop3A_156 = arith.index_cast %parallel_loop3A_154 : i32 to index
        %parallel_loop3A_157 = arith.index_cast %parallel_loop3A_152 : i32 to index
        %parallel_loop3A_158 = tpu.vector_load %arg8[%parallel_loop3A_155, %parallel_loop3A_156, %parallel_loop3A_157] {strides = array<i32>} : memref<8x8x128xf32, #tpu.memory_space<vmem>>, vector<16xf32>,
        tpu.vector_store %arg8[%parallel_loop3A_155, %parallel_loop3A_156, %parallel_loop3A_157], %parallel_loop3A_96 {strides = array<i32>} : memref<8x8x128xf32, #tpu.memory_space<vmem>>, vector<16xf32>,
        %parallel_loop3A_159 = arith.constant 0 : i32
        %parallel_loop3A_160 = arith.addi %parallel_loop3A_66, %parallel_loop3A_159 : i32
        %parallel_loop3A_161 = arith.constant 16 : i32
        %parallel_loop3A_162 = arith.muli %parallel_loop3A_160, %parallel_loop3A_161 : i32
        %parallel_loop3A_163 = arith.constant 0 : i32
        %parallel_loop3A_164 = arith.constant 5 : i32
        %parallel_loop3A_165 = arith.index_cast %parallel_loop3A_163 : i32 to index
        %parallel_loop3A_166 = arith.index_cast %parallel_loop3A_164 : i32 to index
        %parallel_loop3A_167 = arith.index_cast %parallel_loop3A_162 : i32 to index
        %parallel_loop3A_168 = tpu.vector_load %arg8[%parallel_loop3A_165, %parallel_loop3A_166, %parallel_loop3A_167] {strides = array<i32>} : memref<8x8x128xf32, #tpu.memory_space<vmem>>, vector<16xf32>,
        tpu.vector_store %arg8[%parallel_loop3A_165, %parallel_loop3A_166, %parallel_loop3A_167], %parallel_loop3A_100 {strides = array<i32>} : memref<8x8x128xf32, #tpu.memory_space<vmem>>, vector<16xf32>,
        %parallel_loop3A_169 = arith.constant 0 : i32
        %parallel_loop3A_170 = arith.addi %parallel_loop3A_66, %parallel_loop3A_169 : i32
        %parallel_loop3A_171 = arith.constant 16 : i32
        %parallel_loop3A_172 = arith.muli %parallel_loop3A_170, %parallel_loop3A_171 : i32
        %parallel_loop3A_173 = arith.constant 0 : i32
        %parallel_loop3A_174 = arith.constant 6 : i32
        %parallel_loop3A_175 = arith.index_cast %parallel_loop3A_173 : i32 to index
        %parallel_loop3A_176 = arith.index_cast %parallel_loop3A_174 : i32 to index
        %parallel_loop3A_177 = arith.index_cast %parallel_loop3A_172 : i32 to index
        %parallel_loop3A_178 = tpu.vector_load %arg8[%parallel_loop3A_175, %parallel_loop3A_176, %parallel_loop3A_177] {strides = array<i32>} : memref<8x8x128xf32, #tpu.memory_space<vmem>>, vector<16xf32>,
        tpu.vector_store %arg8[%parallel_loop3A_175, %parallel_loop3A_176, %parallel_loop3A_177], %parallel_loop3A_104 {strides = array<i32>} : memref<8x8x128xf32, #tpu.memory_space<vmem>>, vector<16xf32>,
        %parallel_loop3A_179 = arith.constant 0 : i32
        %parallel_loop3A_180 = arith.addi %parallel_loop3A_66, %parallel_loop3A_179 : i32
        %parallel_loop3A_181 = arith.constant 16 : i32
        %parallel_loop3A_182 = arith.muli %parallel_loop3A_180, %parallel_loop3A_181 : i32
        %parallel_loop3A_183 = arith.constant 0 : i32
        %parallel_loop3A_184 = arith.constant 7 : i32
        %parallel_loop3A_185 = arith.index_cast %parallel_loop3A_183 : i32 to index
        %parallel_loop3A_186 = arith.index_cast %parallel_loop3A_184 : i32 to index
        %parallel_loop3A_187 = arith.index_cast %parallel_loop3A_182 : i32 to index
        %parallel_loop3A_188 = tpu.vector_load %arg8[%parallel_loop3A_185, %parallel_loop3A_186, %parallel_loop3A_187] {strides = array<i32>} : memref<8x8x128xf32, #tpu.memory_space<vmem>>, vector<16xf32>,
        tpu.vector_store %arg8[%parallel_loop3A_185, %parallel_loop3A_186, %parallel_loop3A_187], %parallel_loop3A_108 {strides = array<i32>} : memref<8x8x128xf32, #tpu.memory_space<vmem>>, vector<16xf32>,
        %parallel_loop3A_189 = arith.constant 8 : i32
        %parallel_loop3A_190 = vector.broadcast %parallel_loop3A_189 : i32 to vector<16xi32>
        %parallel_loop3A_191 = arith.addi %parallel_loop3A_76, %parallel_loop3A_190 : vector<16xi32>
        %parallel_loop3A_192 = tpu.vector_load_idx %arg5[%parallel_loop3A_191] : memref<8385xf32, #tpu.memory_space<vmem>>[vector<16xi32>], vector<16xf32>,
        %parallel_loop3A_193 = arith.constant 9 : i32
        %parallel_loop3A_194 = vector.broadcast %parallel_loop3A_193 : i32 to vector<16xi32>
        %parallel_loop3A_195 = arith.addi %parallel_loop3A_76, %parallel_loop3A_194 : vector<16xi32>
        %parallel_loop3A_196 = tpu.vector_load_idx %arg5[%parallel_loop3A_195] : memref<8385xf32, #tpu.memory_space<vmem>>[vector<16xi32>], vector<16xf32>,
        %parallel_loop3A_197 = arith.constant 10 : i32
        %parallel_loop3A_198 = vector.broadcast %parallel_loop3A_197 : i32 to vector<16xi32>
        %parallel_loop3A_199 = arith.addi %parallel_loop3A_76, %parallel_loop3A_198 : vector<16xi32>
        %parallel_loop3A_200 = tpu.vector_load_idx %arg5[%parallel_loop3A_199] : memref<8385xf32, #tpu.memory_space<vmem>>[vector<16xi32>], vector<16xf32>,
        %parallel_loop3A_201 = arith.constant 11 : i32
        %parallel_loop3A_202 = vector.broadcast %parallel_loop3A_201 : i32 to vector<16xi32>
        %parallel_loop3A_203 = arith.addi %parallel_loop3A_76, %parallel_loop3A_202 : vector<16xi32>
        %parallel_loop3A_204 = tpu.vector_load_idx %arg5[%parallel_loop3A_203] : memref<8385xf32, #tpu.memory_space<vmem>>[vector<16xi32>], vector<16xf32>,
        %parallel_loop3A_205 = arith.constant 12 : i32
        %parallel_loop3A_206 = vector.broadcast %parallel_loop3A_205 : i32 to vector<16xi32>
        %parallel_loop3A_207 = arith.addi %parallel_loop3A_76, %parallel_loop3A_206 : vector<16xi32>
        %parallel_loop3A_208 = tpu.vector_load_idx %arg5[%parallel_loop3A_207] : memref<8385xf32, #tpu.memory_space<vmem>>[vector<16xi32>], vector<16xf32>,
        %parallel_loop3A_209 = arith.constant 13 : i32
        %parallel_loop3A_210 = vector.broadcast %parallel_loop3A_209 : i32 to vector<16xi32>
        %parallel_loop3A_211 = arith.addi %parallel_loop3A_76, %parallel_loop3A_210 : vector<16xi32>
        %parallel_loop3A_212 = tpu.vector_load_idx %arg5[%parallel_loop3A_211] : memref<8385xf32, #tpu.memory_space<vmem>>[vector<16xi32>], vector<16xf32>,
        %parallel_loop3A_213 = arith.constant 14 : i32
        %parallel_loop3A_214 = vector.broadcast %parallel_loop3A_213 : i32 to vector<16xi32>
        %parallel_loop3A_215 = arith.addi %parallel_loop3A_76, %parallel_loop3A_214 : vector<16xi32>
        %parallel_loop3A_216 = tpu.vector_load_idx %arg5[%parallel_loop3A_215] : memref<8385xf32, #tpu.memory_space<vmem>>[vector<16xi32>], vector<16xf32>,
        %parallel_loop3A_217 = arith.constant 15 : i32
        %parallel_loop3A_218 = vector.broadcast %parallel_loop3A_217 : i32 to vector<16xi32>
        %parallel_loop3A_219 = arith.addi %parallel_loop3A_76, %parallel_loop3A_218 : vector<16xi32>
        %parallel_loop3A_220 = tpu.vector_load_idx %arg5[%parallel_loop3A_219] : memref<8385xf32, #tpu.memory_space<vmem>>[vector<16xi32>], vector<16xf32>,
        %parallel_loop3A_221 = arith.constant 0 : i32
        %parallel_loop3A_222 = arith.addi %parallel_loop3A_66, %parallel_loop3A_221 : i32
        %parallel_loop3A_223 = arith.constant 16 : i32
        %parallel_loop3A_224 = arith.muli %parallel_loop3A_222, %parallel_loop3A_223 : i32
        %parallel_loop3A_225 = arith.constant 1 : i32
        %parallel_loop3A_226 = arith.constant 0 : i32
        %parallel_loop3A_227 = arith.index_cast %parallel_loop3A_225 : i32 to index
        %parallel_loop3A_228 = arith.index_cast %parallel_loop3A_226 : i32 to index
        %parallel_loop3A_229 = arith.index_cast %parallel_loop3A_224 : i32 to index
        %parallel_loop3A_230 = tpu.vector_load %arg8[%parallel_loop3A_227, %parallel_loop3A_228, %parallel_loop3A_229] {strides = array<i32>} : memref<8x8x128xf32, #tpu.memory_space<vmem>>, vector<16xf32>,
        tpu.vector_store %arg8[%parallel_loop3A_227, %parallel_loop3A_228, %parallel_loop3A_229], %parallel_loop3A_192 {strides = array<i32>} : memref<8x8x128xf32, #tpu.memory_space<vmem>>, vector<16xf32>,
        %parallel_loop3A_231 = arith.constant 0 : i32
        %parallel_loop3A_232 = arith.addi %parallel_loop3A_66, %parallel_loop3A_231 : i32
        %parallel_loop3A_233 = arith.constant 16 : i32
        %parallel_loop3A_234 = arith.muli %parallel_loop3A_232, %parallel_loop3A_233 : i32
        %parallel_loop3A_235 = arith.constant 1 : i32
        %parallel_loop3A_236 = arith.constant 1 : i32
        %parallel_loop3A_237 = arith.index_cast %parallel_loop3A_235 : i32 to index
        %parallel_loop3A_238 = arith.index_cast %parallel_loop3A_236 : i32 to index
        %parallel_loop3A_239 = arith.index_cast %parallel_loop3A_234 : i32 to index
        %parallel_loop3A_240 = tpu.vector_load %arg8[%parallel_loop3A_237, %parallel_loop3A_238, %parallel_loop3A_239] {strides = array<i32>} : memref<8x8x128xf32, #tpu.memory_space<vmem>>, vector<16xf32>,
        tpu.vector_store %arg8[%parallel_loop3A_237, %parallel_loop3A_238, %parallel_loop3A_239], %parallel_loop3A_196 {strides = array<i32>} : memref<8x8x128xf32, #tpu.memory_space<vmem>>, vector<16xf32>,
        %parallel_loop3A_241 = arith.constant 0 : i32
        %parallel_loop3A_242 = arith.addi %parallel_loop3A_66, %parallel_loop3A_241 : i32
        %parallel_loop3A_243 = arith.constant 16 : i32
        %parallel_loop3A_244 = arith.muli %parallel_loop3A_242, %parallel_loop3A_243 : i32
        %parallel_loop3A_245 = arith.constant 1 : i32
        %parallel_loop3A_246 = arith.constant 2 : i32
        %parallel_loop3A_247 = arith.index_cast %parallel_loop3A_245 : i32 to index
        %parallel_loop3A_248 = arith.index_cast %parallel_loop3A_246 : i32 to index
        %parallel_loop3A_249 = arith.index_cast %parallel_loop3A_244 : i32 to index
        %parallel_loop3A_250 = tpu.vector_load %arg8[%parallel_loop3A_247, %parallel_loop3A_248, %parallel_loop3A_249] {strides = array<i32>} : memref<8x8x128xf32, #tpu.memory_space<vmem>>, vector<16xf32>,
        tpu.vector_store %arg8[%parallel_loop3A_247, %parallel_loop3A_248, %parallel_loop3A_249], %parallel_loop3A_200 {strides = array<i32>} : memref<8x8x128xf32, #tpu.memory_space<vmem>>, vector<16xf32>,
        %parallel_loop3A_251 = arith.constant 0 : i32
        %parallel_loop3A_252 = arith.addi %parallel_loop3A_66, %parallel_loop3A_251 : i32
        %parallel_loop3A_253 = arith.constant 16 : i32
        %parallel_loop3A_254 = arith.muli %parallel_loop3A_252, %parallel_loop3A_253 : i32
        %parallel_loop3A_255 = arith.constant 1 : i32
        %parallel_loop3A_256 = arith.constant 3 : i32
        %parallel_loop3A_257 = arith.index_cast %parallel_loop3A_255 : i32 to index
        %parallel_loop3A_258 = arith.index_cast %parallel_loop3A_256 : i32 to index
        %parallel_loop3A_259 = arith.index_cast %parallel_loop3A_254 : i32 to index
        %parallel_loop3A_260 = tpu.vector_load %arg8[%parallel_loop3A_257, %parallel_loop3A_258, %parallel_loop3A_259] {strides = array<i32>} : memref<8x8x128xf32, #tpu.memory_space<vmem>>, vector<16xf32>,
        tpu.vector_store %arg8[%parallel_loop3A_257, %parallel_loop3A_258, %parallel_loop3A_259], %parallel_loop3A_204 {strides = array<i32>} : memref<8x8x128xf32, #tpu.memory_space<vmem>>, vector<16xf32>,
        %parallel_loop3A_261 = arith.constant 0 : i32
        %parallel_loop3A_262 = arith.addi %parallel_loop3A_66, %parallel_loop3A_261 : i32
        %parallel_loop3A_263 = arith.constant 16 : i32
        %parallel_loop3A_264 = arith.muli %parallel_loop3A_262, %parallel_loop3A_263 : i32
        %parallel_loop3A_265 = arith.constant 1 : i32
        %parallel_loop3A_266 = arith.constant 4 : i32
        %parallel_loop3A_267 = arith.index_cast %parallel_loop3A_265 : i32 to index
        %parallel_loop3A_268 = arith.index_cast %parallel_loop3A_266 : i32 to index
        %parallel_loop3A_269 = arith.index_cast %parallel_loop3A_264 : i32 to index
        %parallel_loop3A_270 = tpu.vector_load %arg8[%parallel_loop3A_267, %parallel_loop3A_268, %parallel_loop3A_269] {strides = array<i32>} : memref<8x8x128xf32, #tpu.memory_space<vmem>>, vector<16xf32>,
        tpu.vector_store %arg8[%parallel_loop3A_267, %parallel_loop3A_268, %parallel_loop3A_269], %parallel_loop3A_208 {strides = array<i32>} : memref<8x8x128xf32, #tpu.memory_space<vmem>>, vector<16xf32>,
        %parallel_loop3A_271 = arith.constant 0 : i32
        %parallel_loop3A_272 = arith.addi %parallel_loop3A_66, %parallel_loop3A_271 : i32
        %parallel_loop3A_273 = arith.constant 16 : i32
        %parallel_loop3A_274 = arith.muli %parallel_loop3A_272, %parallel_loop3A_273 : i32
        %parallel_loop3A_275 = arith.constant 1 : i32
        %parallel_loop3A_276 = arith.constant 5 : i32
        %parallel_loop3A_277 = arith.index_cast %parallel_loop3A_275 : i32 to index
        %parallel_loop3A_278 = arith.index_cast %parallel_loop3A_276 : i32 to index
        %parallel_loop3A_279 = arith.index_cast %parallel_loop3A_274 : i32 to index
        %parallel_loop3A_280 = tpu.vector_load %arg8[%parallel_loop3A_277, %parallel_loop3A_278, %parallel_loop3A_279] {strides = array<i32>} : memref<8x8x128xf32, #tpu.memory_space<vmem>>, vector<16xf32>,
        tpu.vector_store %arg8[%parallel_loop3A_277, %parallel_loop3A_278, %parallel_loop3A_279], %parallel_loop3A_212 {strides = array<i32>} : memref<8x8x128xf32, #tpu.memory_space<vmem>>, vector<16xf32>,
        %parallel_loop3A_281 = arith.constant 0 : i32
        %parallel_loop3A_282 = arith.addi %parallel_loop3A_66, %parallel_loop3A_281 : i32
        %parallel_loop3A_283 = arith.constant 16 : i32
        %parallel_loop3A_284 = arith.muli %parallel_loop3A_282, %parallel_loop3A_283 : i32
        %parallel_loop3A_285 = arith.constant 1 : i32
        %parallel_loop3A_286 = arith.constant 6 : i32
        %parallel_loop3A_287 = arith.index_cast %parallel_loop3A_285 : i32 to index
        %parallel_loop3A_288 = arith.index_cast %parallel_loop3A_286 : i32 to index
        %parallel_loop3A_289 = arith.index_cast %parallel_loop3A_284 : i32 to index
        %parallel_loop3A_290 = tpu.vector_load %arg8[%parallel_loop3A_287, %parallel_loop3A_288, %parallel_loop3A_289] {strides = array<i32>} : memref<8x8x128xf32, #tpu.memory_space<vmem>>, vector<16xf32>,
        tpu.vector_store %arg8[%parallel_loop3A_287, %parallel_loop3A_288, %parallel_loop3A_289], %parallel_loop3A_216 {strides = array<i32>} : memref<8x8x128xf32, #tpu.memory_space<vmem>>, vector<16xf32>,
        %parallel_loop3A_291 = arith.constant 0 : i32
        %parallel_loop3A_292 = arith.addi %parallel_loop3A_66, %parallel_loop3A_291 : i32
        %parallel_loop3A_293 = arith.constant 16 : i32
        %parallel_loop3A_294 = arith.muli %parallel_loop3A_292, %parallel_loop3A_293 : i32
        %parallel_loop3A_295 = arith.constant 1 : i32
        %parallel_loop3A_296 = arith.constant 7 : i32
        %parallel_loop3A_297 = arith.index_cast %parallel_loop3A_295 : i32 to index
        %parallel_loop3A_298 = arith.index_cast %parallel_loop3A_296 : i32 to index
        %parallel_loop3A_299 = arith.index_cast %parallel_loop3A_294 : i32 to index
        %parallel_loop3A_300 = tpu.vector_load %arg8[%parallel_loop3A_297, %parallel_loop3A_298, %parallel_loop3A_299] {strides = array<i32>} : memref<8x8x128xf32, #tpu.memory_space<vmem>>, vector<16xf32>,
        tpu.vector_store %arg8[%parallel_loop3A_297, %parallel_loop3A_298, %parallel_loop3A_299], %parallel_loop3A_220 {strides = array<i32>} : memref<8x8x128xf32, #tpu.memory_space<vmem>>, vector<16xf32>,
        %parallel_loop3A_301 = arith.constant 16 : i32
        %parallel_loop3A_302 = vector.broadcast %parallel_loop3A_301 : i32 to vector<16xi32>
        %parallel_loop3A_303 = arith.addi %parallel_loop3A_76, %parallel_loop3A_302 : vector<16xi32>
        %parallel_loop3A_304 = tpu.vector_load_idx %arg5[%parallel_loop3A_303] : memref<8385xf32, #tpu.memory_space<vmem>>[vector<16xi32>], vector<16xf32>,
        %parallel_loop3A_305 = arith.constant 17 : i32
        %parallel_loop3A_306 = vector.broadcast %parallel_loop3A_305 : i32 to vector<16xi32>
        %parallel_loop3A_307 = arith.addi %parallel_loop3A_76, %parallel_loop3A_306 : vector<16xi32>
        %parallel_loop3A_308 = tpu.vector_load_idx %arg5[%parallel_loop3A_307] : memref<8385xf32, #tpu.memory_space<vmem>>[vector<16xi32>], vector<16xf32>,
        %parallel_loop3A_309 = arith.constant 18 : i32
        %parallel_loop3A_310 = vector.broadcast %parallel_loop3A_309 : i32 to vector<16xi32>
        %parallel_loop3A_311 = arith.addi %parallel_loop3A_76, %parallel_loop3A_310 : vector<16xi32>
        %parallel_loop3A_312 = tpu.vector_load_idx %arg5[%parallel_loop3A_311] : memref<8385xf32, #tpu.memory_space<vmem>>[vector<16xi32>], vector<16xf32>,
        %parallel_loop3A_313 = arith.constant 19 : i32
        %parallel_loop3A_314 = vector.broadcast %parallel_loop3A_313 : i32 to vector<16xi32>
        %parallel_loop3A_315 = arith.addi %parallel_loop3A_76, %parallel_loop3A_314 : vector<16xi32>
        %parallel_loop3A_316 = tpu.vector_load_idx %arg5[%parallel_loop3A_315] : memref<8385xf32, #tpu.memory_space<vmem>>[vector<16xi32>], vector<16xf32>,
        %parallel_loop3A_317 = arith.constant 20 : i32
        %parallel_loop3A_318 = vector.broadcast %parallel_loop3A_317 : i32 to vector<16xi32>
        %parallel_loop3A_319 = arith.addi %parallel_loop3A_76, %parallel_loop3A_318 : vector<16xi32>
        %parallel_loop3A_320 = tpu.vector_load_idx %arg5[%parallel_loop3A_319] : memref<8385xf32, #tpu.memory_space<vmem>>[vector<16xi32>], vector<16xf32>,
        %parallel_loop3A_321 = arith.constant 21 : i32
        %parallel_loop3A_322 = vector.broadcast %parallel_loop3A_321 : i32 to vector<16xi32>
        %parallel_loop3A_323 = arith.addi %parallel_loop3A_76, %parallel_loop3A_322 : vector<16xi32>
        %parallel_loop3A_324 = tpu.vector_load_idx %arg5[%parallel_loop3A_323] : memref<8385xf32, #tpu.memory_space<vmem>>[vector<16xi32>], vector<16xf32>,
        %parallel_loop3A_325 = arith.constant 22 : i32
        %parallel_loop3A_326 = vector.broadcast %parallel_loop3A_325 : i32 to vector<16xi32>
        %parallel_loop3A_327 = arith.addi %parallel_loop3A_76, %parallel_loop3A_326 : vector<16xi32>
        %parallel_loop3A_328 = tpu.vector_load_idx %arg5[%parallel_loop3A_327] : memref<8385xf32, #tpu.memory_space<vmem>>[vector<16xi32>], vector<16xf32>,
        %parallel_loop3A_329 = arith.constant 23 : i32
        %parallel_loop3A_330 = vector.broadcast %parallel_loop3A_329 : i32 to vector<16xi32>
        %parallel_loop3A_331 = arith.addi %parallel_loop3A_76, %parallel_loop3A_330 : vector<16xi32>
        %parallel_loop3A_332 = tpu.vector_load_idx %arg5[%parallel_loop3A_331] : memref<8385xf32, #tpu.memory_space<vmem>>[vector<16xi32>], vector<16xf32>,
        %parallel_loop3A_333 = arith.constant 0 : i32
        %parallel_loop3A_334 = arith.addi %parallel_loop3A_66, %parallel_loop3A_333 : i32
        %parallel_loop3A_335 = arith.constant 16 : i32
        %parallel_loop3A_336 = arith.muli %parallel_loop3A_334, %parallel_loop3A_335 : i32
        %parallel_loop3A_337 = arith.constant 2 : i32
        %parallel_loop3A_338 = arith.constant 0 : i32
        %parallel_loop3A_339 = arith.index_cast %parallel_loop3A_337 : i32 to index
        %parallel_loop3A_340 = arith.index_cast %parallel_loop3A_338 : i32 to index
        %parallel_loop3A_341 = arith.index_cast %parallel_loop3A_336 : i32 to index
        %parallel_loop3A_342 = tpu.vector_load %arg8[%parallel_loop3A_339, %parallel_loop3A_340, %parallel_loop3A_341] {strides = array<i32>} : memref<8x8x128xf32, #tpu.memory_space<vmem>>, vector<16xf32>,
        tpu.vector_store %arg8[%parallel_loop3A_339, %parallel_loop3A_340, %parallel_loop3A_341], %parallel_loop3A_304 {strides = array<i32>} : memref<8x8x128xf32, #tpu.memory_space<vmem>>, vector<16xf32>,
        %parallel_loop3A_343 = arith.constant 0 : i32
        %parallel_loop3A_344 = arith.addi %parallel_loop3A_66, %parallel_loop3A_343 : i32
        %parallel_loop3A_345 = arith.constant 16 : i32
        %parallel_loop3A_346 = arith.muli %parallel_loop3A_344, %parallel_loop3A_345 : i32
        %parallel_loop3A_347 = arith.constant 2 : i32
        %parallel_loop3A_348 = arith.constant 1 : i32
        %parallel_loop3A_349 = arith.index_cast %parallel_loop3A_347 : i32 to index
        %parallel_loop3A_350 = arith.index_cast %parallel_loop3A_348 : i32 to index
        %parallel_loop3A_351 = arith.index_cast %parallel_loop3A_346 : i32 to index
        %parallel_loop3A_352 = tpu.vector_load %arg8[%parallel_loop3A_349, %parallel_loop3A_350, %parallel_loop3A_351] {strides = array<i32>} : memref<8x8x128xf32, #tpu.memory_space<vmem>>, vector<16xf32>,
        tpu.vector_store %arg8[%parallel_loop3A_349, %parallel_loop3A_350, %parallel_loop3A_351], %parallel_loop3A_308 {strides = array<i32>} : memref<8x8x128xf32, #tpu.memory_space<vmem>>, vector<16xf32>,
        %parallel_loop3A_353 = arith.constant 0 : i32
        %parallel_loop3A_354 = arith.addi %parallel_loop3A_66, %parallel_loop3A_353 : i32
        %parallel_loop3A_355 = arith.constant 16 : i32
        %parallel_loop3A_356 = arith.muli %parallel_loop3A_354, %parallel_loop3A_355 : i32
        %parallel_loop3A_357 = arith.constant 2 : i32
        %parallel_loop3A_358 = arith.constant 2 : i32
        %parallel_loop3A_359 = arith.index_cast %parallel_loop3A_357 : i32 to index
        %parallel_loop3A_360 = arith.index_cast %parallel_loop3A_358 : i32 to index
        %parallel_loop3A_361 = arith.index_cast %parallel_loop3A_356 : i32 to index
        %parallel_loop3A_362 = tpu.vector_load %arg8[%parallel_loop3A_359, %parallel_loop3A_360, %parallel_loop3A_361] {strides = array<i32>} : memref<8x8x128xf32, #tpu.memory_space<vmem>>, vector<16xf32>,
        tpu.vector_store %arg8[%parallel_loop3A_359, %parallel_loop3A_360, %parallel_loop3A_361], %parallel_loop3A_312 {strides = array<i32>} : memref<8x8x128xf32, #tpu.memory_space<vmem>>, vector<16xf32>,
        %parallel_loop3A_363 = arith.constant 0 : i32
        %parallel_loop3A_364 = arith.addi %parallel_loop3A_66, %parallel_loop3A_363 : i32
        %parallel_loop3A_365 = arith.constant 16 : i32
        %parallel_loop3A_366 = arith.muli %parallel_loop3A_364, %parallel_loop3A_365 : i32
        %parallel_loop3A_367 = arith.constant 2 : i32
        %parallel_loop3A_368 = arith.constant 3 : i32
        %parallel_loop3A_369 = arith.index_cast %parallel_loop3A_367 : i32 to index
        %parallel_loop3A_370 = arith.index_cast %parallel_loop3A_368 : i32 to index
        %parallel_loop3A_371 = arith.index_cast %parallel_loop3A_366 : i32 to index
        %parallel_loop3A_372 = tpu.vector_load %arg8[%parallel_loop3A_369, %parallel_loop3A_370, %parallel_loop3A_371] {strides = array<i32>} : memref<8x8x128xf32, #tpu.memory_space<vmem>>, vector<16xf32>,
        tpu.vector_store %arg8[%parallel_loop3A_369, %parallel_loop3A_370, %parallel_loop3A_371], %parallel_loop3A_316 {strides = array<i32>} : memref<8x8x128xf32, #tpu.memory_space<vmem>>, vector<16xf32>,
        %parallel_loop3A_373 = arith.constant 0 : i32
        %parallel_loop3A_374 = arith.addi %parallel_loop3A_66, %parallel_loop3A_373 : i32
        %parallel_loop3A_375 = arith.constant 16 : i32
        %parallel_loop3A_376 = arith.muli %parallel_loop3A_374, %parallel_loop3A_375 : i32
        %parallel_loop3A_377 = arith.constant 2 : i32
        %parallel_loop3A_378 = arith.constant 4 : i32
        %parallel_loop3A_379 = arith.index_cast %parallel_loop3A_377 : i32 to index
        %parallel_loop3A_380 = arith.index_cast %parallel_loop3A_378 : i32 to index
        %parallel_loop3A_381 = arith.index_cast %parallel_loop3A_376 : i32 to index
        %parallel_loop3A_382 = tpu.vector_load %arg8[%parallel_loop3A_379, %parallel_loop3A_380, %parallel_loop3A_381] {strides = array<i32>} : memref<8x8x128xf32, #tpu.memory_space<vmem>>, vector<16xf32>,
        tpu.vector_store %arg8[%parallel_loop3A_379, %parallel_loop3A_380, %parallel_loop3A_381], %parallel_loop3A_320 {strides = array<i32>} : memref<8x8x128xf32, #tpu.memory_space<vmem>>, vector<16xf32>,
        %parallel_loop3A_383 = arith.constant 0 : i32
        %parallel_loop3A_384 = arith.addi %parallel_loop3A_66, %parallel_loop3A_383 : i32
        %parallel_loop3A_385 = arith.constant 16 : i32
        %parallel_loop3A_386 = arith.muli %parallel_loop3A_384, %parallel_loop3A_385 : i32
        %parallel_loop3A_387 = arith.constant 2 : i32
        %parallel_loop3A_388 = arith.constant 5 : i32
        %parallel_loop3A_389 = arith.index_cast %parallel_loop3A_387 : i32 to index
        %parallel_loop3A_390 = arith.index_cast %parallel_loop3A_388 : i32 to index
        %parallel_loop3A_391 = arith.index_cast %parallel_loop3A_386 : i32 to index
        %parallel_loop3A_392 = tpu.vector_load %arg8[%parallel_loop3A_389, %parallel_loop3A_390, %parallel_loop3A_391] {strides = array<i32>} : memref<8x8x128xf32, #tpu.memory_space<vmem>>, vector<16xf32>,
        tpu.vector_store %arg8[%parallel_loop3A_389, %parallel_loop3A_390, %parallel_loop3A_391], %parallel_loop3A_324 {strides = array<i32>} : memref<8x8x128xf32, #tpu.memory_space<vmem>>, vector<16xf32>,
        %parallel_loop3A_393 = arith.constant 0 : i32
        %parallel_loop3A_394 = arith.addi %parallel_loop3A_66, %parallel_loop3A_393 : i32
        %parallel_loop3A_395 = arith.constant 16 : i32
        %parallel_loop3A_396 = arith.muli %parallel_loop3A_394, %parallel_loop3A_395 : i32
        %parallel_loop3A_397 = arith.constant 2 : i32
        %parallel_loop3A_398 = arith.constant 6 : i32
        %parallel_loop3A_399 = arith.index_cast %parallel_loop3A_397 : i32 to index
        %parallel_loop3A_400 = arith.index_cast %parallel_loop3A_398 : i32 to index
        %parallel_loop3A_401 = arith.index_cast %parallel_loop3A_396 : i32 to index
        %parallel_loop3A_402 = tpu.vector_load %arg8[%parallel_loop3A_399, %parallel_loop3A_400, %parallel_loop3A_401] {strides = array<i32>} : memref<8x8x128xf32, #tpu.memory_space<vmem>>, vector<16xf32>,
        tpu.vector_store %arg8[%parallel_loop3A_399, %parallel_loop3A_400, %parallel_loop3A_401], %parallel_loop3A_328 {strides = array<i32>} : memref<8x8x128xf32, #tpu.memory_space<vmem>>, vector<16xf32>,
        %parallel_loop3A_403 = arith.constant 0 : i32
        %parallel_loop3A_404 = arith.addi %parallel_loop3A_66, %parallel_loop3A_403 : i32
        %parallel_loop3A_405 = arith.constant 16 : i32
        %parallel_loop3A_406 = arith.muli %parallel_loop3A_404, %parallel_loop3A_405 : i32
        %parallel_loop3A_407 = arith.constant 2 : i32
        %parallel_loop3A_408 = arith.constant 7 : i32
        %parallel_loop3A_409 = arith.index_cast %parallel_loop3A_407 : i32 to index
        %parallel_loop3A_410 = arith.index_cast %parallel_loop3A_408 : i32 to index
        %parallel_loop3A_411 = arith.index_cast %parallel_loop3A_406 : i32 to index
        %parallel_loop3A_412 = tpu.vector_load %arg8[%parallel_loop3A_409, %parallel_loop3A_410, %parallel_loop3A_411] {strides = array<i32>} : memref<8x8x128xf32, #tpu.memory_space<vmem>>, vector<16xf32>,
        tpu.vector_store %arg8[%parallel_loop3A_409, %parallel_loop3A_410, %parallel_loop3A_411], %parallel_loop3A_332 {strides = array<i32>} : memref<8x8x128xf32, #tpu.memory_space<vmem>>, vector<16xf32>,
        %parallel_loop3A_413 = arith.constant 24 : i32
        %parallel_loop3A_414 = vector.broadcast %parallel_loop3A_413 : i32 to vector<16xi32>
        %parallel_loop3A_415 = arith.addi %parallel_loop3A_76, %parallel_loop3A_414 : vector<16xi32>
        %parallel_loop3A_416 = tpu.vector_load_idx %arg5[%parallel_loop3A_415] : memref<8385xf32, #tpu.memory_space<vmem>>[vector<16xi32>], vector<16xf32>,
        %parallel_loop3A_417 = arith.constant 25 : i32
        %parallel_loop3A_418 = vector.broadcast %parallel_loop3A_417 : i32 to vector<16xi32>
        %parallel_loop3A_419 = arith.addi %parallel_loop3A_76, %parallel_loop3A_418 : vector<16xi32>
        %parallel_loop3A_420 = tpu.vector_load_idx %arg5[%parallel_loop3A_419] : memref<8385xf32, #tpu.memory_space<vmem>>[vector<16xi32>], vector<16xf32>,
        %parallel_loop3A_421 = arith.constant 26 : i32
        %parallel_loop3A_422 = vector.broadcast %parallel_loop3A_421 : i32 to vector<16xi32>
        %parallel_loop3A_423 = arith.addi %parallel_loop3A_76, %parallel_loop3A_422 : vector<16xi32>
        %parallel_loop3A_424 = tpu.vector_load_idx %arg5[%parallel_loop3A_423] : memref<8385xf32, #tpu.memory_space<vmem>>[vector<16xi32>], vector<16xf32>,
        %parallel_loop3A_425 = arith.constant 27 : i32
        %parallel_loop3A_426 = vector.broadcast %parallel_loop3A_425 : i32 to vector<16xi32>
        %parallel_loop3A_427 = arith.addi %parallel_loop3A_76, %parallel_loop3A_426 : vector<16xi32>
        %parallel_loop3A_428 = tpu.vector_load_idx %arg5[%parallel_loop3A_427] : memref<8385xf32, #tpu.memory_space<vmem>>[vector<16xi32>], vector<16xf32>,
        %parallel_loop3A_429 = arith.constant 28 : i32
        %parallel_loop3A_430 = vector.broadcast %parallel_loop3A_429 : i32 to vector<16xi32>
        %parallel_loop3A_431 = arith.addi %parallel_loop3A_76, %parallel_loop3A_430 : vector<16xi32>
        %parallel_loop3A_432 = tpu.vector_load_idx %arg5[%parallel_loop3A_431] : memref<8385xf32, #tpu.memory_space<vmem>>[vector<16xi32>], vector<16xf32>,
        %parallel_loop3A_433 = arith.constant 29 : i32
        %parallel_loop3A_434 = vector.broadcast %parallel_loop3A_433 : i32 to vector<16xi32>
        %parallel_loop3A_435 = arith.addi %parallel_loop3A_76, %parallel_loop3A_434 : vector<16xi32>
        %parallel_loop3A_436 = tpu.vector_load_idx %arg5[%parallel_loop3A_435] : memref<8385xf32, #tpu.memory_space<vmem>>[vector<16xi32>], vector<16xf32>,
        %parallel_loop3A_437 = arith.constant 30 : i32
        %parallel_loop3A_438 = vector.broadcast %parallel_loop3A_437 : i32 to vector<16xi32>
        %parallel_loop3A_439 = arith.addi %parallel_loop3A_76, %parallel_loop3A_438 : vector<16xi32>
        %parallel_loop3A_440 = tpu.vector_load_idx %arg5[%parallel_loop3A_439] : memref<8385xf32, #tpu.memory_space<vmem>>[vector<16xi32>], vector<16xf32>,
        %parallel_loop3A_441 = arith.constant 31 : i32
        %parallel_loop3A_442 = vector.broadcast %parallel_loop3A_441 : i32 to vector<16xi32>
        %parallel_loop3A_443 = arith.addi %parallel_loop3A_76, %parallel_loop3A_442 : vector<16xi32>
        %parallel_loop3A_444 = tpu.vector_load_idx %arg5[%parallel_loop3A_443] : memref<8385xf32, #tpu.memory_space<vmem>>[vector<16xi32>], vector<16xf32>,
        %parallel_loop3A_445 = arith.constant 0 : i32
        %parallel_loop3A_446 = arith.addi %parallel_loop3A_66, %parallel_loop3A_445 : i32
        %parallel_loop3A_447 = arith.constant 16 : i32
        %parallel_loop3A_448 = arith.muli %parallel_loop3A_446, %parallel_loop3A_447 : i32
        %parallel_loop3A_449 = arith.constant 3 : i32
        %parallel_loop3A_450 = arith.constant 0 : i32
        %parallel_loop3A_451 = arith.index_cast %parallel_loop3A_449 : i32 to index
        %parallel_loop3A_452 = arith.index_cast %parallel_loop3A_450 : i32 to index
        %parallel_loop3A_453 = arith.index_cast %parallel_loop3A_448 : i32 to index
        %parallel_loop3A_454 = tpu.vector_load %arg8[%parallel_loop3A_451, %parallel_loop3A_452, %parallel_loop3A_453] {strides = array<i32>} : memref<8x8x128xf32, #tpu.memory_space<vmem>>, vector<16xf32>,
        tpu.vector_store %arg8[%parallel_loop3A_451, %parallel_loop3A_452, %parallel_loop3A_453], %parallel_loop3A_416 {strides = array<i32>} : memref<8x8x128xf32, #tpu.memory_space<vmem>>, vector<16xf32>,
        %parallel_loop3A_455 = arith.constant 0 : i32
        %parallel_loop3A_456 = arith.addi %parallel_loop3A_66, %parallel_loop3A_455 : i32
        %parallel_loop3A_457 = arith.constant 16 : i32
        %parallel_loop3A_458 = arith.muli %parallel_loop3A_456, %parallel_loop3A_457 : i32
        %parallel_loop3A_459 = arith.constant 3 : i32
        %parallel_loop3A_460 = arith.constant 1 : i32
        %parallel_loop3A_461 = arith.index_cast %parallel_loop3A_459 : i32 to index
        %parallel_loop3A_462 = arith.index_cast %parallel_loop3A_460 : i32 to index
        %parallel_loop3A_463 = arith.index_cast %parallel_loop3A_458 : i32 to index
        %parallel_loop3A_464 = tpu.vector_load %arg8[%parallel_loop3A_461, %parallel_loop3A_462, %parallel_loop3A_463] {strides = array<i32>} : memref<8x8x128xf32, #tpu.memory_space<vmem>>, vector<16xf32>,
        tpu.vector_store %arg8[%parallel_loop3A_461, %parallel_loop3A_462, %parallel_loop3A_463], %parallel_loop3A_420 {strides = array<i32>} : memref<8x8x128xf32, #tpu.memory_space<vmem>>, vector<16xf32>,
        %parallel_loop3A_465 = arith.constant 0 : i32
        %parallel_loop3A_466 = arith.addi %parallel_loop3A_66, %parallel_loop3A_465 : i32
        %parallel_loop3A_467 = arith.constant 16 : i32
        %parallel_loop3A_468 = arith.muli %parallel_loop3A_466, %parallel_loop3A_467 : i32
        %parallel_loop3A_469 = arith.constant 3 : i32
        %parallel_loop3A_470 = arith.constant 2 : i32
        %parallel_loop3A_471 = arith.index_cast %parallel_loop3A_469 : i32 to index
        %parallel_loop3A_472 = arith.index_cast %parallel_loop3A_470 : i32 to index
        %parallel_loop3A_473 = arith.index_cast %parallel_loop3A_468 : i32 to index
        %parallel_loop3A_474 = tpu.vector_load %arg8[%parallel_loop3A_471, %parallel_loop3A_472, %parallel_loop3A_473] {strides = array<i32>} : memref<8x8x128xf32, #tpu.memory_space<vmem>>, vector<16xf32>,
        tpu.vector_store %arg8[%parallel_loop3A_471, %parallel_loop3A_472, %parallel_loop3A_473], %parallel_loop3A_424 {strides = array<i32>} : memref<8x8x128xf32, #tpu.memory_space<vmem>>, vector<16xf32>,
        %parallel_loop3A_475 = arith.constant 0 : i32
        %parallel_loop3A_476 = arith.addi %parallel_loop3A_66, %parallel_loop3A_475 : i32
        %parallel_loop3A_477 = arith.constant 16 : i32
        %parallel_loop3A_478 = arith.muli %parallel_loop3A_476, %parallel_loop3A_477 : i32
        %parallel_loop3A_479 = arith.constant 3 : i32
        %parallel_loop3A_480 = arith.constant 3 : i32
        %parallel_loop3A_481 = arith.index_cast %parallel_loop3A_479 : i32 to index
        %parallel_loop3A_482 = arith.index_cast %parallel_loop3A_480 : i32 to index
        %parallel_loop3A_483 = arith.index_cast %parallel_loop3A_478 : i32 to index
        %parallel_loop3A_484 = tpu.vector_load %arg8[%parallel_loop3A_481, %parallel_loop3A_482, %parallel_loop3A_483] {strides = array<i32>} : memref<8x8x128xf32, #tpu.memory_space<vmem>>, vector<16xf32>,
        tpu.vector_store %arg8[%parallel_loop3A_481, %parallel_loop3A_482, %parallel_loop3A_483], %parallel_loop3A_428 {strides = array<i32>} : memref<8x8x128xf32, #tpu.memory_space<vmem>>, vector<16xf32>,
        %parallel_loop3A_485 = arith.constant 0 : i32
        %parallel_loop3A_486 = arith.addi %parallel_loop3A_66, %parallel_loop3A_485 : i32
        %parallel_loop3A_487 = arith.constant 16 : i32
        %parallel_loop3A_488 = arith.muli %parallel_loop3A_486, %parallel_loop3A_487 : i32
        %parallel_loop3A_489 = arith.constant 3 : i32
        %parallel_loop3A_490 = arith.constant 4 : i32
        %parallel_loop3A_491 = arith.index_cast %parallel_loop3A_489 : i32 to index
        %parallel_loop3A_492 = arith.index_cast %parallel_loop3A_490 : i32 to index
        %parallel_loop3A_493 = arith.index_cast %parallel_loop3A_488 : i32 to index
        %parallel_loop3A_494 = tpu.vector_load %arg8[%parallel_loop3A_491, %parallel_loop3A_492, %parallel_loop3A_493] {strides = array<i32>} : memref<8x8x128xf32, #tpu.memory_space<vmem>>, vector<16xf32>,
        tpu.vector_store %arg8[%parallel_loop3A_491, %parallel_loop3A_492, %parallel_loop3A_493], %parallel_loop3A_432 {strides = array<i32>} : memref<8x8x128xf32, #tpu.memory_space<vmem>>, vector<16xf32>,
        %parallel_loop3A_495 = arith.constant 0 : i32
        %parallel_loop3A_496 = arith.addi %parallel_loop3A_66, %parallel_loop3A_495 : i32
        %parallel_loop3A_497 = arith.constant 16 : i32
        %parallel_loop3A_498 = arith.muli %parallel_loop3A_496, %parallel_loop3A_497 : i32
        %parallel_loop3A_499 = arith.constant 3 : i32
        %parallel_loop3A_500 = arith.constant 5 : i32
        %parallel_loop3A_501 = arith.index_cast %parallel_loop3A_499 : i32 to index
        %parallel_loop3A_502 = arith.index_cast %parallel_loop3A_500 : i32 to index
        %parallel_loop3A_503 = arith.index_cast %parallel_loop3A_498 : i32 to index
        %parallel_loop3A_504 = tpu.vector_load %arg8[%parallel_loop3A_501, %parallel_loop3A_502, %parallel_loop3A_503] {strides = array<i32>} : memref<8x8x128xf32, #tpu.memory_space<vmem>>, vector<16xf32>,
        tpu.vector_store %arg8[%parallel_loop3A_501, %parallel_loop3A_502, %parallel_loop3A_503], %parallel_loop3A_436 {strides = array<i32>} : memref<8x8x128xf32, #tpu.memory_space<vmem>>, vector<16xf32>,
        %parallel_loop3A_505 = arith.constant 0 : i32
        %parallel_loop3A_506 = arith.addi %parallel_loop3A_66, %parallel_loop3A_505 : i32
        %parallel_loop3A_507 = arith.constant 16 : i32
        %parallel_loop3A_508 = arith.muli %parallel_loop3A_506, %parallel_loop3A_507 : i32
        %parallel_loop3A_509 = arith.constant 3 : i32
        %parallel_loop3A_510 = arith.constant 6 : i32
        %parallel_loop3A_511 = arith.index_cast %parallel_loop3A_509 : i32 to index
        %parallel_loop3A_512 = arith.index_cast %parallel_loop3A_510 : i32 to index
        %parallel_loop3A_513 = arith.index_cast %parallel_loop3A_508 : i32 to index
        %parallel_loop3A_514 = tpu.vector_load %arg8[%parallel_loop3A_511, %parallel_loop3A_512, %parallel_loop3A_513] {strides = array<i32>} : memref<8x8x128xf32, #tpu.memory_space<vmem>>, vector<16xf32>,
        tpu.vector_store %arg8[%parallel_loop3A_511, %parallel_loop3A_512, %parallel_loop3A_513], %parallel_loop3A_440 {strides = array<i32>} : memref<8x8x128xf32, #tpu.memory_space<vmem>>, vector<16xf32>,
        %parallel_loop3A_515 = arith.constant 0 : i32
        %parallel_loop3A_516 = arith.addi %parallel_loop3A_66, %parallel_loop3A_515 : i32
        %parallel_loop3A_517 = arith.constant 16 : i32
        %parallel_loop3A_518 = arith.muli %parallel_loop3A_516, %parallel_loop3A_517 : i32
        %parallel_loop3A_519 = arith.constant 3 : i32
        %parallel_loop3A_520 = arith.constant 7 : i32
        %parallel_loop3A_521 = arith.index_cast %parallel_loop3A_519 : i32 to index
        %parallel_loop3A_522 = arith.index_cast %parallel_loop3A_520 : i32 to index
        %parallel_loop3A_523 = arith.index_cast %parallel_loop3A_518 : i32 to index
        %parallel_loop3A_524 = tpu.vector_load %arg8[%parallel_loop3A_521, %parallel_loop3A_522, %parallel_loop3A_523] {strides = array<i32>} : memref<8x8x128xf32, #tpu.memory_space<vmem>>, vector<16xf32>,
        tpu.vector_store %arg8[%parallel_loop3A_521, %parallel_loop3A_522, %parallel_loop3A_523], %parallel_loop3A_444 {strides = array<i32>} : memref<8x8x128xf32, #tpu.memory_space<vmem>>, vector<16xf32>,
        %parallel_loop3A_525 = arith.constant 32 : i32
        %parallel_loop3A_526 = vector.broadcast %parallel_loop3A_525 : i32 to vector<16xi32>
        %parallel_loop3A_527 = arith.addi %parallel_loop3A_76, %parallel_loop3A_526 : vector<16xi32>
        %parallel_loop3A_528 = tpu.vector_load_idx %arg5[%parallel_loop3A_527] : memref<8385xf32, #tpu.memory_space<vmem>>[vector<16xi32>], vector<16xf32>,
        %parallel_loop3A_529 = arith.constant 33 : i32
        %parallel_loop3A_530 = vector.broadcast %parallel_loop3A_529 : i32 to vector<16xi32>
        %parallel_loop3A_531 = arith.addi %parallel_loop3A_76, %parallel_loop3A_530 : vector<16xi32>
        %parallel_loop3A_532 = tpu.vector_load_idx %arg5[%parallel_loop3A_531] : memref<8385xf32, #tpu.memory_space<vmem>>[vector<16xi32>], vector<16xf32>,
        %parallel_loop3A_533 = arith.constant 34 : i32
        %parallel_loop3A_534 = vector.broadcast %parallel_loop3A_533 : i32 to vector<16xi32>
        %parallel_loop3A_535 = arith.addi %parallel_loop3A_76, %parallel_loop3A_534 : vector<16xi32>
        %parallel_loop3A_536 = tpu.vector_load_idx %arg5[%parallel_loop3A_535] : memref<8385xf32, #tpu.memory_space<vmem>>[vector<16xi32>], vector<16xf32>,
        %parallel_loop3A_537 = arith.constant 35 : i32
        %parallel_loop3A_538 = vector.broadcast %parallel_loop3A_537 : i32 to vector<16xi32>
        %parallel_loop3A_539 = arith.addi %parallel_loop3A_76, %parallel_loop3A_538 : vector<16xi32>
        %parallel_loop3A_540 = tpu.vector_load_idx %arg5[%parallel_loop3A_539] : memref<8385xf32, #tpu.memory_space<vmem>>[vector<16xi32>], vector<16xf32>,
        %parallel_loop3A_541 = arith.constant 36 : i32
        %parallel_loop3A_542 = vector.broadcast %parallel_loop3A_541 : i32 to vector<16xi32>
        %parallel_loop3A_543 = arith.addi %parallel_loop3A_76, %parallel_loop3A_542 : vector<16xi32>
        %parallel_loop3A_544 = tpu.vector_load_idx %arg5[%parallel_loop3A_543] : memref<8385xf32, #tpu.memory_space<vmem>>[vector<16xi32>], vector<16xf32>,
        %parallel_loop3A_545 = arith.constant 37 : i32
        %parallel_loop3A_546 = vector.broadcast %parallel_loop3A_545 : i32 to vector<16xi32>
        %parallel_loop3A_547 = arith.addi %parallel_loop3A_76, %parallel_loop3A_546 : vector<16xi32>
        %parallel_loop3A_548 = tpu.vector_load_idx %arg5[%parallel_loop3A_547] : memref<8385xf32, #tpu.memory_space<vmem>>[vector<16xi32>], vector<16xf32>,
        %parallel_loop3A_549 = arith.constant 38 : i32
        %parallel_loop3A_550 = vector.broadcast %parallel_loop3A_549 : i32 to vector<16xi32>
        %parallel_loop3A_551 = arith.addi %parallel_loop3A_76, %parallel_loop3A_550 : vector<16xi32>
        %parallel_loop3A_552 = tpu.vector_load_idx %arg5[%parallel_loop3A_551] : memref<8385xf32, #tpu.memory_space<vmem>>[vector<16xi32>], vector<16xf32>,
        %parallel_loop3A_553 = arith.constant 39 : i32
        %parallel_loop3A_554 = vector.broadcast %parallel_loop3A_553 : i32 to vector<16xi32>
        %parallel_loop3A_555 = arith.addi %parallel_loop3A_76, %parallel_loop3A_554 : vector<16xi32>
        %parallel_loop3A_556 = tpu.vector_load_idx %arg5[%parallel_loop3A_555] : memref<8385xf32, #tpu.memory_space<vmem>>[vector<16xi32>], vector<16xf32>,
        %parallel_loop3A_557 = arith.constant 0 : i32
        %parallel_loop3A_558 = arith.addi %parallel_loop3A_66, %parallel_loop3A_557 : i32
        %parallel_loop3A_559 = arith.constant 16 : i32
        %parallel_loop3A_560 = arith.muli %parallel_loop3A_558, %parallel_loop3A_559 : i32
        %parallel_loop3A_561 = arith.constant 4 : i32
        %parallel_loop3A_562 = arith.constant 0 : i32
        %parallel_loop3A_563 = arith.index_cast %parallel_loop3A_561 : i32 to index
        %parallel_loop3A_564 = arith.index_cast %parallel_loop3A_562 : i32 to index
        %parallel_loop3A_565 = arith.index_cast %parallel_loop3A_560 : i32 to index
        %parallel_loop3A_566 = tpu.vector_load %arg8[%parallel_loop3A_563, %parallel_loop3A_564, %parallel_loop3A_565] {strides = array<i32>} : memref<8x8x128xf32, #tpu.memory_space<vmem>>, vector<16xf32>,
        tpu.vector_store %arg8[%parallel_loop3A_563, %parallel_loop3A_564, %parallel_loop3A_565], %parallel_loop3A_528 {strides = array<i32>} : memref<8x8x128xf32, #tpu.memory_space<vmem>>, vector<16xf32>,
        %parallel_loop3A_567 = arith.constant 0 : i32
        %parallel_loop3A_568 = arith.addi %parallel_loop3A_66, %parallel_loop3A_567 : i32
        %parallel_loop3A_569 = arith.constant 16 : i32
        %parallel_loop3A_570 = arith.muli %parallel_loop3A_568, %parallel_loop3A_569 : i32
        %parallel_loop3A_571 = arith.constant 4 : i32
        %parallel_loop3A_572 = arith.constant 1 : i32
        %parallel_loop3A_573 = arith.index_cast %parallel_loop3A_571 : i32 to index
        %parallel_loop3A_574 = arith.index_cast %parallel_loop3A_572 : i32 to index
        %parallel_loop3A_575 = arith.index_cast %parallel_loop3A_570 : i32 to index
        %parallel_loop3A_576 = tpu.vector_load %arg8[%parallel_loop3A_573, %parallel_loop3A_574, %parallel_loop3A_575] {strides = array<i32>} : memref<8x8x128xf32, #tpu.memory_space<vmem>>, vector<16xf32>,
        tpu.vector_store %arg8[%parallel_loop3A_573, %parallel_loop3A_574, %parallel_loop3A_575], %parallel_loop3A_532 {strides = array<i32>} : memref<8x8x128xf32, #tpu.memory_space<vmem>>, vector<16xf32>,
        %parallel_loop3A_577 = arith.constant 0 : i32
        %parallel_loop3A_578 = arith.addi %parallel_loop3A_66, %parallel_loop3A_577 : i32
        %parallel_loop3A_579 = arith.constant 16 : i32
        %parallel_loop3A_580 = arith.muli %parallel_loop3A_578, %parallel_loop3A_579 : i32
        %parallel_loop3A_581 = arith.constant 4 : i32
        %parallel_loop3A_582 = arith.constant 2 : i32
        %parallel_loop3A_583 = arith.index_cast %parallel_loop3A_581 : i32 to index
        %parallel_loop3A_584 = arith.index_cast %parallel_loop3A_582 : i32 to index
        %parallel_loop3A_585 = arith.index_cast %parallel_loop3A_580 : i32 to index
        %parallel_loop3A_586 = tpu.vector_load %arg8[%parallel_loop3A_583, %parallel_loop3A_584, %parallel_loop3A_585] {strides = array<i32>} : memref<8x8x128xf32, #tpu.memory_space<vmem>>, vector<16xf32>,
        tpu.vector_store %arg8[%parallel_loop3A_583, %parallel_loop3A_584, %parallel_loop3A_585], %parallel_loop3A_536 {strides = array<i32>} : memref<8x8x128xf32, #tpu.memory_space<vmem>>, vector<16xf32>,
        %parallel_loop3A_587 = arith.constant 0 : i32
        %parallel_loop3A_588 = arith.addi %parallel_loop3A_66, %parallel_loop3A_587 : i32
        %parallel_loop3A_589 = arith.constant 16 : i32
        %parallel_loop3A_590 = arith.muli %parallel_loop3A_588, %parallel_loop3A_589 : i32
        %parallel_loop3A_591 = arith.constant 4 : i32
        %parallel_loop3A_592 = arith.constant 3 : i32
        %parallel_loop3A_593 = arith.index_cast %parallel_loop3A_591 : i32 to index
        %parallel_loop3A_594 = arith.index_cast %parallel_loop3A_592 : i32 to index
        %parallel_loop3A_595 = arith.index_cast %parallel_loop3A_590 : i32 to index
        %parallel_loop3A_596 = tpu.vector_load %arg8[%parallel_loop3A_593, %parallel_loop3A_594, %parallel_loop3A_595] {strides = array<i32>} : memref<8x8x128xf32, #tpu.memory_space<vmem>>, vector<16xf32>,
        tpu.vector_store %arg8[%parallel_loop3A_593, %parallel_loop3A_594, %parallel_loop3A_595], %parallel_loop3A_540 {strides = array<i32>} : memref<8x8x128xf32, #tpu.memory_space<vmem>>, vector<16xf32>,
        %parallel_loop3A_597 = arith.constant 0 : i32
        %parallel_loop3A_598 = arith.addi %parallel_loop3A_66, %parallel_loop3A_597 : i32
        %parallel_loop3A_599 = arith.constant 16 : i32
        %parallel_loop3A_600 = arith.muli %parallel_loop3A_598, %parallel_loop3A_599 : i32
        %parallel_loop3A_601 = arith.constant 4 : i32
        %parallel_loop3A_602 = arith.constant 4 : i32
        %parallel_loop3A_603 = arith.index_cast %parallel_loop3A_601 : i32 to index
        %parallel_loop3A_604 = arith.index_cast %parallel_loop3A_602 : i32 to index
        %parallel_loop3A_605 = arith.index_cast %parallel_loop3A_600 : i32 to index
        %parallel_loop3A_606 = tpu.vector_load %arg8[%parallel_loop3A_603, %parallel_loop3A_604, %parallel_loop3A_605] {strides = array<i32>} : memref<8x8x128xf32, #tpu.memory_space<vmem>>, vector<16xf32>,
        tpu.vector_store %arg8[%parallel_loop3A_603, %parallel_loop3A_604, %parallel_loop3A_605], %parallel_loop3A_544 {strides = array<i32>} : memref<8x8x128xf32, #tpu.memory_space<vmem>>, vector<16xf32>,
        %parallel_loop3A_607 = arith.constant 0 : i32
        %parallel_loop3A_608 = arith.addi %parallel_loop3A_66, %parallel_loop3A_607 : i32
        %parallel_loop3A_609 = arith.constant 16 : i32
        %parallel_loop3A_610 = arith.muli %parallel_loop3A_608, %parallel_loop3A_609 : i32
        %parallel_loop3A_611 = arith.constant 4 : i32
        %parallel_loop3A_612 = arith.constant 5 : i32
        %parallel_loop3A_613 = arith.index_cast %parallel_loop3A_611 : i32 to index
        %parallel_loop3A_614 = arith.index_cast %parallel_loop3A_612 : i32 to index
        %parallel_loop3A_615 = arith.index_cast %parallel_loop3A_610 : i32 to index
        %parallel_loop3A_616 = tpu.vector_load %arg8[%parallel_loop3A_613, %parallel_loop3A_614, %parallel_loop3A_615] {strides = array<i32>} : memref<8x8x128xf32, #tpu.memory_space<vmem>>, vector<16xf32>,
        tpu.vector_store %arg8[%parallel_loop3A_613, %parallel_loop3A_614, %parallel_loop3A_615], %parallel_loop3A_548 {strides = array<i32>} : memref<8x8x128xf32, #tpu.memory_space<vmem>>, vector<16xf32>,
        %parallel_loop3A_617 = arith.constant 0 : i32
        %parallel_loop3A_618 = arith.addi %parallel_loop3A_66, %parallel_loop3A_617 : i32
        %parallel_loop3A_619 = arith.constant 16 : i32
        %parallel_loop3A_620 = arith.muli %parallel_loop3A_618, %parallel_loop3A_619 : i32
        %parallel_loop3A_621 = arith.constant 4 : i32
        %parallel_loop3A_622 = arith.constant 6 : i32
        %parallel_loop3A_623 = arith.index_cast %parallel_loop3A_621 : i32 to index
        %parallel_loop3A_624 = arith.index_cast %parallel_loop3A_622 : i32 to index
        %parallel_loop3A_625 = arith.index_cast %parallel_loop3A_620 : i32 to index
        %parallel_loop3A_626 = tpu.vector_load %arg8[%parallel_loop3A_623, %parallel_loop3A_624, %parallel_loop3A_625] {strides = array<i32>} : memref<8x8x128xf32, #tpu.memory_space<vmem>>, vector<16xf32>,
        tpu.vector_store %arg8[%parallel_loop3A_623, %parallel_loop3A_624, %parallel_loop3A_625], %parallel_loop3A_552 {strides = array<i32>} : memref<8x8x128xf32, #tpu.memory_space<vmem>>, vector<16xf32>,
        %parallel_loop3A_627 = arith.constant 0 : i32
        %parallel_loop3A_628 = arith.addi %parallel_loop3A_66, %parallel_loop3A_627 : i32
        %parallel_loop3A_629 = arith.constant 16 : i32
        %parallel_loop3A_630 = arith.muli %parallel_loop3A_628, %parallel_loop3A_629 : i32
        %parallel_loop3A_631 = arith.constant 4 : i32
        %parallel_loop3A_632 = arith.constant 7 : i32
        %parallel_loop3A_633 = arith.index_cast %parallel_loop3A_631 : i32 to index
        %parallel_loop3A_634 = arith.index_cast %parallel_loop3A_632 : i32 to index
        %parallel_loop3A_635 = arith.index_cast %parallel_loop3A_630 : i32 to index
        %parallel_loop3A_636 = tpu.vector_load %arg8[%parallel_loop3A_633, %parallel_loop3A_634, %parallel_loop3A_635] {strides = array<i32>} : memref<8x8x128xf32, #tpu.memory_space<vmem>>, vector<16xf32>,
        tpu.vector_store %arg8[%parallel_loop3A_633, %parallel_loop3A_634, %parallel_loop3A_635], %parallel_loop3A_556 {strides = array<i32>} : memref<8x8x128xf32, #tpu.memory_space<vmem>>, vector<16xf32>,
        %parallel_loop3A_637 = arith.constant 40 : i32
        %parallel_loop3A_638 = vector.broadcast %parallel_loop3A_637 : i32 to vector<16xi32>
        %parallel_loop3A_639 = arith.addi %parallel_loop3A_76, %parallel_loop3A_638 : vector<16xi32>
        %parallel_loop3A_640 = tpu.vector_load_idx %arg5[%parallel_loop3A_639] : memref<8385xf32, #tpu.memory_space<vmem>>[vector<16xi32>], vector<16xf32>,
        %parallel_loop3A_641 = arith.constant 41 : i32
        %parallel_loop3A_642 = vector.broadcast %parallel_loop3A_641 : i32 to vector<16xi32>
        %parallel_loop3A_643 = arith.addi %parallel_loop3A_76, %parallel_loop3A_642 : vector<16xi32>
        %parallel_loop3A_644 = tpu.vector_load_idx %arg5[%parallel_loop3A_643] : memref<8385xf32, #tpu.memory_space<vmem>>[vector<16xi32>], vector<16xf32>,
        %parallel_loop3A_645 = arith.constant 42 : i32
        %parallel_loop3A_646 = vector.broadcast %parallel_loop3A_645 : i32 to vector<16xi32>
        %parallel_loop3A_647 = arith.addi %parallel_loop3A_76, %parallel_loop3A_646 : vector<16xi32>
        %parallel_loop3A_648 = tpu.vector_load_idx %arg5[%parallel_loop3A_647] : memref<8385xf32, #tpu.memory_space<vmem>>[vector<16xi32>], vector<16xf32>,
        %parallel_loop3A_649 = arith.constant 43 : i32
        %parallel_loop3A_650 = vector.broadcast %parallel_loop3A_649 : i32 to vector<16xi32>
        %parallel_loop3A_651 = arith.addi %parallel_loop3A_76, %parallel_loop3A_650 : vector<16xi32>
        %parallel_loop3A_652 = tpu.vector_load_idx %arg5[%parallel_loop3A_651] : memref<8385xf32, #tpu.memory_space<vmem>>[vector<16xi32>], vector<16xf32>,
        %parallel_loop3A_653 = arith.constant 44 : i32
        %parallel_loop3A_654 = vector.broadcast %parallel_loop3A_653 : i32 to vector<16xi32>
        %parallel_loop3A_655 = arith.addi %parallel_loop3A_76, %parallel_loop3A_654 : vector<16xi32>
        %parallel_loop3A_656 = tpu.vector_load_idx %arg5[%parallel_loop3A_655] : memref<8385xf32, #tpu.memory_space<vmem>>[vector<16xi32>], vector<16xf32>,
        %parallel_loop3A_657 = arith.constant 45 : i32
        %parallel_loop3A_658 = vector.broadcast %parallel_loop3A_657 : i32 to vector<16xi32>
        %parallel_loop3A_659 = arith.addi %parallel_loop3A_76, %parallel_loop3A_658 : vector<16xi32>
        %parallel_loop3A_660 = tpu.vector_load_idx %arg5[%parallel_loop3A_659] : memref<8385xf32, #tpu.memory_space<vmem>>[vector<16xi32>], vector<16xf32>,
        %parallel_loop3A_661 = arith.constant 46 : i32
        %parallel_loop3A_662 = vector.broadcast %parallel_loop3A_661 : i32 to vector<16xi32>
        %parallel_loop3A_663 = arith.addi %parallel_loop3A_76, %parallel_loop3A_662 : vector<16xi32>
        %parallel_loop3A_664 = tpu.vector_load_idx %arg5[%parallel_loop3A_663] : memref<8385xf32, #tpu.memory_space<vmem>>[vector<16xi32>], vector<16xf32>,
        %parallel_loop3A_665 = arith.constant 47 : i32
        %parallel_loop3A_666 = vector.broadcast %parallel_loop3A_665 : i32 to vector<16xi32>
        %parallel_loop3A_667 = arith.addi %parallel_loop3A_76, %parallel_loop3A_666 : vector<16xi32>
        %parallel_loop3A_668 = tpu.vector_load_idx %arg5[%parallel_loop3A_667] : memref<8385xf32, #tpu.memory_space<vmem>>[vector<16xi32>], vector<16xf32>,
        %parallel_loop3A_669 = arith.constant 0 : i32
        %parallel_loop3A_670 = arith.addi %parallel_loop3A_66, %parallel_loop3A_669 : i32
        %parallel_loop3A_671 = arith.constant 16 : i32
        %parallel_loop3A_672 = arith.muli %parallel_loop3A_670, %parallel_loop3A_671 : i32
        %parallel_loop3A_673 = arith.constant 5 : i32
        %parallel_loop3A_674 = arith.constant 0 : i32
        %parallel_loop3A_675 = arith.index_cast %parallel_loop3A_673 : i32 to index
        %parallel_loop3A_676 = arith.index_cast %parallel_loop3A_674 : i32 to index
        %parallel_loop3A_677 = arith.index_cast %parallel_loop3A_672 : i32 to index
        %parallel_loop3A_678 = tpu.vector_load %arg8[%parallel_loop3A_675, %parallel_loop3A_676, %parallel_loop3A_677] {strides = array<i32>} : memref<8x8x128xf32, #tpu.memory_space<vmem>>, vector<16xf32>,
        tpu.vector_store %arg8[%parallel_loop3A_675, %parallel_loop3A_676, %parallel_loop3A_677], %parallel_loop3A_640 {strides = array<i32>} : memref<8x8x128xf32, #tpu.memory_space<vmem>>, vector<16xf32>,
        %parallel_loop3A_679 = arith.constant 0 : i32
        %parallel_loop3A_680 = arith.addi %parallel_loop3A_66, %parallel_loop3A_679 : i32
        %parallel_loop3A_681 = arith.constant 16 : i32
        %parallel_loop3A_682 = arith.muli %parallel_loop3A_680, %parallel_loop3A_681 : i32
        %parallel_loop3A_683 = arith.constant 5 : i32
        %parallel_loop3A_684 = arith.constant 1 : i32
        %parallel_loop3A_685 = arith.index_cast %parallel_loop3A_683 : i32 to index
        %parallel_loop3A_686 = arith.index_cast %parallel_loop3A_684 : i32 to index
        %parallel_loop3A_687 = arith.index_cast %parallel_loop3A_682 : i32 to index
        %parallel_loop3A_688 = tpu.vector_load %arg8[%parallel_loop3A_685, %parallel_loop3A_686, %parallel_loop3A_687] {strides = array<i32>} : memref<8x8x128xf32, #tpu.memory_space<vmem>>, vector<16xf32>,
        tpu.vector_store %arg8[%parallel_loop3A_685, %parallel_loop3A_686, %parallel_loop3A_687], %parallel_loop3A_644 {strides = array<i32>} : memref<8x8x128xf32, #tpu.memory_space<vmem>>, vector<16xf32>,
        %parallel_loop3A_689 = arith.constant 0 : i32
        %parallel_loop3A_690 = arith.addi %parallel_loop3A_66, %parallel_loop3A_689 : i32
        %parallel_loop3A_691 = arith.constant 16 : i32
        %parallel_loop3A_692 = arith.muli %parallel_loop3A_690, %parallel_loop3A_691 : i32
        %parallel_loop3A_693 = arith.constant 5 : i32
        %parallel_loop3A_694 = arith.constant 2 : i32
        %parallel_loop3A_695 = arith.index_cast %parallel_loop3A_693 : i32 to index
        %parallel_loop3A_696 = arith.index_cast %parallel_loop3A_694 : i32 to index
        %parallel_loop3A_697 = arith.index_cast %parallel_loop3A_692 : i32 to index
        %parallel_loop3A_698 = tpu.vector_load %arg8[%parallel_loop3A_695, %parallel_loop3A_696, %parallel_loop3A_697] {strides = array<i32>} : memref<8x8x128xf32, #tpu.memory_space<vmem>>, vector<16xf32>,
        tpu.vector_store %arg8[%parallel_loop3A_695, %parallel_loop3A_696, %parallel_loop3A_697], %parallel_loop3A_648 {strides = array<i32>} : memref<8x8x128xf32, #tpu.memory_space<vmem>>, vector<16xf32>,
        %parallel_loop3A_699 = arith.constant 0 : i32
        %parallel_loop3A_700 = arith.addi %parallel_loop3A_66, %parallel_loop3A_699 : i32
        %parallel_loop3A_701 = arith.constant 16 : i32
        %parallel_loop3A_702 = arith.muli %parallel_loop3A_700, %parallel_loop3A_701 : i32
        %parallel_loop3A_703 = arith.constant 5 : i32
        %parallel_loop3A_704 = arith.constant 3 : i32
        %parallel_loop3A_705 = arith.index_cast %parallel_loop3A_703 : i32 to index
        %parallel_loop3A_706 = arith.index_cast %parallel_loop3A_704 : i32 to index
        %parallel_loop3A_707 = arith.index_cast %parallel_loop3A_702 : i32 to index
        %parallel_loop3A_708 = tpu.vector_load %arg8[%parallel_loop3A_705, %parallel_loop3A_706, %parallel_loop3A_707] {strides = array<i32>} : memref<8x8x128xf32, #tpu.memory_space<vmem>>, vector<16xf32>,
        tpu.vector_store %arg8[%parallel_loop3A_705, %parallel_loop3A_706, %parallel_loop3A_707], %parallel_loop3A_652 {strides = array<i32>} : memref<8x8x128xf32, #tpu.memory_space<vmem>>, vector<16xf32>,
        %parallel_loop3A_709 = arith.constant 0 : i32
        %parallel_loop3A_710 = arith.addi %parallel_loop3A_66, %parallel_loop3A_709 : i32
        %parallel_loop3A_711 = arith.constant 16 : i32
        %parallel_loop3A_712 = arith.muli %parallel_loop3A_710, %parallel_loop3A_711 : i32
        %parallel_loop3A_713 = arith.constant 5 : i32
        %parallel_loop3A_714 = arith.constant 4 : i32
        %parallel_loop3A_715 = arith.index_cast %parallel_loop3A_713 : i32 to index
        %parallel_loop3A_716 = arith.index_cast %parallel_loop3A_714 : i32 to index
        %parallel_loop3A_717 = arith.index_cast %parallel_loop3A_712 : i32 to index
        %parallel_loop3A_718 = tpu.vector_load %arg8[%parallel_loop3A_715, %parallel_loop3A_716, %parallel_loop3A_717] {strides = array<i32>} : memref<8x8x128xf32, #tpu.memory_space<vmem>>, vector<16xf32>,
        tpu.vector_store %arg8[%parallel_loop3A_715, %parallel_loop3A_716, %parallel_loop3A_717], %parallel_loop3A_656 {strides = array<i32>} : memref<8x8x128xf32, #tpu.memory_space<vmem>>, vector<16xf32>,
        %parallel_loop3A_719 = arith.constant 0 : i32
        %parallel_loop3A_720 = arith.addi %parallel_loop3A_66, %parallel_loop3A_719 : i32
        %parallel_loop3A_721 = arith.constant 16 : i32
        %parallel_loop3A_722 = arith.muli %parallel_loop3A_720, %parallel_loop3A_721 : i32
        %parallel_loop3A_723 = arith.constant 5 : i32
        %parallel_loop3A_724 = arith.constant 5 : i32
        %parallel_loop3A_725 = arith.index_cast %parallel_loop3A_723 : i32 to index
        %parallel_loop3A_726 = arith.index_cast %parallel_loop3A_724 : i32 to index
        %parallel_loop3A_727 = arith.index_cast %parallel_loop3A_722 : i32 to index
        %parallel_loop3A_728 = tpu.vector_load %arg8[%parallel_loop3A_725, %parallel_loop3A_726, %parallel_loop3A_727] {strides = array<i32>} : memref<8x8x128xf32, #tpu.memory_space<vmem>>, vector<16xf32>,
        tpu.vector_store %arg8[%parallel_loop3A_725, %parallel_loop3A_726, %parallel_loop3A_727], %parallel_loop3A_660 {strides = array<i32>} : memref<8x8x128xf32, #tpu.memory_space<vmem>>, vector<16xf32>,
        %parallel_loop3A_729 = arith.constant 0 : i32
        %parallel_loop3A_730 = arith.addi %parallel_loop3A_66, %parallel_loop3A_729 : i32
        %parallel_loop3A_731 = arith.constant 16 : i32
        %parallel_loop3A_732 = arith.muli %parallel_loop3A_730, %parallel_loop3A_731 : i32
        %parallel_loop3A_733 = arith.constant 5 : i32
        %parallel_loop3A_734 = arith.constant 6 : i32
        %parallel_loop3A_735 = arith.index_cast %parallel_loop3A_733 : i32 to index
        %parallel_loop3A_736 = arith.index_cast %parallel_loop3A_734 : i32 to index
        %parallel_loop3A_737 = arith.index_cast %parallel_loop3A_732 : i32 to index
        %parallel_loop3A_738 = tpu.vector_load %arg8[%parallel_loop3A_735, %parallel_loop3A_736, %parallel_loop3A_737] {strides = array<i32>} : memref<8x8x128xf32, #tpu.memory_space<vmem>>, vector<16xf32>,
        tpu.vector_store %arg8[%parallel_loop3A_735, %parallel_loop3A_736, %parallel_loop3A_737], %parallel_loop3A_664 {strides = array<i32>} : memref<8x8x128xf32, #tpu.memory_space<vmem>>, vector<16xf32>,
        %parallel_loop3A_739 = arith.constant 0 : i32
        %parallel_loop3A_740 = arith.addi %parallel_loop3A_66, %parallel_loop3A_739 : i32
        %parallel_loop3A_741 = arith.constant 16 : i32
        %parallel_loop3A_742 = arith.muli %parallel_loop3A_740, %parallel_loop3A_741 : i32
        %parallel_loop3A_743 = arith.constant 5 : i32
        %parallel_loop3A_744 = arith.constant 7 : i32
        %parallel_loop3A_745 = arith.index_cast %parallel_loop3A_743 : i32 to index
        %parallel_loop3A_746 = arith.index_cast %parallel_loop3A_744 : i32 to index
        %parallel_loop3A_747 = arith.index_cast %parallel_loop3A_742 : i32 to index
        %parallel_loop3A_748 = tpu.vector_load %arg8[%parallel_loop3A_745, %parallel_loop3A_746, %parallel_loop3A_747] {strides = array<i32>} : memref<8x8x128xf32, #tpu.memory_space<vmem>>, vector<16xf32>,
        tpu.vector_store %arg8[%parallel_loop3A_745, %parallel_loop3A_746, %parallel_loop3A_747], %parallel_loop3A_668 {strides = array<i32>} : memref<8x8x128xf32, #tpu.memory_space<vmem>>, vector<16xf32>,
        %parallel_loop3A_749 = arith.constant 48 : i32
        %parallel_loop3A_750 = vector.broadcast %parallel_loop3A_749 : i32 to vector<16xi32>
        %parallel_loop3A_751 = arith.addi %parallel_loop3A_76, %parallel_loop3A_750 : vector<16xi32>
        %parallel_loop3A_752 = tpu.vector_load_idx %arg5[%parallel_loop3A_751] : memref<8385xf32, #tpu.memory_space<vmem>>[vector<16xi32>], vector<16xf32>,
        %parallel_loop3A_753 = arith.constant 49 : i32
        %parallel_loop3A_754 = vector.broadcast %parallel_loop3A_753 : i32 to vector<16xi32>
        %parallel_loop3A_755 = arith.addi %parallel_loop3A_76, %parallel_loop3A_754 : vector<16xi32>
        %parallel_loop3A_756 = tpu.vector_load_idx %arg5[%parallel_loop3A_755] : memref<8385xf32, #tpu.memory_space<vmem>>[vector<16xi32>], vector<16xf32>,
        %parallel_loop3A_757 = arith.constant 50 : i32
        %parallel_loop3A_758 = vector.broadcast %parallel_loop3A_757 : i32 to vector<16xi32>
        %parallel_loop3A_759 = arith.addi %parallel_loop3A_76, %parallel_loop3A_758 : vector<16xi32>
        %parallel_loop3A_760 = tpu.vector_load_idx %arg5[%parallel_loop3A_759] : memref<8385xf32, #tpu.memory_space<vmem>>[vector<16xi32>], vector<16xf32>,
        %parallel_loop3A_761 = arith.constant 51 : i32
        %parallel_loop3A_762 = vector.broadcast %parallel_loop3A_761 : i32 to vector<16xi32>
        %parallel_loop3A_763 = arith.addi %parallel_loop3A_76, %parallel_loop3A_762 : vector<16xi32>
        %parallel_loop3A_764 = tpu.vector_load_idx %arg5[%parallel_loop3A_763] : memref<8385xf32, #tpu.memory_space<vmem>>[vector<16xi32>], vector<16xf32>,
        %parallel_loop3A_765 = arith.constant 52 : i32
        %parallel_loop3A_766 = vector.broadcast %parallel_loop3A_765 : i32 to vector<16xi32>
        %parallel_loop3A_767 = arith.addi %parallel_loop3A_76, %parallel_loop3A_766 : vector<16xi32>
        %parallel_loop3A_768 = tpu.vector_load_idx %arg5[%parallel_loop3A_767] : memref<8385xf32, #tpu.memory_space<vmem>>[vector<16xi32>], vector<16xf32>,
        %parallel_loop3A_769 = arith.constant 53 : i32
        %parallel_loop3A_770 = vector.broadcast %parallel_loop3A_769 : i32 to vector<16xi32>
        %parallel_loop3A_771 = arith.addi %parallel_loop3A_76, %parallel_loop3A_770 : vector<16xi32>
        %parallel_loop3A_772 = tpu.vector_load_idx %arg5[%parallel_loop3A_771] : memref<8385xf32, #tpu.memory_space<vmem>>[vector<16xi32>], vector<16xf32>,
        %parallel_loop3A_773 = arith.constant 54 : i32
        %parallel_loop3A_774 = vector.broadcast %parallel_loop3A_773 : i32 to vector<16xi32>
        %parallel_loop3A_775 = arith.addi %parallel_loop3A_76, %parallel_loop3A_774 : vector<16xi32>
        %parallel_loop3A_776 = tpu.vector_load_idx %arg5[%parallel_loop3A_775] : memref<8385xf32, #tpu.memory_space<vmem>>[vector<16xi32>], vector<16xf32>,
        %parallel_loop3A_777 = arith.constant 55 : i32
        %parallel_loop3A_778 = vector.broadcast %parallel_loop3A_777 : i32 to vector<16xi32>
        %parallel_loop3A_779 = arith.addi %parallel_loop3A_76, %parallel_loop3A_778 : vector<16xi32>
        %parallel_loop3A_780 = tpu.vector_load_idx %arg5[%parallel_loop3A_779] : memref<8385xf32, #tpu.memory_space<vmem>>[vector<16xi32>], vector<16xf32>,
        %parallel_loop3A_781 = arith.constant 0 : i32
        %parallel_loop3A_782 = arith.addi %parallel_loop3A_66, %parallel_loop3A_781 : i32
        %parallel_loop3A_783 = arith.constant 16 : i32
        %parallel_loop3A_784 = arith.muli %parallel_loop3A_782, %parallel_loop3A_783 : i32
        %parallel_loop3A_785 = arith.constant 6 : i32
        %parallel_loop3A_786 = arith.constant 0 : i32
        %parallel_loop3A_787 = arith.index_cast %parallel_loop3A_785 : i32 to index
        %parallel_loop3A_788 = arith.index_cast %parallel_loop3A_786 : i32 to index
        %parallel_loop3A_789 = arith.index_cast %parallel_loop3A_784 : i32 to index
        %parallel_loop3A_790 = tpu.vector_load %arg8[%parallel_loop3A_787, %parallel_loop3A_788, %parallel_loop3A_789] {strides = array<i32>} : memref<8x8x128xf32, #tpu.memory_space<vmem>>, vector<16xf32>,
        tpu.vector_store %arg8[%parallel_loop3A_787, %parallel_loop3A_788, %parallel_loop3A_789], %parallel_loop3A_752 {strides = array<i32>} : memref<8x8x128xf32, #tpu.memory_space<vmem>>, vector<16xf32>,
        %parallel_loop3A_791 = arith.constant 0 : i32
        %parallel_loop3A_792 = arith.addi %parallel_loop3A_66, %parallel_loop3A_791 : i32
        %parallel_loop3A_793 = arith.constant 16 : i32
        %parallel_loop3A_794 = arith.muli %parallel_loop3A_792, %parallel_loop3A_793 : i32
        %parallel_loop3A_795 = arith.constant 6 : i32
        %parallel_loop3A_796 = arith.constant 1 : i32
        %parallel_loop3A_797 = arith.index_cast %parallel_loop3A_795 : i32 to index
        %parallel_loop3A_798 = arith.index_cast %parallel_loop3A_796 : i32 to index
        %parallel_loop3A_799 = arith.index_cast %parallel_loop3A_794 : i32 to index
        %parallel_loop3A_800 = tpu.vector_load %arg8[%parallel_loop3A_797, %parallel_loop3A_798, %parallel_loop3A_799] {strides = array<i32>} : memref<8x8x128xf32, #tpu.memory_space<vmem>>, vector<16xf32>,
        tpu.vector_store %arg8[%parallel_loop3A_797, %parallel_loop3A_798, %parallel_loop3A_799], %parallel_loop3A_756 {strides = array<i32>} : memref<8x8x128xf32, #tpu.memory_space<vmem>>, vector<16xf32>,
        %parallel_loop3A_801 = arith.constant 0 : i32
        %parallel_loop3A_802 = arith.addi %parallel_loop3A_66, %parallel_loop3A_801 : i32
        %parallel_loop3A_803 = arith.constant 16 : i32
        %parallel_loop3A_804 = arith.muli %parallel_loop3A_802, %parallel_loop3A_803 : i32
        %parallel_loop3A_805 = arith.constant 6 : i32
        %parallel_loop3A_806 = arith.constant 2 : i32
        %parallel_loop3A_807 = arith.index_cast %parallel_loop3A_805 : i32 to index
        %parallel_loop3A_808 = arith.index_cast %parallel_loop3A_806 : i32 to index
        %parallel_loop3A_809 = arith.index_cast %parallel_loop3A_804 : i32 to index
        %parallel_loop3A_810 = tpu.vector_load %arg8[%parallel_loop3A_807, %parallel_loop3A_808, %parallel_loop3A_809] {strides = array<i32>} : memref<8x8x128xf32, #tpu.memory_space<vmem>>, vector<16xf32>,
        tpu.vector_store %arg8[%parallel_loop3A_807, %parallel_loop3A_808, %parallel_loop3A_809], %parallel_loop3A_760 {strides = array<i32>} : memref<8x8x128xf32, #tpu.memory_space<vmem>>, vector<16xf32>,
        %parallel_loop3A_811 = arith.constant 0 : i32
        %parallel_loop3A_812 = arith.addi %parallel_loop3A_66, %parallel_loop3A_811 : i32
        %parallel_loop3A_813 = arith.constant 16 : i32
        %parallel_loop3A_814 = arith.muli %parallel_loop3A_812, %parallel_loop3A_813 : i32
        %parallel_loop3A_815 = arith.constant 6 : i32
        %parallel_loop3A_816 = arith.constant 3 : i32
        %parallel_loop3A_817 = arith.index_cast %parallel_loop3A_815 : i32 to index
        %parallel_loop3A_818 = arith.index_cast %parallel_loop3A_816 : i32 to index
        %parallel_loop3A_819 = arith.index_cast %parallel_loop3A_814 : i32 to index
        %parallel_loop3A_820 = tpu.vector_load %arg8[%parallel_loop3A_817, %parallel_loop3A_818, %parallel_loop3A_819] {strides = array<i32>} : memref<8x8x128xf32, #tpu.memory_space<vmem>>, vector<16xf32>,
        tpu.vector_store %arg8[%parallel_loop3A_817, %parallel_loop3A_818, %parallel_loop3A_819], %parallel_loop3A_764 {strides = array<i32>} : memref<8x8x128xf32, #tpu.memory_space<vmem>>, vector<16xf32>,
        %parallel_loop3A_821 = arith.constant 0 : i32
        %parallel_loop3A_822 = arith.addi %parallel_loop3A_66, %parallel_loop3A_821 : i32
        %parallel_loop3A_823 = arith.constant 16 : i32
        %parallel_loop3A_824 = arith.muli %parallel_loop3A_822, %parallel_loop3A_823 : i32
        %parallel_loop3A_825 = arith.constant 6 : i32
        %parallel_loop3A_826 = arith.constant 4 : i32
        %parallel_loop3A_827 = arith.index_cast %parallel_loop3A_825 : i32 to index
        %parallel_loop3A_828 = arith.index_cast %parallel_loop3A_826 : i32 to index
        %parallel_loop3A_829 = arith.index_cast %parallel_loop3A_824 : i32 to index
        %parallel_loop3A_830 = tpu.vector_load %arg8[%parallel_loop3A_827, %parallel_loop3A_828, %parallel_loop3A_829] {strides = array<i32>} : memref<8x8x128xf32, #tpu.memory_space<vmem>>, vector<16xf32>,
        tpu.vector_store %arg8[%parallel_loop3A_827, %parallel_loop3A_828, %parallel_loop3A_829], %parallel_loop3A_768 {strides = array<i32>} : memref<8x8x128xf32, #tpu.memory_space<vmem>>, vector<16xf32>,
        %parallel_loop3A_831 = arith.constant 0 : i32
        %parallel_loop3A_832 = arith.addi %parallel_loop3A_66, %parallel_loop3A_831 : i32
        %parallel_loop3A_833 = arith.constant 16 : i32
        %parallel_loop3A_834 = arith.muli %parallel_loop3A_832, %parallel_loop3A_833 : i32
        %parallel_loop3A_835 = arith.constant 6 : i32
        %parallel_loop3A_836 = arith.constant 5 : i32
        %parallel_loop3A_837 = arith.index_cast %parallel_loop3A_835 : i32 to index
        %parallel_loop3A_838 = arith.index_cast %parallel_loop3A_836 : i32 to index
        %parallel_loop3A_839 = arith.index_cast %parallel_loop3A_834 : i32 to index
        %parallel_loop3A_840 = tpu.vector_load %arg8[%parallel_loop3A_837, %parallel_loop3A_838, %parallel_loop3A_839] {strides = array<i32>} : memref<8x8x128xf32, #tpu.memory_space<vmem>>, vector<16xf32>,
        tpu.vector_store %arg8[%parallel_loop3A_837, %parallel_loop3A_838, %parallel_loop3A_839], %parallel_loop3A_772 {strides = array<i32>} : memref<8x8x128xf32, #tpu.memory_space<vmem>>, vector<16xf32>,
        %parallel_loop3A_841 = arith.constant 0 : i32
        %parallel_loop3A_842 = arith.addi %parallel_loop3A_66, %parallel_loop3A_841 : i32
        %parallel_loop3A_843 = arith.constant 16 : i32
        %parallel_loop3A_844 = arith.muli %parallel_loop3A_842, %parallel_loop3A_843 : i32
        %parallel_loop3A_845 = arith.constant 6 : i32
        %parallel_loop3A_846 = arith.constant 6 : i32
        %parallel_loop3A_847 = arith.index_cast %parallel_loop3A_845 : i32 to index
        %parallel_loop3A_848 = arith.index_cast %parallel_loop3A_846 : i32 to index
        %parallel_loop3A_849 = arith.index_cast %parallel_loop3A_844 : i32 to index
        %parallel_loop3A_850 = tpu.vector_load %arg8[%parallel_loop3A_847, %parallel_loop3A_848, %parallel_loop3A_849] {strides = array<i32>} : memref<8x8x128xf32, #tpu.memory_space<vmem>>, vector<16xf32>,
        tpu.vector_store %arg8[%parallel_loop3A_847, %parallel_loop3A_848, %parallel_loop3A_849], %parallel_loop3A_776 {strides = array<i32>} : memref<8x8x128xf32, #tpu.memory_space<vmem>>, vector<16xf32>,
        %parallel_loop3A_851 = arith.constant 0 : i32
        %parallel_loop3A_852 = arith.addi %parallel_loop3A_66, %parallel_loop3A_851 : i32
        %parallel_loop3A_853 = arith.constant 16 : i32
        %parallel_loop3A_854 = arith.muli %parallel_loop3A_852, %parallel_loop3A_853 : i32
        %parallel_loop3A_855 = arith.constant 6 : i32
        %parallel_loop3A_856 = arith.constant 7 : i32
        %parallel_loop3A_857 = arith.index_cast %parallel_loop3A_855 : i32 to index
        %parallel_loop3A_858 = arith.index_cast %parallel_loop3A_856 : i32 to index
        %parallel_loop3A_859 = arith.index_cast %parallel_loop3A_854 : i32 to index
        %parallel_loop3A_860 = tpu.vector_load %arg8[%parallel_loop3A_857, %parallel_loop3A_858, %parallel_loop3A_859] {strides = array<i32>} : memref<8x8x128xf32, #tpu.memory_space<vmem>>, vector<16xf32>,
        tpu.vector_store %arg8[%parallel_loop3A_857, %parallel_loop3A_858, %parallel_loop3A_859], %parallel_loop3A_780 {strides = array<i32>} : memref<8x8x128xf32, #tpu.memory_space<vmem>>, vector<16xf32>,
        %parallel_loop3A_861 = arith.constant 56 : i32
        %parallel_loop3A_862 = vector.broadcast %parallel_loop3A_861 : i32 to vector<16xi32>
        %parallel_loop3A_863 = arith.addi %parallel_loop3A_76, %parallel_loop3A_862 : vector<16xi32>
        %parallel_loop3A_864 = tpu.vector_load_idx %arg5[%parallel_loop3A_863] : memref<8385xf32, #tpu.memory_space<vmem>>[vector<16xi32>], vector<16xf32>,
        %parallel_loop3A_865 = arith.constant 57 : i32
        %parallel_loop3A_866 = vector.broadcast %parallel_loop3A_865 : i32 to vector<16xi32>
        %parallel_loop3A_867 = arith.addi %parallel_loop3A_76, %parallel_loop3A_866 : vector<16xi32>
        %parallel_loop3A_868 = tpu.vector_load_idx %arg5[%parallel_loop3A_867] : memref<8385xf32, #tpu.memory_space<vmem>>[vector<16xi32>], vector<16xf32>,
        %parallel_loop3A_869 = arith.constant 58 : i32
        %parallel_loop3A_870 = vector.broadcast %parallel_loop3A_869 : i32 to vector<16xi32>
        %parallel_loop3A_871 = arith.addi %parallel_loop3A_76, %parallel_loop3A_870 : vector<16xi32>
        %parallel_loop3A_872 = tpu.vector_load_idx %arg5[%parallel_loop3A_871] : memref<8385xf32, #tpu.memory_space<vmem>>[vector<16xi32>], vector<16xf32>,
        %parallel_loop3A_873 = arith.constant 59 : i32
        %parallel_loop3A_874 = vector.broadcast %parallel_loop3A_873 : i32 to vector<16xi32>
        %parallel_loop3A_875 = arith.addi %parallel_loop3A_76, %parallel_loop3A_874 : vector<16xi32>
        %parallel_loop3A_876 = tpu.vector_load_idx %arg5[%parallel_loop3A_875] : memref<8385xf32, #tpu.memory_space<vmem>>[vector<16xi32>], vector<16xf32>,
        %parallel_loop3A_877 = arith.constant 60 : i32
        %parallel_loop3A_878 = vector.broadcast %parallel_loop3A_877 : i32 to vector<16xi32>
        %parallel_loop3A_879 = arith.addi %parallel_loop3A_76, %parallel_loop3A_878 : vector<16xi32>
        %parallel_loop3A_880 = tpu.vector_load_idx %arg5[%parallel_loop3A_879] : memref<8385xf32, #tpu.memory_space<vmem>>[vector<16xi32>], vector<16xf32>,
        %parallel_loop3A_881 = arith.constant 61 : i32
        %parallel_loop3A_882 = vector.broadcast %parallel_loop3A_881 : i32 to vector<16xi32>
        %parallel_loop3A_883 = arith.addi %parallel_loop3A_76, %parallel_loop3A_882 : vector<16xi32>
        %parallel_loop3A_884 = tpu.vector_load_idx %arg5[%parallel_loop3A_883] : memref<8385xf32, #tpu.memory_space<vmem>>[vector<16xi32>], vector<16xf32>,
        %parallel_loop3A_885 = arith.constant 62 : i32
        %parallel_loop3A_886 = vector.broadcast %parallel_loop3A_885 : i32 to vector<16xi32>
        %parallel_loop3A_887 = arith.addi %parallel_loop3A_76, %parallel_loop3A_886 : vector<16xi32>
        %parallel_loop3A_888 = tpu.vector_load_idx %arg5[%parallel_loop3A_887] : memref<8385xf32, #tpu.memory_space<vmem>>[vector<16xi32>], vector<16xf32>,
        %parallel_loop3A_889 = arith.constant 63 : i32
        %parallel_loop3A_890 = vector.broadcast %parallel_loop3A_889 : i32 to vector<16xi32>
        %parallel_loop3A_891 = arith.addi %parallel_loop3A_76, %parallel_loop3A_890 : vector<16xi32>
        %parallel_loop3A_892 = tpu.vector_load_idx %arg5[%parallel_loop3A_891] : memref<8385xf32, #tpu.memory_space<vmem>>[vector<16xi32>], vector<16xf32>,
        %parallel_loop3A_893 = arith.constant 0 : i32
        %parallel_loop3A_894 = arith.addi %parallel_loop3A_66, %parallel_loop3A_893 : i32
        %parallel_loop3A_895 = arith.constant 16 : i32
        %parallel_loop3A_896 = arith.muli %parallel_loop3A_894, %parallel_loop3A_895 : i32
        %parallel_loop3A_897 = arith.constant 7 : i32
        %parallel_loop3A_898 = arith.constant 0 : i32
        %parallel_loop3A_899 = arith.index_cast %parallel_loop3A_897 : i32 to index
        %parallel_loop3A_900 = arith.index_cast %parallel_loop3A_898 : i32 to index
        %parallel_loop3A_901 = arith.index_cast %parallel_loop3A_896 : i32 to index
        %parallel_loop3A_902 = tpu.vector_load %arg8[%parallel_loop3A_899, %parallel_loop3A_900, %parallel_loop3A_901] {strides = array<i32>} : memref<8x8x128xf32, #tpu.memory_space<vmem>>, vector<16xf32>,
        tpu.vector_store %arg8[%parallel_loop3A_899, %parallel_loop3A_900, %parallel_loop3A_901], %parallel_loop3A_864 {strides = array<i32>} : memref<8x8x128xf32, #tpu.memory_space<vmem>>, vector<16xf32>,
        %parallel_loop3A_903 = arith.constant 0 : i32
        %parallel_loop3A_904 = arith.addi %parallel_loop3A_66, %parallel_loop3A_903 : i32
        %parallel_loop3A_905 = arith.constant 16 : i32
        %parallel_loop3A_906 = arith.muli %parallel_loop3A_904, %parallel_loop3A_905 : i32
        %parallel_loop3A_907 = arith.constant 7 : i32
        %parallel_loop3A_908 = arith.constant 1 : i32
        %parallel_loop3A_909 = arith.index_cast %parallel_loop3A_907 : i32 to index
        %parallel_loop3A_910 = arith.index_cast %parallel_loop3A_908 : i32 to index
        %parallel_loop3A_911 = arith.index_cast %parallel_loop3A_906 : i32 to index
        %parallel_loop3A_912 = tpu.vector_load %arg8[%parallel_loop3A_909, %parallel_loop3A_910, %parallel_loop3A_911] {strides = array<i32>} : memref<8x8x128xf32, #tpu.memory_space<vmem>>, vector<16xf32>,
        tpu.vector_store %arg8[%parallel_loop3A_909, %parallel_loop3A_910, %parallel_loop3A_911], %parallel_loop3A_868 {strides = array<i32>} : memref<8x8x128xf32, #tpu.memory_space<vmem>>, vector<16xf32>,
        %parallel_loop3A_913 = arith.constant 0 : i32
        %parallel_loop3A_914 = arith.addi %parallel_loop3A_66, %parallel_loop3A_913 : i32
        %parallel_loop3A_915 = arith.constant 16 : i32
        %parallel_loop3A_916 = arith.muli %parallel_loop3A_914, %parallel_loop3A_915 : i32
        %parallel_loop3A_917 = arith.constant 7 : i32
        %parallel_loop3A_918 = arith.constant 2 : i32
        %parallel_loop3A_919 = arith.index_cast %parallel_loop3A_917 : i32 to index
        %parallel_loop3A_920 = arith.index_cast %parallel_loop3A_918 : i32 to index
        %parallel_loop3A_921 = arith.index_cast %parallel_loop3A_916 : i32 to index
        %parallel_loop3A_922 = tpu.vector_load %arg8[%parallel_loop3A_919, %parallel_loop3A_920, %parallel_loop3A_921] {strides = array<i32>} : memref<8x8x128xf32, #tpu.memory_space<vmem>>, vector<16xf32>,
        tpu.vector_store %arg8[%parallel_loop3A_919, %parallel_loop3A_920, %parallel_loop3A_921], %parallel_loop3A_872 {strides = array<i32>} : memref<8x8x128xf32, #tpu.memory_space<vmem>>, vector<16xf32>,
        %parallel_loop3A_923 = arith.constant 0 : i32
        %parallel_loop3A_924 = arith.addi %parallel_loop3A_66, %parallel_loop3A_923 : i32
        %parallel_loop3A_925 = arith.constant 16 : i32
        %parallel_loop3A_926 = arith.muli %parallel_loop3A_924, %parallel_loop3A_925 : i32
        %parallel_loop3A_927 = arith.constant 7 : i32
        %parallel_loop3A_928 = arith.constant 3 : i32
        %parallel_loop3A_929 = arith.index_cast %parallel_loop3A_927 : i32 to index
        %parallel_loop3A_930 = arith.index_cast %parallel_loop3A_928 : i32 to index
        %parallel_loop3A_931 = arith.index_cast %parallel_loop3A_926 : i32 to index
        %parallel_loop3A_932 = tpu.vector_load %arg8[%parallel_loop3A_929, %parallel_loop3A_930, %parallel_loop3A_931] {strides = array<i32>} : memref<8x8x128xf32, #tpu.memory_space<vmem>>, vector<16xf32>,
        tpu.vector_store %arg8[%parallel_loop3A_929, %parallel_loop3A_930, %parallel_loop3A_931], %parallel_loop3A_876 {strides = array<i32>} : memref<8x8x128xf32, #tpu.memory_space<vmem>>, vector<16xf32>,
        %parallel_loop3A_933 = arith.constant 0 : i32
        %parallel_loop3A_934 = arith.addi %parallel_loop3A_66, %parallel_loop3A_933 : i32
        %parallel_loop3A_935 = arith.constant 16 : i32
        %parallel_loop3A_936 = arith.muli %parallel_loop3A_934, %parallel_loop3A_935 : i32
        %parallel_loop3A_937 = arith.constant 7 : i32
        %parallel_loop3A_938 = arith.constant 4 : i32
        %parallel_loop3A_939 = arith.index_cast %parallel_loop3A_937 : i32 to index
        %parallel_loop3A_940 = arith.index_cast %parallel_loop3A_938 : i32 to index
        %parallel_loop3A_941 = arith.index_cast %parallel_loop3A_936 : i32 to index
        %parallel_loop3A_942 = tpu.vector_load %arg8[%parallel_loop3A_939, %parallel_loop3A_940, %parallel_loop3A_941] {strides = array<i32>} : memref<8x8x128xf32, #tpu.memory_space<vmem>>, vector<16xf32>,
        tpu.vector_store %arg8[%parallel_loop3A_939, %parallel_loop3A_940, %parallel_loop3A_941], %parallel_loop3A_880 {strides = array<i32>} : memref<8x8x128xf32, #tpu.memory_space<vmem>>, vector<16xf32>,
        %parallel_loop3A_943 = arith.constant 0 : i32
        %parallel_loop3A_944 = arith.addi %parallel_loop3A_66, %parallel_loop3A_943 : i32
        %parallel_loop3A_945 = arith.constant 16 : i32
        %parallel_loop3A_946 = arith.muli %parallel_loop3A_944, %parallel_loop3A_945 : i32
        %parallel_loop3A_947 = arith.constant 7 : i32
        %parallel_loop3A_948 = arith.constant 5 : i32
        %parallel_loop3A_949 = arith.index_cast %parallel_loop3A_947 : i32 to index
        %parallel_loop3A_950 = arith.index_cast %parallel_loop3A_948 : i32 to index
        %parallel_loop3A_951 = arith.index_cast %parallel_loop3A_946 : i32 to index
        %parallel_loop3A_952 = tpu.vector_load %arg8[%parallel_loop3A_949, %parallel_loop3A_950, %parallel_loop3A_951] {strides = array<i32>} : memref<8x8x128xf32, #tpu.memory_space<vmem>>, vector<16xf32>,
        tpu.vector_store %arg8[%parallel_loop3A_949, %parallel_loop3A_950, %parallel_loop3A_951], %parallel_loop3A_884 {strides = array<i32>} : memref<8x8x128xf32, #tpu.memory_space<vmem>>, vector<16xf32>,
        %parallel_loop3A_953 = arith.constant 0 : i32
        %parallel_loop3A_954 = arith.addi %parallel_loop3A_66, %parallel_loop3A_953 : i32
        %parallel_loop3A_955 = arith.constant 16 : i32
        %parallel_loop3A_956 = arith.muli %parallel_loop3A_954, %parallel_loop3A_955 : i32
        %parallel_loop3A_957 = arith.constant 7 : i32
        %parallel_loop3A_958 = arith.constant 6 : i32
        %parallel_loop3A_959 = arith.index_cast %parallel_loop3A_957 : i32 to index
        %parallel_loop3A_960 = arith.index_cast %parallel_loop3A_958 : i32 to index
        %parallel_loop3A_961 = arith.index_cast %parallel_loop3A_956 : i32 to index
        %parallel_loop3A_962 = tpu.vector_load %arg8[%parallel_loop3A_959, %parallel_loop3A_960, %parallel_loop3A_961] {strides = array<i32>} : memref<8x8x128xf32, #tpu.memory_space<vmem>>, vector<16xf32>,
        tpu.vector_store %arg8[%parallel_loop3A_959, %parallel_loop3A_960, %parallel_loop3A_961], %parallel_loop3A_888 {strides = array<i32>} : memref<8x8x128xf32, #tpu.memory_space<vmem>>, vector<16xf32>,
        %parallel_loop3A_963 = arith.constant 0 : i32
        %parallel_loop3A_964 = arith.addi %parallel_loop3A_66, %parallel_loop3A_963 : i32
        %parallel_loop3A_965 = arith.constant 16 : i32
        %parallel_loop3A_966 = arith.muli %parallel_loop3A_964, %parallel_loop3A_965 : i32
        %parallel_loop3A_967 = arith.constant 7 : i32
        %parallel_loop3A_968 = arith.constant 7 : i32
        %parallel_loop3A_969 = arith.index_cast %parallel_loop3A_967 : i32 to index
        %parallel_loop3A_970 = arith.index_cast %parallel_loop3A_968 : i32 to index
        %parallel_loop3A_971 = arith.index_cast %parallel_loop3A_966 : i32 to index
        %parallel_loop3A_972 = tpu.vector_load %arg8[%parallel_loop3A_969, %parallel_loop3A_970, %parallel_loop3A_971] {strides = array<i32>} : memref<8x8x128xf32, #tpu.memory_space<vmem>>, vector<16xf32>,
        tpu.vector_store %arg8[%parallel_loop3A_969, %parallel_loop3A_970, %parallel_loop3A_971], %parallel_loop3A_892 {strides = array<i32>} : memref<8x8x128xf32, #tpu.memory_space<vmem>>, vector<16xf32>,
      } {sc.loop_unroll_factor = 1 : i64, sc.parallel_access}
      %mul3A_52 = arith.constant 2 : i32
      %mul3A_53 = arith.muli %mul3A_52, %scan3A_27 : i32
      %add3A_54 = arith.constant 1 : i32
      %add3A_55 = arith.addi %mul3A_53, %add3A_54 : i32
      %mul3A_56 = arith.constant 8 : i32
      %mul3A_57 = arith.muli %add3A_55, %mul3A_56 : i32
      %dma_start3A_58 = arith.constant 0 : i32
      %dma_start3A_59 = arith.constant 0 : i32
      %dma_start3A_60 = tpu.memref_slice %arg4[%mul3A_57, %add3A, %dma_start3A_58, %dma_start3A_59] : memref<1600x32x8x128xf32, #tpu.memory_space<hbm>> -> memref<8x1x8x128xf32, #tpu.memory_space<hbm>>
      %dma_start3A_61 = tpu.memref_squeeze %dma_start3A_60 : memref<8x1x8x128xf32, #tpu.memory_space<hbm>> -> memref<8x8x128xf32, #tpu.memory_space<hbm>>
      %dma_start3A_62 = arith.constant 0 : i32
      %dma_start3A_63 = arith.constant 0 : i32
      %dma_start3A_64 = tpu.memref_slice %arg4[%mul3A_57, %add3A, %dma_start3A_62, %dma_start3A_63] : memref<1600x32x8x128xf32, #tpu.memory_space<hbm>> -> memref<8x1x8x128xf32, #tpu.memory_space<hbm>>
      %dma_start3A_65 = tpu.memref_squeeze %dma_start3A_64 : memref<8x1x8x128xf32, #tpu.memory_space<hbm>> -> memref<8x8x128xf32, #tpu.memory_space<hbm>>
      tpu.enqueue_dma source(%arg8 : memref<8x8x128xf32, #tpu.memory_space<vmem>>) target(%dma_start3A_65 : memref<8x8x128xf32, #tpu.memory_space<hbm>>) target_semaphore(%arg10 : memref<!tpu.dma_semaphore, #tpu.memory_space<semaphore_mem>>)
    }
    %scan3A_5 = arith.constant 100 : i32
    %dma_wait3A = arith.constant 0 : i32
    %dma_wait3A_6 = arith.constant 0 : i32
    %dma_wait3A_7 = arith.constant 0 : i32
    %dma_wait3A_8 = arith.constant 0 : i32
    %dma_wait3A_9 = tpu.memref_slice %arg4[%dma_wait3A_6, %dma_wait3A, %dma_wait3A_7, %dma_wait3A_8] : memref<1600x32x8x128xf32, #tpu.memory_space<hbm>> -> memref<8x1x8x128xf32, #tpu.memory_space<hbm>>
    %dma_wait3A_10 = tpu.memref_squeeze %dma_wait3A_9 : memref<8x1x8x128xf32, #tpu.memory_space<hbm>> -> memref<8x8x128xf32, #tpu.memory_space<hbm>>
    %dma_wait3A_11 = arith.constant 0 : i32
    %dma_wait3A_12 = arith.constant 0 : i32
    %dma_wait3A_13 = arith.constant 0 : i32
    %dma_wait3A_14 = tpu.memref_slice %arg4[%dma_wait3A_11, %dma_wait3A, %dma_wait3A_12, %dma_wait3A_13] : memref<1600x32x8x128xf32, #tpu.memory_space<hbm>> -> memref<8x1x8x128xf32, #tpu.memory_space<hbm>>
    %dma_wait3A_15 = tpu.memref_squeeze %dma_wait3A_14 : memref<8x1x8x128xf32, #tpu.memory_space<hbm>> -> memref<8x8x128xf32, #tpu.memory_space<hbm>>
    tpu.wait_dma2 semaphore(%arg9 : memref<!tpu.dma_semaphore, #tpu.memory_space<semaphore_mem>>) src(%arg7 : memref<8x8x128xf32, #tpu.memory_space<vmem>>) dst(%dma_wait3A_15 : memref<8x8x128xf32, #tpu.memory_space<hbm>>)
    %dma_wait3A_16 = arith.constant 0 : i32
    %dma_wait3A_17 = arith.constant 0 : i32
    %dma_wait3A_18 = arith.constant 0 : i32
    %dma_wait3A_19 = arith.constant 0 : i32
    %dma_wait3A_20 = tpu.memref_slice %arg4[%dma_wait3A_17, %dma_wait3A_16, %dma_wait3A_18, %dma_wait3A_19] : memref<1600x32x8x128xf32, #tpu.memory_space<hbm>> -> memref<8x1x8x128xf32, #tpu.memory_space<hbm>>
    %dma_wait3A_21 = tpu.memref_squeeze %dma_wait3A_20 : memref<8x1x8x128xf32, #tpu.memory_space<hbm>> -> memref<8x8x128xf32, #tpu.memory_space<hbm>>
    %dma_wait3A_22 = arith.constant 0 : i32
    %dma_wait3A_23 = arith.constant 0 : i32
    %dma_wait3A_24 = arith.constant 0 : i32
    %dma_wait3A_25 = tpu.memref_slice %arg4[%dma_wait3A_22, %dma_wait3A_16, %dma_wait3A_23, %dma_wait3A_24] : memref<1600x32x8x128xf32, #tpu.memory_space<hbm>> -> memref<8x1x8x128xf32, #tpu.memory_space<hbm>>
    %dma_wait3A_26 = tpu.memref_squeeze %dma_wait3A_25 : memref<8x1x8x128xf32, #tpu.memory_space<hbm>> -> memref<8x8x128xf32, #tpu.memory_space<hbm>>
    tpu.wait_dma2 semaphore(%arg10 : memref<!tpu.dma_semaphore, #tpu.memory_space<semaphore_mem>>) src(%arg8 : memref<8x8x128xf32, #tpu.memory_space<vmem>>) dst(%dma_wait3A_26 : memref<8x8x128xf32, #tpu.memory_space<hbm>>)
    return
  }
}

</mosaic_0001>

<sc_bundles>
// kernel: kernel.3.cloned.1.call-start
scs
__scs_entry_jumppad:
0x0: {  	(pc) =	sbr.rel $0x88, $3  }
0x1: {  	(tag) =	ssettag $0x0;
	lr =	simm.s32 $0x1  }
0x2: {  	[smem:$0x3F9F] =	sst lr;
	_ =	strace $0xD0000000  }
0x3: {  	_ = 	snop  }
0x4: {  	_ = 	snop  }
0x5: {  	_ = 	snop  }
0x6: {  	_ = 	snop  }
0x7: {  	_ = 	snop  }
__scs_overlays_trampoline_lowered:
0x8: {  	[smem:$0x3FAE] =	sst s0  }
0x9: {  	[smem:$0x3FAF] =	sst s1  }
0xa: {  	[smem:$0x3FB0] =	sst s2  }
0xb: {  	[smem:$0x3FB1] =	sst s3  }
0xc: {  	[smem:$0x3FB2] =	sst s4  }
0xd: {  	[smem:$0x3FB3] =	sst s5  }
0xe: {  	[smem:$0x3FB4] =	sst s6  }
0xf: {  	[smem:$0x3FB5] =	sst s7  }
0x10: {  	[smem:$0x3FB6] =	sst s8  }
0x11: {  	[smem:$0x3FB7] =	sst s9;
	s0 =	simm.s32 @!p0 $0x0  }
0x12: {  	s1 =	sld [smem:$0x3F9D];
	s0 =	simm.s32 @p0 $0x1  }
0x13: {  	[smem:$0x3FB8] =	sst s0;
	s0 =	simm.s32 @!p1 $0x0  }
0x14: {  	s2 =	sld [smem:$0x3F9C];
	s0 =	simm.s32 @p1 $0x1  }
0x15: {  	[smem:$0x3FB9] =	sst s0;
	s0 =	simm.s32 @!p2 $0x0  }
0x16: {  	s3 =	sld [smem:$0x3FDB];
	s0 =	simm.s32 @p2 $0x1  }
0x17: {  	s4 =	simm.s32 $0x1BF5;
	[smem:$0x3FBB] =	sst s0  }
0x18: {  	s0 =	sld [smem:$0x3F9E];
	_ =	swait.ge [sflag:s4], $0x0  }
0x19: {  	s7 =	sld [smem:$0x3F9F]  }
0x1a: {  	s8 =	sadd.s32 $0xFFFFE003, lr  }
0x1b: {  	s9 =	sadd.s32 $0xFFFFFEF7, lr;
	s5 =	simm.s32 $0xFFFFFFFF;
	p2 =	slt.u32 s8, $0xFFFFF086  }
0x1c: {  	p1 =	slt.u32 s9, $0xF7A;
	s5 =	simm.s32 @!p2 $0x0  }
0x1d: {  	s5 =	simm.s32 @p1 $0x1;
	p0 =	seq.s32 s7, s2  }
0x1e: {  	s7 =	smul.u32 @!p0 $0xF7A, s2;
	p2 =	seq.s32 @!p0 s5, $0x0  }
0x1f: {  	s9 =	smul.u32 $0xF7A, s1;
	s8 =	simm.s32 @!p0 $0x1BF5;
	p2 =	por !p2, p0  }
0x20: {  	[sflag:s8] =	ssyncset.s32 @!p0 $0xFFFFF086;
	s6 =	sadd.s32 @!p0 s3, s7;
	s7 =	simm.s32 @!p0 $0x108  }
0x21: {  	s3 =	sadd.s32 s3, s9;
	s6 =	sadd.s32 @!p0 $0x88, s6;
	s7 =	simm.s32 @p2 $0x1082  }
0x22: {  	[simem:s7], [sflag:s8] =	dma.local @!p0 [hbm:s6], $0xF7A  }
0x23: {  	s9 =	sor.u32 $0xD0000000, s2;
	s6 =	simm.s32 $0x108;
	_ =	swait.ge @!p0 [sflag:s8], $0x0  }
0x24: {  	s3 =	sadd.s32 $0x88, s3;
	s6 =	simm.s32 @!p1 $0x1082;
	[sflag:s4] =	ssyncset.s32 $0xFFFFF086  }
0x25: {  	[simem:s6], [sflag:s4] =	dma.local [hbm:s3], $0xF7A  }
0x26: {  	[smem:$0x3F9F] =	sst s1;
	(tag) =	ssettag s2;
	_ =	strace s9  }
0x27: {  	s1 =	sld [smem:$0x3FAF]  }
0x28: {  	s2 =	sld [smem:$0x3FB0]  }
0x29: {  	s4 =	sld [smem:$0x3FB2]  }
0x2a: {  	p0 =	seq.s32 s5, $0x0;
	s5 =	sld [smem:$0x3FB3]  }
0x2b: {  	s6 =	sld [smem:$0x3FB4]  }
0x2c: {  	s7 =	sld [smem:$0x3FB5]  }
0x2d: {  	s3 =	simm.s32 $0x108;
	s8 =	sld [smem:$0x3FB6]  }
0x2e: {  	s3 =	simm.s32 @!p0 $0x1082;
	s9 =	sld [smem:$0x3FB7]  }
0x2f: {  	lr =	sadd.s32 s0, s3;
	s0 =	sld [smem:$0x3FAE]  }
0x30: {  	s3 =	sld [smem:$0x3FB1]  }
0x31: {  	[smem:$0x3FBA] =	sst s10  }
0x32: {  	s10 =	sld [smem:$0x3FB8];
	_ =	sdelay $0x3  }
0x33: {  	p0 =	seq.s32 s10, $0x1;
	s10 =	sld [smem:$0x3FBA];
	_ =	sdelay $0x3  }
0x34: {  	[smem:$0x3FBA] =	sst s10  }
0x35: {  	s10 =	sld [smem:$0x3FB9];
	_ =	sdelay $0x3  }
0x36: {  	p1 =	seq.s32 s10, $0x1;
	s10 =	sld [smem:$0x3FBA];
	_ =	sdelay $0x3  }
0x37: {  	[smem:$0x3FBA] =	sst s10  }
0x38: {  	s10 =	sld [smem:$0x3FBB]  }
0x39: {  	_ = 	snop;
	(pc) =	sbr.ind lr, $3  }
0x3a: {  	_ = 	snop  }
0x3b: {  	_ = 	snop  }
0x3c: {  	p2 =	seq.s32 s10, $0x1;
	s10 =	sld [smem:$0x3FBA]  }
0x3d: {  	_ =	shalt  }
0x3e: {  	_ =	shalt  }
0x3f: {  	_ =	shalt  }
0x40: {  	_ =	shalt  }
0x41: {  	_ =	shalt  }
0x42: {  	_ =	shalt  }
0x43: {  	_ =	shalt  }
0x44: {  	_ =	shalt  }
0x45: {  	_ =	shalt  }
0x46: {  	_ =	shalt  }
0x47: {  	_ =	shalt  }
0x48: {  	_ =	shalt  }
0x49: {  	_ =	shalt  }
0x4a: {  	_ =	shalt  }
0x4b: {  	_ =	shalt  }
0x4c: {  	_ =	shalt  }
0x4d: {  	_ =	shalt  }
0x4e: {  	_ =	shalt  }
0x4f: {  	_ =	shalt  }
0x50: {  	_ =	shalt  }
0x51: {  	_ =	shalt  }
0x52: {  	_ =	shalt  }
0x53: {  	_ =	shalt  }
0x54: {  	_ =	shalt  }
0x55: {  	_ =	shalt  }
0x56: {  	_ =	shalt  }
0x57: {  	_ =	shalt  }
0x58: {  	_ =	shalt  }
0x59: {  	_ =	shalt  }
0x5a: {  	_ =	shalt  }
0x5b: {  	_ =	shalt  }
0x5c: {  	_ =	shalt  }
0x5d: {  	_ =	shalt  }
0x5e: {  	_ =	shalt  }
0x5f: {  	_ =	shalt  }
0x60: {  	_ =	shalt  }
0x61: {  	_ =	shalt  }
0x62: {  	_ =	shalt  }
0x63: {  	_ =	shalt  }
0x64: {  	_ =	shalt  }
0x65: {  	_ =	shalt  }
0x66: {  	_ =	shalt  }
0x67: {  	_ =	shalt  }
0x68: {  	_ =	shalt  }
0x69: {  	_ =	shalt  }
0x6a: {  	_ =	shalt  }
0x6b: {  	_ =	shalt  }
0x6c: {  	_ =	shalt  }
0x6d: {  	_ =	shalt  }
0x6e: {  	_ =	shalt  }
0x6f: {  	_ =	shalt  }
0x70: {  	_ =	shalt  }
0x71: {  	_ =	shalt  }
0x72: {  	_ =	shalt  }
0x73: {  	_ =	shalt  }
0x74: {  	_ =	shalt  }
0x75: {  	_ =	shalt  }
0x76: {  	_ =	shalt  }
0x77: {  	_ =	shalt  }
0x78: {  	_ =	shalt  }
0x79: {  	_ =	shalt  }
0x7a: {  	_ =	shalt  }
0x7b: {  	_ =	shalt  }
0x7c: {  	_ =	shalt  }
0x7d: {  	_ =	shalt  }
0x7e: {  	_ =	shalt  }
0x7f: {  	_ =	shalt  }
0x80: {  	_ =	shalt  }
0x81: {  	_ =	shalt  }
0x82: {  	_ =	shalt  }
0x83: {  	_ =	shalt  }
0x84: {  	_ =	shalt  }
0x85: {  	_ =	shalt  }
0x86: {  	_ =	shalt  }
0x87: {  	_ =	shalt  }
.Lfunc_end0:
.L_simem_size_0:
called_computation_lowered:
.L_overlay_start_0:
0x88: {  	s2 =	sld [smem:$0x3FD9]  }
0x89: {  	s3 =	sld [smem:$0x3FFE];
	_ =	sdelay $0x1  }
0x8a: {  	s1 =	srdreg.scid  }
0x8b: {  	s0 =	sand.u32 $0x1, s1  }
0x8c: {  	s17 =	sshll.u32 s0, $0xA;
	s2 =	sadd.s32 s3, s2  }
0x8d: {  	s2 =	sadd.s32 s2, s17  }
0x8e: {  	[smem:$0x3FC6] =	sst s2  }
0x8f: {  	_ = 	snop  }
0x90: {  	s2 =	sld [smem:$0x3FD0];
	(tm) =	ssettm $0x1  }
0x91: {  	s18 =	sld [smem:$0x3FFB];
	_ =	sdelay $0x3  }
0x92: {  	_ =	strace s18  }
0x93: {  	s3 =	sld [smem:$0x3FFC];
	_ =	sdelay $0x3  }
0x94: {  	_ =	strace s3  }
0x95: {  	s3 =	sld [smem:$0x3FFD];
	_ =	sdelay $0x3  }
0x96: {  	_ =	strace s3  }
0x97: {  	_ =	strace $0x8FFFFFFF  }
0x98: {  	s19 =	sld [smem:$0x3FDB];
	_ =	sdelay $0x1  }
0x99: {  	s4 =	simm.s32 $_scs_section_size  }
0x9a: {  	s5 =	simm.s32 $_size__tile_overlayer_lowered;
	s6 =	simm.s32 $_tile_overlayer_lowered  }
0x9b: {  	s22 =	simm.s32 $0x1BFF;
	s21 =	sshll.u32 s6, $0x1;
	s3 =	sadd.s32 s4, s19  }
0x9c: {  	s7 =	simm.s32 $0x0;
	s20 =	sshll.u32 s5, $0x1;
	s5 =	sadd.s32 s21, s3  }
0x9d: {  	[timem:s7], [sflag:s22] =	dma.local [hbm:s5], s20  }
0x9e: {  	_ =	swait.ge [sflag:s22], s20  }
0x9f: {  	s4 =	ssub.s32 $0x0, s20;
	[sflag:s22] =	ssyncset.done $0x0  }
0xa0: {  	[sflag:s22] =	ssyncadd.s32 s4;
	_ =	sdelay $0x1  }
0xa1: {  	s23 =	simm.s32 $0x1B8B  }
0xa2: {  	_ =	swait.ge [sflag:s23], $0x1  }
0xa3: {  	[sflag:s23] =	ssyncset.done $0x0  }
0xa4: {  	s25 =	simm.s32 $0x1B8E;
	s24 =	sld [smem:$0x3FFE];
	[sflag:s23] =	ssyncadd.s32 $0xFFFFFFFF  }
0xa5: {  	s26 =	simm.s32 $execute0_lowered;
	[smem:$0x3FD2] =	sst s25  }
0xa6: {  	s5 =	sshll.u32 s26, $0x1;
	_ =	strace $0x80000046;
	[dreg:$0x1] =	wrdreg $0xFFFFFFFF  }
0xa7: {  	s28 =	simm.s32 $_size_execute0_lowered;
	s3 =	sadd.s32 s3, s5;
	[dreg:$0x0] =	wrdreg $0x0  }
0xa8: {  	s5 =	sshll.u32 s28, $0x1;
	[dreg:$0x2] =	wrdreg s3  }
0xa9: {  	[dreg:$0x3] =	wrdreg s5  }
0xaa: {  	[dreg:$0x4] =	wrdreg $0xC0  }
0xab: {  	_ =	task [dreg:s7], $0x5FFFF  }
0xac: {  	[dreg:$0x1] =	wrdreg $0xFFFFFFFF  }
0xad: {  	[dreg:$0x0] =	wrdreg $0x60  }
0xae: {  	[dreg:$0x2] =	wrdreg s24  }
0xaf: {  	[dreg:$0x3] =	wrdreg s2  }
0xb0: {  	[dreg:$0x4] =	wrdreg $0x9  }
0xb1: {  	_ =	task.clear_ibuf [dreg:s7], $0x5FFFF;
	_ =	strace $0x90000046  }
0xb2: {  	s29 =	simm.s32 $0x9;
	_ =	strace $0x80000048  }
0xb3: {  	_ =	swait.ge [sflag:s29], $0x1  }
0xb4: {  	[sflag:s29] =	ssyncadd.s32 $0xFFFFFFFF  }
0xb5: {  	_ =	strace $0x90000048  }
0xb6: {  	_ =	sfence  }
0xb7: {  	s30 =	sld [smem:$0x0];
	_ =	sdelay $0x2  }
0xb8: {  	s31 =	sshll.u32 s1, $0xD;
	s1 =	sshrl.u32 s1, $0x2  }
0xb9: {  	s3 =	sand.u32 $0x4000, s31;
	s1 =	sadd.s32 s1, s30  }
0xba: {  	s0 =	sor.u32 s3, s0;
	s1 =	sshll.u32 s1, $0x11  }
0xbb: {  	s0 =	sor.u32 s1, s0  }
0xbc: {  	s0 =	sadd.s32 $0x8F2B, s0  }
0xbd: {  	[sflag:s0] =	ssyncadd.remote.s32 $0x1  }
0xbe: {  	_ =	sfence.sel $0xFFFF  }
0xbf: {  	[dreg:$0x0] =	wrdreg $0xFFFFFFFF;
	(pc) =	sbr.abs _section_cstart, $3  }
0xc0: {  	[dreg:$0x1] =	wrdreg $0xFFFFFFFF  }
0xc1: {  	_ =	task.clear_ibuf [dreg:s7], $0x2FFFF;
	_ =	strace $0x9FFFFFFF  }
0xc2: {  	(tm) =	ssettm $0x7FFFFFFF  }
0xc3: {  	_ =	shalt  }
tec
execute0_lowered:
.L_overlay_start_1:
0x0: {  	(tag) =	ssettag $0x1  }
0x1: {  	s5 =	rddreg [dreg:$0x0];
	s1 =	srdreg.scid  }
0x2: {  	s0 =	stileid.u32;
	s2 =	rddreg [dreg:$0x1]  }
0x3: {  	s3 =	simm.s32 $0x0;
	s9 =	simm.s32 $0x400;
	s10 =	simm.s32 $0x8000  }
0x4: {  	s11 =	simm.s32 $0x84C8;
	s12 =	simm.s32 $0xA4C8;
	s13 =	simm.s32 $0x1  }
0x5: {  	s14 =	simm.s32 $0x2;
	s4 =	sand.u32 $0x1, s1;
	s6 =	sshll.u32 s0, $0x1  }
0x6: {  	s15 =	simm.s32 $0x0;
	s1 =	rddreg [dreg:$0x2];
	s6 =	sor.u32 s4, s6  }
0x7: {  	[smem:$0x7FF] =	sst s3;
	s8 =	ssub.s32 $0x2, s4;
	s7 =	smul.u32 $0xC80, s6  }
0x8: {  	_ =	strace $0x80000047;
	s4 =	sadd.s32 $0x600, s5;
	s31 =	sshrl.u32 s8, $0x1  }
0x9: {  	s6 =	sshll.u32 s6, $0xA;
	s5 =	sadd.s32 s7, s5;
	s7 =	ssub.s32 s8, s31  }
0xa: {  	s8 =	simm.s32 $0x3;
	s5 =	sadd.s32 $0xC00, s5;
	s7 =	smax.u32 s7, $0x1  }
.LBB2_1:
0xb: {  	[tilespmem:s3], [sflag:$0x3] =	stream.linear.gather [hbm4b:s4+s3], $0x20C8, $0x38;
	[tilespmem:$0xC4C8] =	vst v63  }
0xc: {  	_ =	swait.ge [sflag:s8], $0x20C8  }
0xd: {  	[sflag:s8] =	ssyncset.done $0x0  }
0xe: {  	s16 =	simm.s32 $0x20C8;
	[sflag:s8] =	ssyncadd.s32 $0xFFFFDF38  }
0xf: {  	[tilespmem:s16], [sflag:$0x3] =	stream.linear.gather [hbm4b:s5+s3], $0x6400, $0x38;
	[tilespmem:$0xC4C8] =	vst v63  }
0x10: {  	_ =	swait.ge [sflag:s8], $0x6400  }
0x11: {  	[sflag:s8] =	ssyncset.done $0x0  }
0x12: {  	s17 =	simm.s32 $0x2148;
	s18 =	simm.s32 $0x0;
	[sflag:s8] =	ssyncadd.s32 $0xFFFF9C00  }
.LBB2_2:
0x13: {  	p0 =	seq.s32 s18, $0x0  }
0x14: {  	s19 =	simm.s32 @!p0 $0x1  }
0x15: {  	_ =	swait.ge @!p0 [sflag:s19], $0x2000  }
0x16: {  	v1 =	vmov s16;
	[sflag:s19] =	ssyncset.done @!p0 $0x0  }
0x17: {  	[sflag:s19] =	ssyncadd.s32 @!p0 $0xFFFFE000;
	s19 =	simm.s32 @!p0 $0x2  }
0x18: {  	_ =	swait.ge @!p0 [sflag:s19], $0x2000  }
0x19: {  	[sflag:s19] =	ssyncset.done @!p0 $0x0  }
0x1a: {  	[sflag:s19] =	ssyncadd.s32 @!p0 $0xFFFFE000;
	s19 =	simm.s32 $0x0  }
0x1b: {  	v0 =	vld.idx.msk [tilespmem:v1+s19+$0x0 ss:$0x1], $0xffff;
	_ =	sdelay $0x4  }
0x1c: {  	v0 =	vmul.u32 $0x41, v0;
	_ =	sdelay $0x1  }
0x1d: {  	v2 =	vadd.s32 $0x1, v0  }
0x1e: {  	v3 =	vadd.s32 $0x2, v0  }
0x1f: {  	v4 =	vadd.s32 $0x3, v0  }
0x20: {  	v5 =	vadd.s32 $0x4, v0  }
0x21: {  	v7 =	vadd.s32 $0x5, v0;
	v6 =	vld.idx.msk [tilespmem:v0+s3+$0x0], $0xffff  }
0x22: {  	v8 =	vadd.s32 $0x6, v0;
	v2 =	vld.idx.msk [tilespmem:v2+s3+$0x0], $0xffff  }
0x23: {  	v9 =	vadd.s32 $0x7, v0;
	v3 =	vld.idx.msk [tilespmem:v3+s3+$0x0], $0xffff  }
0x24: {  	v4 =	vld.idx.msk [tilespmem:v4+s3+$0x0], $0xffff  }
0x25: {  	v5 =	vld.idx.msk [tilespmem:v5+s3+$0x0], $0xffff  }
0x26: {  	v7 =	vld.idx.msk [tilespmem:v7+s3+$0x0], $0xffff  }
0x27: {  	v8 =	vld.idx.msk [tilespmem:v8+s3+$0x0], $0xffff  }
0x28: {  	v9 =	vld.idx.msk [tilespmem:v9+s3+$0x0], $0xffff;
	[tilespmem:s19+$0x84C8] =	vst v6  }
0x29: {  	[tilespmem:s19+$0x8548] =	vst v2  }
0x2a: {  	[tilespmem:s19+$0x85C8] =	vst v3  }
0x2b: {  	v62 =	vadd.s32 $0xF, v0;
	[tilespmem:s19+$0x8648] =	vst v4  }
0x2c: {  	v6 =	vadd.s32 $0xC, v0;
	[tilespmem:s19+$0x86C8] =	vst v5  }
0x2d: {  	v2 =	vadd.s32 $0x8, v0;
	[tilespmem:s19+$0x8748] =	vst v7  }
0x2e: {  	v3 =	vadd.s32 $0x9, v0;
	[tilespmem:s19+$0x87C8] =	vst v8  }
0x2f: {  	v4 =	vadd.s32 $0xA, v0;
	[tilespmem:s19+$0x8848] =	vst v9  }
0x30: {  	v5 =	vadd.s32 $0xB, v0;
	v9 =	vld.idx.msk [tilespmem:v62+s3+$0x0], $0xffff  }
0x31: {  	v7 =	vadd.s32 $0xD, v0;
	v6 =	vld.idx.msk [tilespmem:v6+s3+$0x0], $0xffff  }
0x32: {  	v8 =	vadd.s32 $0xE, v0;
	v2 =	vld.idx.msk [tilespmem:v2+s3+$0x0], $0xffff  }
0x33: {  	v3 =	vld.idx.msk [tilespmem:v3+s3+$0x0], $0xffff  }
0x34: {  	v4 =	vld.idx.msk [tilespmem:v4+s3+$0x0], $0xffff  }
0x35: {  	v5 =	vld.idx.msk [tilespmem:v5+s3+$0x0], $0xffff  }
0x36: {  	v7 =	vld.idx.msk [tilespmem:v7+s3+$0x0], $0xffff  }
0x37: {  	v8 =	vld.idx.msk [tilespmem:v8+s3+$0x0], $0xffff;
	[tilespmem:s19+$0x8C48] =	vst v9  }
0x38: {  	[tilespmem:s19+$0x8AC8] =	vst v6  }
0x39: {  	[tilespmem:s19+$0x88C8] =	vst v2  }
0x3a: {  	v6 =	vadd.s32 $0x14, v0;
	[tilespmem:s19+$0x8948] =	vst v3  }
0x3b: {  	[tilespmem:s19+$0x89C8] =	vst v4;
	v2 =	vadd.s32 $0x10, v0  }
0x3c: {  	[tilespmem:s19+$0x8A48] =	vst v5;
	v3 =	vadd.s32 $0x11, v0  }
0x3d: {  	[tilespmem:s19+$0x8B48] =	vst v7;
	v4 =	vadd.s32 $0x12, v0  }
0x3e: {  	[tilespmem:s19+$0x8BC8] =	vst v8;
	v5 =	vadd.s32 $0x13, v0  }
0x3f: {  	v8 =	vadd.s32 $0x16, v0;
	v6 =	vld.idx.msk [tilespmem:v6+s3+$0x0], $0xffff  }
0x40: {  	v7 =	vld.idx.msk [tilespmem:v2+s3+$0x0], $0xffff;
	v2 =	vadd.s32 $0x15, v0  }
0x41: {  	v63 =	vadd.s32 $0x17, v0;
	v3 =	vld.idx.msk [tilespmem:v3+s3+$0x0], $0xffff  }
0x42: {  	v4 =	vld.idx.msk [tilespmem:v4+s3+$0x0], $0xffff  }
0x43: {  	v5 =	vld.idx.msk [tilespmem:v5+s3+$0x0], $0xffff  }
0x44: {  	v8 =	vld.idx.msk [tilespmem:v8+s3+$0x0], $0xffff  }
0x45: {  	v10 =	vld.idx.msk [tilespmem:v2+s3+$0x0], $0xffff  }
0x46: {  	v2 =	vld.idx.msk [tilespmem:v63+s3+$0x0], $0xffff;
	[tilespmem:s19+$0x8CC8] =	vst v7  }
0x47: {  	[tilespmem:s19+$0x8D48] =	vst v3  }
0x48: {  	[tilespmem:s19+$0x8DC8] =	vst v4  }
0x49: {  	[tilespmem:s19+$0x8E48] =	vst v5;
	v5 =	vadd.s32 $0x18, v0  }
0x4a: {  	[tilespmem:s19+$0x8EC8] =	vst v6;
	v6 =	vadd.s32 $0x19, v0  }
0x4b: {  	v3 =	vadd.s32 $0x1A, v0;
	[tilespmem:s19+$0x8FC8] =	vst v8  }
0x4c: {  	s20 =	simm.s32 $0x40;
	v4 =	vadd.s32 $0x1B, v0;
	[tilespmem:s19+$0x8F48] =	vst v10  }
.LBB2_3:
0x4d: {  	p0 =	sne.s32 s20, $0x1C0;
	[tilespmem:s19+$0x9048] =	vst v2;
	v2 =	vadd.s32 $0x1C, v0  }
0x4e: {  	v7 =	vadd.s32 $0x1D, v0;
	v5 =	vld.idx.msk [tilespmem:v5+s3+$0x0], $0xffff  }
0x4f: {  	v8 =	vadd.s32 $0x1E, v0;
	v6 =	vld.idx.msk [tilespmem:v6+s3+$0x0], $0xffff  }
0x50: {  	v9 =	vadd.s32 $0x1F, v0;
	v3 =	vld.idx.msk [tilespmem:v3+s3+$0x0], $0xffff  }
0x51: {  	v4 =	vld.idx.msk [tilespmem:v4+s3+$0x0], $0xffff  }
0x52: {  	v2 =	vld.idx.msk [tilespmem:v2+s3+$0x0], $0xffff  }
0x53: {  	v7 =	vld.idx.msk [tilespmem:v7+s3+$0x0], $0xffff  }
0x54: {  	v8 =	vld.idx.msk [tilespmem:v8+s3+$0x0], $0xffff  }
0x55: {  	v9 =	vld.idx.msk [tilespmem:v9+s3+$0x0], $0xffff;
	[tilespmem:s19+$0x90C8] =	vst v5  }
0x56: {  	[tilespmem:s19+$0x9148] =	vst v6  }
0x57: {  	[tilespmem:s19+$0x91C8] =	vst v3  }
0x58: {  	v3 =	vadd.s32 $0x20, v0;
	[tilespmem:s19+$0x9248] =	vst v4  }
0x59: {  	[tilespmem:s19+$0x92C8] =	vst v2;
	v2 =	vadd.s32 $0x21, v0  }
0x5a: {  	v4 =	vadd.s32 $0x22, v0;
	[tilespmem:s19+$0x9348] =	vst v7  }
0x5b: {  	s21 =	sshra.s32 s20, $0x2;
	v5 =	vadd.s32 $0x23, v0;
	[tilespmem:s19+$0x93C8] =	vst v8  }
0x5c: {  	v7 =	vadd.s32 $0x24, v0;
	v6 =	vld.idx.msk [tilespmem:v1+s21+$0x0 ss:$0x1], $0xffff;
	[tilespmem:s19+$0x9448] =	vst v9  }
0x5d: {  	v8 =	vadd.s32 $0x25, v0;
	v3 =	vld.idx.msk [tilespmem:v3+s3+$0x0], $0xffff  }
0x5e: {  	v9 =	vadd.s32 $0x26, v0;
	v2 =	vld.idx.msk [tilespmem:v2+s3+$0x0], $0xffff  }
0x5f: {  	v10 =	vadd.s32 $0x27, v0;
	v4 =	vld.idx.msk [tilespmem:v4+s3+$0x0], $0xffff  }
0x60: {  	v5 =	vld.idx.msk [tilespmem:v5+s3+$0x0], $0xffff  }
0x61: {  	v7 =	vld.idx.msk [tilespmem:v7+s3+$0x0], $0xffff  }
0x62: {  	v8 =	vld.idx.msk [tilespmem:v8+s3+$0x0], $0xffff  }
0x63: {  	v9 =	vld.idx.msk [tilespmem:v9+s3+$0x0], $0xffff  }
0x64: {  	v10 =	vld.idx.msk [tilespmem:v10+s3+$0x0], $0xffff;
	[tilespmem:s19+$0x94C8] =	vst v3  }
0x65: {  	v3 =	vmul.u32 $0x41, v6;
	[tilespmem:s19+$0x9548] =	vst v2  }
0x66: {  	[tilespmem:s19+$0x95C8] =	vst v4  }
0x67: {  	v2 =	vadd.s32 $0x28, v0;
	[tilespmem:s19+$0x9648] =	vst v5  }
0x68: {  	v4 =	vadd.s32 $0x29, v0;
	[tilespmem:s19+$0x96C8] =	vst v7  }
0x69: {  	v5 =	vadd.s32 $0x2A, v0;
	[tilespmem:s19+$0x9748] =	vst v8  }
0x6a: {  	v6 =	vadd.s32 $0x2B, v0;
	[tilespmem:s19+$0x97C8] =	vst v9  }
0x6b: {  	v8 =	vadd.s32 $0x2C, v0;
	v7 =	vld.idx.msk [tilespmem:v3+s3+$0x0], $0xffff;
	[tilespmem:s19+$0x9848] =	vst v10  }
0x6c: {  	v9 =	vadd.s32 $0x2D, v0;
	v2 =	vld.idx.msk [tilespmem:v2+s3+$0x0], $0xffff  }
0x6d: {  	v10 =	vadd.s32 $0x2E, v0;
	v4 =	vld.idx.msk [tilespmem:v4+s3+$0x0], $0xffff  }
0x6e: {  	v11 =	vadd.s32 $0x2F, v0;
	v5 =	vld.idx.msk [tilespmem:v5+s3+$0x0], $0xffff  }
0x6f: {  	v12 =	vadd.s32 $0x1, v3;
	v6 =	vld.idx.msk [tilespmem:v6+s3+$0x0], $0xffff  }
0x70: {  	v13 =	vadd.s32 $0x2, v3;
	v8 =	vld.idx.msk [tilespmem:v8+s3+$0x0], $0xffff  }
0x71: {  	v14 =	vadd.s32 $0x3, v3;
	v9 =	vld.idx.msk [tilespmem:v9+s3+$0x0], $0xffff  }
0x72: {  	v15 =	vadd.s32 $0x4, v3;
	v10 =	vld.idx.msk [tilespmem:v10+s3+$0x0], $0xffff  }
0x73: {  	v16 =	vadd.s32 $0x5, v3;
	v11 =	vld.idx.msk [tilespmem:v11+s3+$0x0], $0xffff;
	[tilespmem:s19+$0x98C8] =	vst v2  }
0x74: {  	v2 =	vld.idx.msk [tilespmem:v12+s3+$0x0], $0xffff;
	v12 =	vadd.s32 $0x6, v3;
	[tilespmem:s19+$0x9948] =	vst v4  }
0x75: {  	v4 =	vld.idx.msk [tilespmem:v13+s3+$0x0], $0xffff;
	v13 =	vadd.s32 $0x7, v3;
	[tilespmem:s19+$0x99C8] =	vst v5  }
0x76: {  	v5 =	vld.idx.msk [tilespmem:v14+s3+$0x0], $0xffff;
	[tilespmem:s19+$0x9A48] =	vst v6;
	v6 =	vadd.s32 $0x30, v0  }
0x77: {  	v14 =	vld.idx.msk [tilespmem:v15+s3+$0x0], $0xffff;
	[tilespmem:s19+$0x9AC8] =	vst v8;
	v8 =	vadd.s32 $0x31, v0  }
0x78: {  	v15 =	vld.idx.msk [tilespmem:v16+s3+$0x0], $0xffff;
	[tilespmem:s19+$0x9B48] =	vst v9;
	v9 =	vadd.s32 $0x32, v0  }
0x79: {  	v12 =	vld.idx.msk [tilespmem:v12+s3+$0x0], $0xffff;
	[tilespmem:s19+$0x9BC8] =	vst v10;
	v10 =	vadd.s32 $0x33, v0  }
0x7a: {  	v13 =	vld.idx.msk [tilespmem:v13+s3+$0x0], $0xffff;
	[tilespmem:s19+$0x9C48] =	vst v11;
	v11 =	vadd.s32 $0x34, v0  }
0x7b: {  	v16 =	vadd.s32 $0x35, v0;
	v6 =	vld.idx.msk [tilespmem:v6+s3+$0x0], $0xffff  }
0x7c: {  	v17 =	vadd.s32 $0x36, v0;
	v8 =	vld.idx.msk [tilespmem:v8+s3+$0x0], $0xffff  }
0x7d: {  	v18 =	vadd.s32 $0x37, v0;
	v9 =	vld.idx.msk [tilespmem:v9+s3+$0x0], $0xffff  }
0x7e: {  	v10 =	vld.idx.msk [tilespmem:v10+s3+$0x0], $0xffff  }
0x7f: {  	v11 =	vld.idx.msk [tilespmem:v11+s3+$0x0], $0xffff  }
0x80: {  	v16 =	vld.idx.msk [tilespmem:v16+s3+$0x0], $0xffff  }
0x81: {  	[tilespmem:s21+$0x84C8] =	vst v7;
	v7 =	vld.idx.msk [tilespmem:v17+s3+$0x0], $0xffff  }
0x82: {  	v17 =	vld.idx.msk [tilespmem:v18+s3+$0x0], $0xffff;
	[tilespmem:s19+$0x9CC8] =	vst v6  }
0x83: {  	[tilespmem:s19+$0x9D48] =	vst v8  }
0x84: {  	[tilespmem:s19+$0x9DC8] =	vst v9  }
0x85: {  	v6 =	vadd.s32 $0x38, v0;
	[tilespmem:s19+$0x9E48] =	vst v10  }
0x86: {  	v8 =	vadd.s32 $0x3F, v0;
	[tilespmem:s19+$0x9EC8] =	vst v11  }
0x87: {  	v9 =	vadd.s32 $0x39, v0;
	[tilespmem:s19+$0x9F48] =	vst v16  }
0x88: {  	[tilespmem:s19+$0x9FC8] =	vst v7;
	v7 =	vadd.s32 $0x3A, v0  }
0x89: {  	v10 =	vadd.s32 $0x3B, v0;
	[tilespmem:s19+$0xA048] =	vst v17  }
0x8a: {  	[tilespmem:s21+$0x8548] =	vst v2;
	v2 =	vld.idx.msk [tilespmem:v6+s3+$0x0], $0xffff;
	v6 =	vadd.s32 $0x3C, v0  }
0x8b: {  	[tilespmem:s21+$0x85C8] =	vst v4;
	v4 =	vadd.s32 $0x3D, v0;
	v8 =	vld.idx.msk [tilespmem:v8+s3+$0x0], $0xffff  }
0x8c: {  	[tilespmem:s21+$0x8648] =	vst v5;
	v5 =	vld.idx.msk [tilespmem:v9+s3+$0x0], $0xffff;
	v9 =	vadd.s32 $0x3E, v0;
	v0 =	vmov v3  }
0x8d: {  	[tilespmem:s21+$0x86C8] =	vst v14;
	v3 =	vadd.s32 $0x8, v0;
	v7 =	vld.idx.msk [tilespmem:v7+s3+$0x0], $0xffff  }
0x8e: {  	v11 =	vadd.s32 $0x9, v0;
	[tilespmem:s21+$0x8748] =	vst v15;
	v10 =	vld.idx.msk [tilespmem:v10+s3+$0x0], $0xffff  }
0x8f: {  	[tilespmem:s21+$0x87C8] =	vst v12;
	v12 =	vadd.s32 $0xA, v0;
	v6 =	vld.idx.msk [tilespmem:v6+s3+$0x0], $0xffff  }
0x90: {  	[tilespmem:s21+$0x8848] =	vst v13;
	v13 =	vadd.s32 $0xB, v0;
	v4 =	vld.idx.msk [tilespmem:v4+s3+$0x0], $0xffff  }
0x91: {  	v14 =	vadd.s32 $0xC, v0;
	v9 =	vld.idx.msk [tilespmem:v9+s3+$0x0], $0xffff;
	[tilespmem:s19+$0xA448] =	vst v8  }
0x92: {  	v8 =	vadd.s32 $0xD, v0;
	v3 =	vld.idx.msk [tilespmem:v3+s3+$0x0], $0xffff;
	[tilespmem:s19+$0xA0C8] =	vst v2  }
0x93: {  	v2 =	vld.idx.msk [tilespmem:v11+s3+$0x0], $0xffff;
	v11 =	vadd.s32 $0xE, v0;
	[tilespmem:s19+$0xA148] =	vst v5  }
0x94: {  	v5 =	vld.idx.msk [tilespmem:v12+s3+$0x0], $0xffff;
	v12 =	vadd.s32 $0xF, v0;
	[tilespmem:s19+$0xA1C8] =	vst v7  }
0x95: {  	v7 =	vld.idx.msk [tilespmem:v13+s3+$0x0], $0xffff;
	[tilespmem:s19+$0xA248] =	vst v10  }
0x96: {  	v10 =	vld.idx.msk [tilespmem:v14+s3+$0x0], $0xffff;
	[tilespmem:s19+$0xA2C8] =	vst v6  }
0x97: {  	v6 =	vld.idx.msk [tilespmem:v8+s3+$0x0], $0xffff;
	[tilespmem:s19+$0xA348] =	vst v4  }
0x98: {  	v4 =	vld.idx.msk [tilespmem:v11+s3+$0x0], $0xffff;
	[tilespmem:s19+$0xA3C8] =	vst v9;
	s19 =	smov.u32 s21  }
0x99: {  	v8 =	vld.idx.msk [tilespmem:v12+s3+$0x0], $0xffff;
	[tilespmem:s19+$0x88C8] =	vst v3  }
0x9a: {  	[tilespmem:s19+$0x8948] =	vst v2  }
0x9b: {  	[tilespmem:s19+$0x89C8] =	vst v5  }
0x9c: {  	v2 =	vadd.s32 $0x10, v0;
	[tilespmem:s19+$0x8A48] =	vst v7  }
0x9d: {  	v3 =	vadd.s32 $0x11, v0;
	[tilespmem:s19+$0x8AC8] =	vst v10  }
0x9e: {  	v5 =	vadd.s32 $0x12, v0;
	[tilespmem:s19+$0x8B48] =	vst v6  }
0x9f: {  	[tilespmem:s19+$0x8BC8] =	vst v4;
	v4 =	vadd.s32 $0x13, v0  }
0xa0: {  	v6 =	vadd.s32 $0x14, v0;
	[tilespmem:s19+$0x8C48] =	vst v8  }
0xa1: {  	v7 =	vld.idx.msk [tilespmem:v2+s3+$0x0], $0xffff;
	v2 =	vadd.s32 $0x15, v0  }
0xa2: {  	v8 =	vadd.s32 $0x16, v0;
	v3 =	vld.idx.msk [tilespmem:v3+s3+$0x0], $0xffff  }
0xa3: {  	v9 =	vadd.s32 $0x17, v0;
	v5 =	vld.idx.msk [tilespmem:v5+s3+$0x0], $0xffff  }
0xa4: {  	v4 =	vld.idx.msk [tilespmem:v4+s3+$0x0], $0xffff  }
0xa5: {  	v6 =	vld.idx.msk [tilespmem:v6+s3+$0x0], $0xffff  }
0xa6: {  	v10 =	vld.idx.msk [tilespmem:v2+s3+$0x0], $0xffff  }
0xa7: {  	v8 =	vld.idx.msk [tilespmem:v8+s3+$0x0], $0xffff  }
0xa8: {  	v2 =	vld.idx.msk [tilespmem:v9+s3+$0x0], $0xffff;
	[tilespmem:s19+$0x8CC8] =	vst v7  }
0xa9: {  	[tilespmem:s19+$0x8D48] =	vst v3  }
.Ltmp0:
0xaa: {  	[tilespmem:s19+$0x8DC8] =	vst v5;
	(pc) =	sbr.rel @p0 .LBB2_3-.Ltmp0, $4  }
0xab: {  	v5 =	vadd.s32 $0x18, v0;
	[tilespmem:s19+$0x8E48] =	vst v4  }
0xac: {  	[tilespmem:s19+$0x8EC8] =	vst v6;
	v6 =	vadd.s32 $0x19, v0  }
0xad: {  	v3 =	vadd.s32 $0x1A, v0;
	[tilespmem:s19+$0x8F48] =	vst v10  }
0xae: {  	s20 =	sadd.s32 $0x40, s20;
	v4 =	vadd.s32 $0x1B, v0;
	[tilespmem:s19+$0x8FC8] =	vst v8  }
0xaf: {  	_ =	sdelay $0x2  }
0xb0: {  	[tilespmem:s19+$0x9048] =	vst v2;
	v1 =	vadd.s32 $0x1C, v0  }
0xb1: {  	v7 =	vadd.s32 $0x1E, v0;
	v2 =	vld.idx.msk [tilespmem:v5+s3+$0x0], $0xffff  }
0xb2: {  	v8 =	vadd.s32 $0x1F, v0;
	v6 =	vld.idx.msk [tilespmem:v6+s3+$0x0], $0xffff  }
0xb3: {  	v5 =	vadd.s32 $0x1D, v0;
	v3 =	vld.idx.msk [tilespmem:v3+s3+$0x0], $0xffff  }
0xb4: {  	v4 =	vld.idx.msk [tilespmem:v4+s3+$0x0], $0xffff  }
0xb5: {  	v1 =	vld.idx.msk [tilespmem:v1+s3+$0x0], $0xffff  }
0xb6: {  	v7 =	vld.idx.msk [tilespmem:v7+s3+$0x0], $0xffff  }
0xb7: {  	v8 =	vld.idx.msk [tilespmem:v8+s3+$0x0], $0xffff  }
0xb8: {  	v5 =	vld.idx.msk [tilespmem:v5+s3+$0x0], $0xffff;
	[tilespmem:s19+$0x90C8] =	vst v2  }
0xb9: {  	[tilespmem:s19+$0x9148] =	vst v6  }
0xba: {  	[tilespmem:s19+$0x91C8] =	vst v3  }
0xbb: {  	[tilespmem:s19+$0x9248] =	vst v4;
	v2 =	vadd.s32 $0x20, v0  }
0xbc: {  	v3 =	vadd.s32 $0x22, v0;
	[tilespmem:s19+$0x92C8] =	vst v1  }
0xbd: {  	v4 =	vadd.s32 $0x23, v0;
	[tilespmem:s19+$0x93C8] =	vst v7  }
0xbe: {  	v6 =	vadd.s32 $0x25, v0;
	[tilespmem:s19+$0x9448] =	vst v8  }
0xbf: {  	v1 =	vadd.s32 $0x21, v0;
	[tilespmem:s19+$0x9348] =	vst v5  }
0xc0: {  	v7 =	vadd.s32 $0x26, v0;
	v2 =	vld.idx.msk [tilespmem:v2+s3+$0x0], $0xffff  }
0xc1: {  	v8 =	vadd.s32 $0x27, v0;
	v3 =	vld.idx.msk [tilespmem:v3+s3+$0x0], $0xffff  }
0xc2: {  	v5 =	vadd.s32 $0x24, v0;
	v4 =	vld.idx.msk [tilespmem:v4+s3+$0x0], $0xffff  }
0xc3: {  	v6 =	vld.idx.msk [tilespmem:v6+s3+$0x0], $0xffff  }
0xc4: {  	v1 =	vld.idx.msk [tilespmem:v1+s3+$0x0], $0xffff  }
0xc5: {  	v7 =	vld.idx.msk [tilespmem:v7+s3+$0x0], $0xffff  }
0xc6: {  	v8 =	vld.idx.msk [tilespmem:v8+s3+$0x0], $0xffff  }
0xc7: {  	v5 =	vld.idx.msk [tilespmem:v5+s3+$0x0], $0xffff;
	[tilespmem:s19+$0x94C8] =	vst v2  }
0xc8: {  	[tilespmem:s19+$0x95C8] =	vst v3  }
0xc9: {  	[tilespmem:s19+$0x9648] =	vst v4  }
0xca: {  	v2 =	vadd.s32 $0x29, v0;
	[tilespmem:s19+$0x9748] =	vst v6  }
0xcb: {  	v3 =	vadd.s32 $0x2A, v0;
	[tilespmem:s19+$0x9548] =	vst v1  }
0xcc: {  	v4 =	vadd.s32 $0x2B, v0;
	[tilespmem:s19+$0x97C8] =	vst v7  }
0xcd: {  	v6 =	vadd.s32 $0x2D, v0;
	[tilespmem:s19+$0x9848] =	vst v8  }
0xce: {  	v1 =	vadd.s32 $0x28, v0;
	[tilespmem:s19+$0x96C8] =	vst v5  }
0xcf: {  	v7 =	vadd.s32 $0x2E, v0;
	v2 =	vld.idx.msk [tilespmem:v2+s3+$0x0], $0xffff  }
0xd0: {  	v8 =	vadd.s32 $0x2F, v0;
	v3 =	vld.idx.msk [tilespmem:v3+s3+$0x0], $0xffff  }
0xd1: {  	v5 =	vadd.s32 $0x2C, v0;
	v4 =	vld.idx.msk [tilespmem:v4+s3+$0x0], $0xffff  }
0xd2: {  	v6 =	vld.idx.msk [tilespmem:v6+s3+$0x0], $0xffff  }
0xd3: {  	v1 =	vld.idx.msk [tilespmem:v1+s3+$0x0], $0xffff  }
0xd4: {  	v7 =	vld.idx.msk [tilespmem:v7+s3+$0x0], $0xffff  }
0xd5: {  	v8 =	vld.idx.msk [tilespmem:v8+s3+$0x0], $0xffff  }
0xd6: {  	v5 =	vld.idx.msk [tilespmem:v5+s3+$0x0], $0xffff;
	[tilespmem:s19+$0x9948] =	vst v2  }
0xd7: {  	[tilespmem:s19+$0x99C8] =	vst v3  }
0xd8: {  	[tilespmem:s19+$0x9A48] =	vst v4  }
0xd9: {  	v2 =	vadd.s32 $0x31, v0;
	[tilespmem:s19+$0x9B48] =	vst v6  }
0xda: {  	v3 =	vadd.s32 $0x32, v0;
	[tilespmem:s19+$0x98C8] =	vst v1  }
0xdb: {  	v4 =	vadd.s32 $0x33, v0;
	[tilespmem:s19+$0x9BC8] =	vst v7  }
0xdc: {  	v6 =	vadd.s32 $0x35, v0;
	[tilespmem:s19+$0x9C48] =	vst v8  }
0xdd: {  	v1 =	vadd.s32 $0x30, v0;
	[tilespmem:s19+$0x9AC8] =	vst v5  }
0xde: {  	v7 =	vadd.s32 $0x36, v0;
	v2 =	vld.idx.msk [tilespmem:v2+s3+$0x0], $0xffff  }
0xdf: {  	v8 =	vadd.s32 $0x37, v0;
	v3 =	vld.idx.msk [tilespmem:v3+s3+$0x0], $0xffff  }
0xe0: {  	v5 =	vadd.s32 $0x34, v0;
	v4 =	vld.idx.msk [tilespmem:v4+s3+$0x0], $0xffff  }
0xe1: {  	v6 =	vld.idx.msk [tilespmem:v6+s3+$0x0], $0xffff  }
0xe2: {  	v1 =	vld.idx.msk [tilespmem:v1+s3+$0x0], $0xffff  }
0xe3: {  	v7 =	vld.idx.msk [tilespmem:v7+s3+$0x0], $0xffff  }
0xe4: {  	v8 =	vld.idx.msk [tilespmem:v8+s3+$0x0], $0xffff  }
0xe5: {  	v5 =	vld.idx.msk [tilespmem:v5+s3+$0x0], $0xffff;
	[tilespmem:s19+$0x9D48] =	vst v2  }
0xe6: {  	[tilespmem:s19+$0x9DC8] =	vst v3  }
0xe7: {  	[tilespmem:s19+$0x9E48] =	vst v4  }
0xe8: {  	v2 =	vadd.s32 $0x3F, v0;
	[tilespmem:s19+$0x9F48] =	vst v6  }
0xe9: {  	v3 =	vadd.s32 $0x39, v0;
	[tilespmem:s19+$0x9CC8] =	vst v1  }
0xea: {  	v4 =	vadd.s32 $0x3A, v0;
	[tilespmem:s19+$0x9FC8] =	vst v7  }
0xeb: {  	v6 =	vadd.s32 $0x3C, v0;
	[tilespmem:s19+$0xA048] =	vst v8  }
0xec: {  	v1 =	vadd.s32 $0x38, v0;
	[tilespmem:s19+$0x9EC8] =	vst v5  }
0xed: {  	v7 =	vadd.s32 $0x3D, v0;
	v2 =	vld.idx.msk [tilespmem:v2+s3+$0x0], $0xffff  }
0xee: {  	v5 =	vadd.s32 $0x3B, v0;
	v3 =	vld.idx.msk [tilespmem:v3+s3+$0x0], $0xffff  }
0xef: {  	v0 =	vadd.s32 $0x3E, v0;
	v4 =	vld.idx.msk [tilespmem:v4+s3+$0x0], $0xffff  }
0xf0: {  	v6 =	vld.idx.msk [tilespmem:v6+s3+$0x0], $0xffff  }
0xf1: {  	v1 =	vld.idx.msk [tilespmem:v1+s3+$0x0], $0xffff  }
0xf2: {  	v7 =	vld.idx.msk [tilespmem:v7+s3+$0x0], $0xffff  }
0xf3: {  	v5 =	vld.idx.msk [tilespmem:v5+s3+$0x0], $0xffff  }
0xf4: {  	v0 =	vld.idx.msk [tilespmem:v0+s3+$0x0], $0xffff;
	[tilespmem:s19+$0xA448] =	vst v2  }
0xf5: {  	[tilespmem:s19+$0xA148] =	vst v3  }
0xf6: {  	[tilespmem:s19+$0xA1C8] =	vst v4  }
0xf7: {  	[tilespmem:s19+$0xA2C8] =	vst v6  }
0xf8: {  	s20 =	sshll.u32 s18, $0x13;
	[tilespmem:s19+$0xA0C8] =	vst v1;
	v1 =	vmov s17  }
0xf9: {  	s20 =	sor.u32 s6, s20;
	[tilespmem:s19+$0xA348] =	vst v7  }
0xfa: {  	s20 =	sshrl.u32 s20, $0x3;
	[tilespmem:s19+$0xA248] =	vst v5  }
0xfb: {  	s31 =	sadd.s32 s2, s20;
	[tilespmem:s19+$0xA3C8] =	vst v0;
	s19 =	simm.s32 $0x0  }
0xfc: {  	[hbm4b:s31+s9] =	stream.strided.scatter [tilespmem:s11], [sflag:$0x1], $0x2000, s10, s9, $0x38;
	[tilespmem:$0xC4C8] =	vst v63  }
0xfd: {  	v0 =	vld.idx.msk [tilespmem:v1+s19+$0x0 ss:$0x1], $0xffff;
	_ =	sdelay $0x4  }
0xfe: {  	v0 =	vmul.u32 $0x41, v0;
	_ =	sdelay $0x1  }
0xff: {  	v2 =	vadd.s32 $0x1, v0  }
0x100: {  	v3 =	vadd.s32 $0x2, v0  }
0x101: {  	v4 =	vadd.s32 $0x3, v0  }
0x102: {  	v5 =	vadd.s32 $0x4, v0  }
0x103: {  	v7 =	vadd.s32 $0x5, v0;
	v6 =	vld.idx.msk [tilespmem:v0+s3+$0x0], $0xffff  }
0x104: {  	v8 =	vadd.s32 $0x6, v0;
	v2 =	vld.idx.msk [tilespmem:v2+s3+$0x0], $0xffff  }
0x105: {  	v9 =	vadd.s32 $0x7, v0;
	v3 =	vld.idx.msk [tilespmem:v3+s3+$0x0], $0xffff  }
0x106: {  	v4 =	vld.idx.msk [tilespmem:v4+s3+$0x0], $0xffff  }
0x107: {  	v5 =	vld.idx.msk [tilespmem:v5+s3+$0x0], $0xffff  }
0x108: {  	v7 =	vld.idx.msk [tilespmem:v7+s3+$0x0], $0xffff  }
0x109: {  	v8 =	vld.idx.msk [tilespmem:v8+s3+$0x0], $0xffff  }
0x10a: {  	v9 =	vld.idx.msk [tilespmem:v9+s3+$0x0], $0xffff;
	[tilespmem:s19+$0xA4C8] =	vst v6  }
0x10b: {  	[tilespmem:s19+$0xA548] =	vst v2  }
0x10c: {  	[tilespmem:s19+$0xA5C8] =	vst v3  }
0x10d: {  	v62 =	vadd.s32 $0xF, v0;
	[tilespmem:s19+$0xA648] =	vst v4  }
0x10e: {  	v6 =	vadd.s32 $0xC, v0;
	[tilespmem:s19+$0xA6C8] =	vst v5  }
0x10f: {  	v2 =	vadd.s32 $0x8, v0;
	[tilespmem:s19+$0xA748] =	vst v7  }
0x110: {  	v3 =	vadd.s32 $0x9, v0;
	[tilespmem:s19+$0xA7C8] =	vst v8  }
0x111: {  	v4 =	vadd.s32 $0xA, v0;
	[tilespmem:s19+$0xA848] =	vst v9  }
0x112: {  	v5 =	vadd.s32 $0xB, v0;
	v9 =	vld.idx.msk [tilespmem:v62+s3+$0x0], $0xffff  }
0x113: {  	v7 =	vadd.s32 $0xD, v0;
	v6 =	vld.idx.msk [tilespmem:v6+s3+$0x0], $0xffff  }
0x114: {  	v8 =	vadd.s32 $0xE, v0;
	v2 =	vld.idx.msk [tilespmem:v2+s3+$0x0], $0xffff  }
0x115: {  	v3 =	vld.idx.msk [tilespmem:v3+s3+$0x0], $0xffff  }
0x116: {  	v4 =	vld.idx.msk [tilespmem:v4+s3+$0x0], $0xffff  }
0x117: {  	v5 =	vld.idx.msk [tilespmem:v5+s3+$0x0], $0xffff  }
0x118: {  	v7 =	vld.idx.msk [tilespmem:v7+s3+$0x0], $0xffff  }
0x119: {  	v8 =	vld.idx.msk [tilespmem:v8+s3+$0x0], $0xffff;
	[tilespmem:s19+$0xAC48] =	vst v9  }
0x11a: {  	[tilespmem:s19+$0xAAC8] =	vst v6  }
0x11b: {  	[tilespmem:s19+$0xA8C8] =	vst v2  }
0x11c: {  	v6 =	vadd.s32 $0x14, v0;
	[tilespmem:s19+$0xA948] =	vst v3  }
0x11d: {  	[tilespmem:s19+$0xA9C8] =	vst v4;
	v2 =	vadd.s32 $0x10, v0  }
0x11e: {  	[tilespmem:s19+$0xAA48] =	vst v5;
	v3 =	vadd.s32 $0x11, v0  }
0x11f: {  	[tilespmem:s19+$0xAB48] =	vst v7;
	v4 =	vadd.s32 $0x12, v0  }
0x120: {  	[tilespmem:s19+$0xABC8] =	vst v8;
	v5 =	vadd.s32 $0x13, v0  }
0x121: {  	v8 =	vadd.s32 $0x16, v0;
	v6 =	vld.idx.msk [tilespmem:v6+s3+$0x0], $0xffff  }
0x122: {  	v7 =	vld.idx.msk [tilespmem:v2+s3+$0x0], $0xffff;
	v2 =	vadd.s32 $0x15, v0  }
0x123: {  	v63 =	vadd.s32 $0x17, v0;
	v3 =	vld.idx.msk [tilespmem:v3+s3+$0x0], $0xffff  }
0x124: {  	v4 =	vld.idx.msk [tilespmem:v4+s3+$0x0], $0xffff  }
0x125: {  	v5 =	vld.idx.msk [tilespmem:v5+s3+$0x0], $0xffff  }
0x126: {  	v8 =	vld.idx.msk [tilespmem:v8+s3+$0x0], $0xffff  }
0x127: {  	v10 =	vld.idx.msk [tilespmem:v2+s3+$0x0], $0xffff  }
0x128: {  	v2 =	vld.idx.msk [tilespmem:v63+s3+$0x0], $0xffff;
	[tilespmem:s19+$0xACC8] =	vst v7  }
0x129: {  	[tilespmem:s19+$0xAD48] =	vst v3  }
0x12a: {  	[tilespmem:s19+$0xADC8] =	vst v4  }
0x12b: {  	[tilespmem:s19+$0xAE48] =	vst v5;
	v3 =	vadd.s32 $0x18, v0  }
0x12c: {  	[tilespmem:s19+$0xAEC8] =	vst v6;
	v6 =	vadd.s32 $0x19, v0  }
0x12d: {  	v4 =	vadd.s32 $0x1A, v0;
	[tilespmem:s19+$0xAFC8] =	vst v8  }
0x12e: {  	s21 =	simm.s32 $0x40;
	s20 =	sshllo.u32 s18, $0x1;
	v5 =	vadd.s32 $0x1B, v0;
	[tilespmem:s19+$0xAF48] =	vst v10  }
.LBB2_5:
0x12f: {  	p0 =	sne.s32 s21, $0x1C0;
	[tilespmem:s19+$0xB048] =	vst v2;
	v2 =	vadd.s32 $0x1C, v0  }
0x130: {  	v7 =	vadd.s32 $0x1D, v0;
	v3 =	vld.idx.msk [tilespmem:v3+s3+$0x0], $0xffff  }
0x131: {  	v8 =	vadd.s32 $0x1E, v0;
	v6 =	vld.idx.msk [tilespmem:v6+s3+$0x0], $0xffff  }
0x132: {  	v9 =	vadd.s32 $0x1F, v0;
	v4 =	vld.idx.msk [tilespmem:v4+s3+$0x0], $0xffff  }
0x133: {  	v5 =	vld.idx.msk [tilespmem:v5+s3+$0x0], $0xffff  }
0x134: {  	v2 =	vld.idx.msk [tilespmem:v2+s3+$0x0], $0xffff  }
0x135: {  	v7 =	vld.idx.msk [tilespmem:v7+s3+$0x0], $0xffff  }
0x136: {  	v8 =	vld.idx.msk [tilespmem:v8+s3+$0x0], $0xffff  }
0x137: {  	v9 =	vld.idx.msk [tilespmem:v9+s3+$0x0], $0xffff;
	[tilespmem:s19+$0xB0C8] =	vst v3  }
0x138: {  	[tilespmem:s19+$0xB148] =	vst v6  }
0x139: {  	[tilespmem:s19+$0xB1C8] =	vst v4  }
0x13a: {  	v3 =	vadd.s32 $0x20, v0;
	[tilespmem:s19+$0xB248] =	vst v5  }
0x13b: {  	[tilespmem:s19+$0xB2C8] =	vst v2;
	v2 =	vadd.s32 $0x21, v0  }
0x13c: {  	v4 =	vadd.s32 $0x22, v0;
	[tilespmem:s19+$0xB348] =	vst v7  }
0x13d: {  	s22 =	sshra.s32 s21, $0x2;
	v5 =	vadd.s32 $0x23, v0;
	[tilespmem:s19+$0xB3C8] =	vst v8  }
0x13e: {  	v7 =	vadd.s32 $0x24, v0;
	v6 =	vld.idx.msk [tilespmem:v1+s22+$0x0 ss:$0x1], $0xffff;
	[tilespmem:s19+$0xB448] =	vst v9  }
0x13f: {  	v8 =	vadd.s32 $0x25, v0;
	v3 =	vld.idx.msk [tilespmem:v3+s3+$0x0], $0xffff  }
0x140: {  	v9 =	vadd.s32 $0x26, v0;
	v2 =	vld.idx.msk [tilespmem:v2+s3+$0x0], $0xffff  }
0x141: {  	v10 =	vadd.s32 $0x27, v0;
	v4 =	vld.idx.msk [tilespmem:v4+s3+$0x0], $0xffff  }
0x142: {  	v5 =	vld.idx.msk [tilespmem:v5+s3+$0x0], $0xffff  }
0x143: {  	v7 =	vld.idx.msk [tilespmem:v7+s3+$0x0], $0xffff  }
0x144: {  	v8 =	vld.idx.msk [tilespmem:v8+s3+$0x0], $0xffff  }
0x145: {  	v9 =	vld.idx.msk [tilespmem:v9+s3+$0x0], $0xffff  }
0x146: {  	v10 =	vld.idx.msk [tilespmem:v10+s3+$0x0], $0xffff;
	[tilespmem:s19+$0xB4C8] =	vst v3  }
0x147: {  	v3 =	vmul.u32 $0x41, v6;
	[tilespmem:s19+$0xB548] =	vst v2  }
0x148: {  	[tilespmem:s19+$0xB5C8] =	vst v4  }
0x149: {  	v2 =	vadd.s32 $0x28, v0;
	[tilespmem:s19+$0xB648] =	vst v5  }
0x14a: {  	v4 =	vadd.s32 $0x29, v0;
	[tilespmem:s19+$0xB6C8] =	vst v7  }
0x14b: {  	v5 =	vadd.s32 $0x2A, v0;
	[tilespmem:s19+$0xB748] =	vst v8  }
0x14c: {  	v6 =	vadd.s32 $0x2B, v0;
	[tilespmem:s19+$0xB7C8] =	vst v9  }
0x14d: {  	v8 =	vadd.s32 $0x2C, v0;
	v7 =	vld.idx.msk [tilespmem:v3+s3+$0x0], $0xffff;
	[tilespmem:s19+$0xB848] =	vst v10  }
0x14e: {  	v9 =	vadd.s32 $0x2D, v0;
	v2 =	vld.idx.msk [tilespmem:v2+s3+$0x0], $0xffff  }
0x14f: {  	v10 =	vadd.s32 $0x2E, v0;
	v4 =	vld.idx.msk [tilespmem:v4+s3+$0x0], $0xffff  }
0x150: {  	v11 =	vadd.s32 $0x2F, v0;
	v5 =	vld.idx.msk [tilespmem:v5+s3+$0x0], $0xffff  }
0x151: {  	v12 =	vadd.s32 $0x1, v3;
	v6 =	vld.idx.msk [tilespmem:v6+s3+$0x0], $0xffff  }
0x152: {  	v13 =	vadd.s32 $0x2, v3;
	v8 =	vld.idx.msk [tilespmem:v8+s3+$0x0], $0xffff  }
0x153: {  	v14 =	vadd.s32 $0x3, v3;
	v9 =	vld.idx.msk [tilespmem:v9+s3+$0x0], $0xffff  }
0x154: {  	v15 =	vadd.s32 $0x4, v3;
	v10 =	vld.idx.msk [tilespmem:v10+s3+$0x0], $0xffff  }
0x155: {  	v16 =	vadd.s32 $0x5, v3;
	v11 =	vld.idx.msk [tilespmem:v11+s3+$0x0], $0xffff;
	[tilespmem:s19+$0xB8C8] =	vst v2  }
0x156: {  	v2 =	vld.idx.msk [tilespmem:v12+s3+$0x0], $0xffff;
	v12 =	vadd.s32 $0x6, v3;
	[tilespmem:s19+$0xB948] =	vst v4  }
0x157: {  	v4 =	vld.idx.msk [tilespmem:v13+s3+$0x0], $0xffff;
	v13 =	vadd.s32 $0x7, v3;
	[tilespmem:s19+$0xB9C8] =	vst v5  }
0x158: {  	v5 =	vld.idx.msk [tilespmem:v14+s3+$0x0], $0xffff;
	[tilespmem:s19+$0xBA48] =	vst v6;
	v6 =	vadd.s32 $0x30, v0  }
0x159: {  	v14 =	vld.idx.msk [tilespmem:v15+s3+$0x0], $0xffff;
	[tilespmem:s19+$0xBAC8] =	vst v8;
	v8 =	vadd.s32 $0x31, v0  }
0x15a: {  	v15 =	vld.idx.msk [tilespmem:v16+s3+$0x0], $0xffff;
	[tilespmem:s19+$0xBB48] =	vst v9;
	v9 =	vadd.s32 $0x32, v0  }
0x15b: {  	v12 =	vld.idx.msk [tilespmem:v12+s3+$0x0], $0xffff;
	[tilespmem:s19+$0xBBC8] =	vst v10;
	v10 =	vadd.s32 $0x33, v0  }
0x15c: {  	v13 =	vld.idx.msk [tilespmem:v13+s3+$0x0], $0xffff;
	[tilespmem:s19+$0xBC48] =	vst v11;
	v11 =	vadd.s32 $0x34, v0  }
0x15d: {  	v16 =	vadd.s32 $0x35, v0;
	v6 =	vld.idx.msk [tilespmem:v6+s3+$0x0], $0xffff  }
0x15e: {  	v17 =	vadd.s32 $0x36, v0;
	v8 =	vld.idx.msk [tilespmem:v8+s3+$0x0], $0xffff  }
0x15f: {  	v18 =	vadd.s32 $0x37, v0;
	v9 =	vld.idx.msk [tilespmem:v9+s3+$0x0], $0xffff  }
0x160: {  	v10 =	vld.idx.msk [tilespmem:v10+s3+$0x0], $0xffff  }
0x161: {  	v11 =	vld.idx.msk [tilespmem:v11+s3+$0x0], $0xffff  }
0x162: {  	v16 =	vld.idx.msk [tilespmem:v16+s3+$0x0], $0xffff  }
0x163: {  	[tilespmem:s22+$0xA4C8] =	vst v7;
	v7 =	vld.idx.msk [tilespmem:v17+s3+$0x0], $0xffff  }
0x164: {  	v17 =	vld.idx.msk [tilespmem:v18+s3+$0x0], $0xffff;
	[tilespmem:s19+$0xBCC8] =	vst v6  }
0x165: {  	[tilespmem:s19+$0xBD48] =	vst v8  }
0x166: {  	[tilespmem:s19+$0xBDC8] =	vst v9  }
0x167: {  	v6 =	vadd.s32 $0x38, v0;
	[tilespmem:s19+$0xBE48] =	vst v10  }
0x168: {  	v8 =	vadd.s32 $0x3F, v0;
	[tilespmem:s19+$0xBEC8] =	vst v11  }
0x169: {  	v9 =	vadd.s32 $0x39, v0;
	[tilespmem:s19+$0xBF48] =	vst v16  }
0x16a: {  	[tilespmem:s19+$0xBFC8] =	vst v7;
	v7 =	vadd.s32 $0x3A, v0  }
0x16b: {  	v10 =	vadd.s32 $0x3B, v0;
	[tilespmem:s19+$0xC048] =	vst v17  }
0x16c: {  	[tilespmem:s22+$0xA548] =	vst v2;
	v2 =	vld.idx.msk [tilespmem:v6+s3+$0x0], $0xffff;
	v6 =	vadd.s32 $0x3C, v0  }
0x16d: {  	[tilespmem:s22+$0xA5C8] =	vst v4;
	v4 =	vadd.s32 $0x3D, v0;
	v8 =	vld.idx.msk [tilespmem:v8+s3+$0x0], $0xffff  }
0x16e: {  	[tilespmem:s22+$0xA648] =	vst v5;
	v5 =	vld.idx.msk [tilespmem:v9+s3+$0x0], $0xffff;
	v9 =	vadd.s32 $0x3E, v0;
	v0 =	vmov v3  }
0x16f: {  	[tilespmem:s22+$0xA6C8] =	vst v14;
	v3 =	vadd.s32 $0x8, v0;
	v7 =	vld.idx.msk [tilespmem:v7+s3+$0x0], $0xffff  }
0x170: {  	v11 =	vadd.s32 $0x9, v0;
	[tilespmem:s22+$0xA748] =	vst v15;
	v10 =	vld.idx.msk [tilespmem:v10+s3+$0x0], $0xffff  }
0x171: {  	[tilespmem:s22+$0xA7C8] =	vst v12;
	v12 =	vadd.s32 $0xA, v0;
	v6 =	vld.idx.msk [tilespmem:v6+s3+$0x0], $0xffff  }
0x172: {  	[tilespmem:s22+$0xA848] =	vst v13;
	v13 =	vadd.s32 $0xB, v0;
	v4 =	vld.idx.msk [tilespmem:v4+s3+$0x0], $0xffff  }
0x173: {  	v14 =	vadd.s32 $0xC, v0;
	v9 =	vld.idx.msk [tilespmem:v9+s3+$0x0], $0xffff;
	[tilespmem:s19+$0xC448] =	vst v8  }
0x174: {  	v8 =	vadd.s32 $0xD, v0;
	v3 =	vld.idx.msk [tilespmem:v3+s3+$0x0], $0xffff;
	[tilespmem:s19+$0xC0C8] =	vst v2  }
0x175: {  	v2 =	vld.idx.msk [tilespmem:v11+s3+$0x0], $0xffff;
	v11 =	vadd.s32 $0xE, v0;
	[tilespmem:s19+$0xC148] =	vst v5  }
0x176: {  	v5 =	vld.idx.msk [tilespmem:v12+s3+$0x0], $0xffff;
	v12 =	vadd.s32 $0xF, v0;
	[tilespmem:s19+$0xC1C8] =	vst v7  }
0x177: {  	v7 =	vld.idx.msk [tilespmem:v13+s3+$0x0], $0xffff;
	[tilespmem:s19+$0xC248] =	vst v10  }
0x178: {  	v10 =	vld.idx.msk [tilespmem:v14+s3+$0x0], $0xffff;
	[tilespmem:s19+$0xC2C8] =	vst v6  }
0x179: {  	v6 =	vld.idx.msk [tilespmem:v8+s3+$0x0], $0xffff;
	[tilespmem:s19+$0xC348] =	vst v4  }
0x17a: {  	v4 =	vld.idx.msk [tilespmem:v11+s3+$0x0], $0xffff;
	[tilespmem:s19+$0xC3C8] =	vst v9;
	s19 =	smov.u32 s22  }
0x17b: {  	v8 =	vld.idx.msk [tilespmem:v12+s3+$0x0], $0xffff;
	[tilespmem:s19+$0xA8C8] =	vst v3  }
0x17c: {  	[tilespmem:s19+$0xA948] =	vst v2  }
0x17d: {  	[tilespmem:s19+$0xA9C8] =	vst v5  }
0x17e: {  	v2 =	vadd.s32 $0x10, v0;
	[tilespmem:s19+$0xAA48] =	vst v7  }
0x17f: {  	v3 =	vadd.s32 $0x11, v0;
	[tilespmem:s19+$0xAAC8] =	vst v10  }
0x180: {  	v5 =	vadd.s32 $0x12, v0;
	[tilespmem:s19+$0xAB48] =	vst v6  }
0x181: {  	[tilespmem:s19+$0xABC8] =	vst v4;
	v4 =	vadd.s32 $0x13, v0  }
0x182: {  	v6 =	vadd.s32 $0x14, v0;
	[tilespmem:s19+$0xAC48] =	vst v8  }
0x183: {  	v7 =	vld.idx.msk [tilespmem:v2+s3+$0x0], $0xffff;
	v2 =	vadd.s32 $0x15, v0  }
0x184: {  	v8 =	vadd.s32 $0x16, v0;
	v3 =	vld.idx.msk [tilespmem:v3+s3+$0x0], $0xffff  }
0x185: {  	v9 =	vadd.s32 $0x17, v0;
	v5 =	vld.idx.msk [tilespmem:v5+s3+$0x0], $0xffff  }
0x186: {  	v4 =	vld.idx.msk [tilespmem:v4+s3+$0x0], $0xffff  }
0x187: {  	v6 =	vld.idx.msk [tilespmem:v6+s3+$0x0], $0xffff  }
0x188: {  	v10 =	vld.idx.msk [tilespmem:v2+s3+$0x0], $0xffff  }
0x189: {  	v8 =	vld.idx.msk [tilespmem:v8+s3+$0x0], $0xffff  }
0x18a: {  	v2 =	vld.idx.msk [tilespmem:v9+s3+$0x0], $0xffff;
	[tilespmem:s19+$0xACC8] =	vst v7  }
0x18b: {  	[tilespmem:s19+$0xAD48] =	vst v3  }
.Ltmp1:
0x18c: {  	[tilespmem:s19+$0xADC8] =	vst v5;
	(pc) =	sbr.rel @p0 .LBB2_5-.Ltmp1, $4  }
0x18d: {  	v3 =	vadd.s32 $0x18, v0;
	[tilespmem:s19+$0xAE48] =	vst v4  }
0x18e: {  	[tilespmem:s19+$0xAEC8] =	vst v6;
	v6 =	vadd.s32 $0x19, v0  }
0x18f: {  	v4 =	vadd.s32 $0x1A, v0;
	[tilespmem:s19+$0xAF48] =	vst v10  }
0x190: {  	s21 =	sadd.s32 $0x40, s21;
	v5 =	vadd.s32 $0x1B, v0;
	[tilespmem:s19+$0xAFC8] =	vst v8  }
0x191: {  	_ =	sdelay $0x2  }
0x192: {  	[tilespmem:s19+$0xB048] =	vst v2;
	v1 =	vadd.s32 $0x1C, v0  }
0x193: {  	v31 =	vadd.s32 $0x1D, v0;
	v2 =	vld.idx.msk [tilespmem:v3+s3+$0x0], $0xffff  }
0x194: {  	v7 =	vadd.s32 $0x1E, v0;
	v6 =	vld.idx.msk [tilespmem:v6+s3+$0x0], $0xffff  }
0x195: {  	v8 =	vadd.s32 $0x1F, v0;
	v4 =	vld.idx.msk [tilespmem:v4+s3+$0x0], $0xffff  }
0x196: {  	v5 =	vld.idx.msk [tilespmem:v5+s3+$0x0], $0xffff  }
0x197: {  	v1 =	vld.idx.msk [tilespmem:v1+s3+$0x0], $0xffff  }
0x198: {  	v3 =	vld.idx.msk [tilespmem:v31+s3+$0x0], $0xffff  }
0x199: {  	v7 =	vld.idx.msk [tilespmem:v7+s3+$0x0], $0xffff  }
0x19a: {  	v8 =	vld.idx.msk [tilespmem:v8+s3+$0x0], $0xffff;
	[tilespmem:s19+$0xB0C8] =	vst v2  }
0x19b: {  	[tilespmem:s19+$0xB148] =	vst v6  }
0x19c: {  	[tilespmem:s19+$0xB1C8] =	vst v4  }
0x19d: {  	v32 =	vadd.s32 $0x20, v0;
	[tilespmem:s19+$0xB248] =	vst v5  }
0x19e: {  	v33 =	vadd.s32 $0x21, v0;
	[tilespmem:s19+$0xB2C8] =	vst v1  }
0x19f: {  	v34 =	vadd.s32 $0x22, v0;
	[tilespmem:s19+$0xB348] =	vst v3  }
0x1a0: {  	v35 =	vadd.s32 $0x23, v0;
	[tilespmem:s19+$0xB3C8] =	vst v7  }
0x1a1: {  	v36 =	vadd.s32 $0x24, v0;
	[tilespmem:s19+$0xB448] =	vst v8  }
0x1a2: {  	v37 =	vadd.s32 $0x25, v0;
	v2 =	vld.idx.msk [tilespmem:v32+s3+$0x0], $0xffff  }
0x1a3: {  	v38 =	vadd.s32 $0x26, v0;
	v1 =	vld.idx.msk [tilespmem:v33+s3+$0x0], $0xffff  }
0x1a4: {  	v39 =	vadd.s32 $0x27, v0;
	v3 =	vld.idx.msk [tilespmem:v34+s3+$0x0], $0xffff  }
0x1a5: {  	v4 =	vld.idx.msk [tilespmem:v35+s3+$0x0], $0xffff  }
0x1a6: {  	v5 =	vld.idx.msk [tilespmem:v36+s3+$0x0], $0xffff  }
0x1a7: {  	v6 =	vld.idx.msk [tilespmem:v37+s3+$0x0], $0xffff  }
0x1a8: {  	v7 =	vld.idx.msk [tilespmem:v38+s3+$0x0], $0xffff  }
0x1a9: {  	v8 =	vld.idx.msk [tilespmem:v39+s3+$0x0], $0xffff;
	[tilespmem:s19+$0xB4C8] =	vst v2  }
0x1aa: {  	[tilespmem:s19+$0xB548] =	vst v1  }
0x1ab: {  	[tilespmem:s19+$0xB5C8] =	vst v3  }
0x1ac: {  	v40 =	vadd.s32 $0x28, v0;
	[tilespmem:s19+$0xB648] =	vst v4  }
0x1ad: {  	v41 =	vadd.s32 $0x29, v0;
	[tilespmem:s19+$0xB6C8] =	vst v5  }
0x1ae: {  	v42 =	vadd.s32 $0x2A, v0;
	[tilespmem:s19+$0xB748] =	vst v6  }
0x1af: {  	v43 =	vadd.s32 $0x2B, v0;
	[tilespmem:s19+$0xB7C8] =	vst v7  }
0x1b0: {  	v44 =	vadd.s32 $0x2C, v0;
	[tilespmem:s19+$0xB848] =	vst v8  }
0x1b1: {  	v45 =	vadd.s32 $0x2D, v0;
	v1 =	vld.idx.msk [tilespmem:v40+s3+$0x0], $0xffff  }
0x1b2: {  	v46 =	vadd.s32 $0x2E, v0;
	v2 =	vld.idx.msk [tilespmem:v41+s3+$0x0], $0xffff  }
0x1b3: {  	v47 =	vadd.s32 $0x2F, v0;
	v3 =	vld.idx.msk [tilespmem:v42+s3+$0x0], $0xffff  }
0x1b4: {  	v4 =	vld.idx.msk [tilespmem:v43+s3+$0x0], $0xffff  }
0x1b5: {  	v5 =	vld.idx.msk [tilespmem:v44+s3+$0x0], $0xffff  }
0x1b6: {  	v6 =	vld.idx.msk [tilespmem:v45+s3+$0x0], $0xffff  }
0x1b7: {  	v7 =	vld.idx.msk [tilespmem:v46+s3+$0x0], $0xffff  }
0x1b8: {  	v8 =	vld.idx.msk [tilespmem:v47+s3+$0x0], $0xffff;
	[tilespmem:s19+$0xB8C8] =	vst v1  }
0x1b9: {  	[tilespmem:s19+$0xB948] =	vst v2  }
0x1ba: {  	[tilespmem:s19+$0xB9C8] =	vst v3  }
0x1bb: {  	v48 =	vadd.s32 $0x30, v0;
	[tilespmem:s19+$0xBA48] =	vst v4  }
0x1bc: {  	v49 =	vadd.s32 $0x31, v0;
	[tilespmem:s19+$0xBAC8] =	vst v5  }
0x1bd: {  	v50 =	vadd.s32 $0x32, v0;
	[tilespmem:s19+$0xBB48] =	vst v6  }
0x1be: {  	v51 =	vadd.s32 $0x33, v0;
	[tilespmem:s19+$0xBBC8] =	vst v7  }
0x1bf: {  	v52 =	vadd.s32 $0x34, v0;
	[tilespmem:s19+$0xBC48] =	vst v8  }
0x1c0: {  	v53 =	vadd.s32 $0x35, v0;
	v1 =	vld.idx.msk [tilespmem:v48+s3+$0x0], $0xffff  }
0x1c1: {  	v54 =	vadd.s32 $0x36, v0;
	v2 =	vld.idx.msk [tilespmem:v49+s3+$0x0], $0xffff  }
0x1c2: {  	v55 =	vadd.s32 $0x37, v0;
	v3 =	vld.idx.msk [tilespmem:v50+s3+$0x0], $0xffff  }
0x1c3: {  	v4 =	vld.idx.msk [tilespmem:v51+s3+$0x0], $0xffff  }
0x1c4: {  	v5 =	vld.idx.msk [tilespmem:v52+s3+$0x0], $0xffff  }
0x1c5: {  	v6 =	vld.idx.msk [tilespmem:v53+s3+$0x0], $0xffff  }
0x1c6: {  	v7 =	vld.idx.msk [tilespmem:v54+s3+$0x0], $0xffff  }
0x1c7: {  	v8 =	vld.idx.msk [tilespmem:v55+s3+$0x0], $0xffff;
	[tilespmem:s19+$0xBCC8] =	vst v1  }
0x1c8: {  	[tilespmem:s19+$0xBD48] =	vst v2  }
0x1c9: {  	[tilespmem:s19+$0xBDC8] =	vst v3  }
0x1ca: {  	v56 =	vadd.s32 $0x38, v0;
	[tilespmem:s19+$0xBE48] =	vst v4  }
0x1cb: {  	v57 =	vadd.s32 $0x3F, v0;
	[tilespmem:s19+$0xBEC8] =	vst v5  }
0x1cc: {  	v58 =	vadd.s32 $0x39, v0;
	[tilespmem:s19+$0xBF48] =	vst v6  }
0x1cd: {  	v59 =	vadd.s32 $0x3A, v0;
	[tilespmem:s19+$0xBFC8] =	vst v7  }
0x1ce: {  	v60 =	vadd.s32 $0x3B, v0;
	[tilespmem:s19+$0xC048] =	vst v8  }
0x1cf: {  	v61 =	vadd.s32 $0x3C, v0;
	v1 =	vld.idx.msk [tilespmem:v56+s3+$0x0], $0xffff  }
0x1d0: {  	v62 =	vadd.s32 $0x3D, v0;
	v2 =	vld.idx.msk [tilespmem:v57+s3+$0x0], $0xffff  }
0x1d1: {  	v63 =	vadd.s32 $0x3E, v0;
	v3 =	vld.idx.msk [tilespmem:v58+s3+$0x0], $0xffff  }
0x1d2: {  	v4 =	vld.idx.msk [tilespmem:v59+s3+$0x0], $0xffff  }
0x1d3: {  	v5 =	vld.idx.msk [tilespmem:v60+s3+$0x0], $0xffff  }
0x1d4: {  	v6 =	vld.idx.msk [tilespmem:v61+s3+$0x0], $0xffff  }
0x1d5: {  	v7 =	vld.idx.msk [tilespmem:v62+s3+$0x0], $0xffff  }
0x1d6: {  	v0 =	vld.idx.msk [tilespmem:v63+s3+$0x0], $0xffff;
	[tilespmem:s19+$0xC448] =	vst v2  }
0x1d7: {  	[tilespmem:s19+$0xC0C8] =	vst v1  }
0x1d8: {  	s18 =	sadd.s32 $0x1, s18;
	[tilespmem:s19+$0xC148] =	vst v3  }
0x1d9: {  	p0 =	sne.s32 s18, $0x64;
	[tilespmem:s19+$0xC1C8] =	vst v4  }
.Ltmp2:
0x1da: {  	s20 =	sshll.u32 s20, $0x12;
	[tilespmem:s19+$0xC248] =	vst v5;
	(pc) =	sbr.rel @p0 .LBB2_2-.Ltmp2, $4  }
0x1db: {  	s20 =	sor.u32 s6, s20;
	[tilespmem:s19+$0xC2C8] =	vst v6  }
0x1dc: {  	s20 =	sshrl.u32 s20, $0x3;
	[tilespmem:s19+$0xC348] =	vst v7  }
0x1dd: {  	s16 =	sadd.s32 $0x100, s16;
	s17 =	sadd.s32 $0x100, s17;
	s31 =	sadd.s32 s2, s20;
	[tilespmem:s19+$0xC3C8] =	vst v0  }
0x1de: {  	[hbm4b:s31+s9] =	stream.strided.scatter [tilespmem:s12], [sflag:$0x2], $0x2000, s10, s9, $0x38;
	[tilespmem:$0xC4C8] =	vst v63  }
0x1df: {  	s15 =	sadd.s32 $0x1, s15  }
0x1e0: {  	_ =	swait.ge [sflag:s13], $0x2000;
	p0 =	sne.s32 s15, s7  }
.Ltmp3:
0x1e1: {  	[sflag:s13] =	ssyncset.done $0x0;
	(pc) =	sbr.rel @p0 .LBB2_1-.Ltmp3, $4  }
0x1e2: {  	[sflag:s13] =	ssyncadd.s32 $0xFFFFE000  }
0x1e3: {  	_ =	swait.ge [sflag:s14], $0x2000  }
0x1e4: {  	[sflag:s14] =	ssyncset.done $0x0  }
0x1e5: {  	[sflag:s14] =	ssyncadd.s32 $0xFFFFE000  }
0x1e6: {  	_ =	sfence.sel $0x180000  }
0x1e7: {  	[bflag:$0x0] =	sbarrier.arrive $0xFFFF  }
0x1e8: {  	p0 =	sne.s32 s0, $0x0;
	_ =	strace $0x90000047  }
0x1e9: {  	s0 =	sadd.s32 @!p0 $0x100000, s1;
	[bflag:$0x2] =	sbarrier.arrive $0xFFFF  }
0x1ea: {  	[sflag:s0] =	ssyncadd.tile.s32 @!p0 $0x1;
	_ =	shalt  }
.Lfunc_end2:
_tile_overlayer_lowered:
.L_overlay_start_2:
0x1eb: {  	(tag) =	ssettag $0x2  }
0x1ec: {  	s0 =	rddreg [dreg:$0x0];
	s2 =	stileid.u32  }
0x1ed: {  	s1 =	rddreg [dreg:$0x1];
	p0 =	sne.s32 s2, $0x0  }
0x1ee: {  	s3 =	rddreg [dreg:$0x2];
	[bflag:$0x3] =	sbarrier.arrive $0xFFFF;
	s2 =	simm.s32 @!p0 $0x1C03  }
0x1ef: {  	[timem:s3], [sflag:s2] =	dma.local @!p0 [hbm:s0], s1  }
0x1f0: {  	s0 =	simm.s32 @!p0 $0x3  }
0x1f1: {  	_ =	swait.ge @!p0 [sflag:s0], s1  }
0x1f2: {  	s1 =	ssub.s32 @!p0 $0x0, s1;
	[sflag:s0] =	ssyncset.done @!p0 $0x0  }
0x1f3: {  	[sflag:s0] =	ssyncadd.s32 @!p0 s1  }
0x1f4: {  	[bflag:$0x3] =	sbarrier.arrive $0xFFFF  }
0x1f5: {  	_ =	shalt  }

</sc_bundles>
